<compile_context>
chip_gen: v7x
topology: tpu7x:2x2x1
jax: 0.10.2.dev20260603
libtpu: 0.0.44.dev20260713+nightly
codegen_flags: <defaults>
</compile_context>

<pallas_src>
import jax
import jax.numpy as jnp
from jax import lax
from jax.experimental import pallas as pl
from jax.experimental.pallas import tpu as pltpu
from jax.experimental.pallas import tpu_sc as plsc

N = 10000
E = 320000
D = 128

NC = 2
NS = 16
NW = NC * NS

N_PAD = 10240
ROWS_PER_TILE = N_PAD // NS
CHUNK = 128
N_CHUNKS = ((-(-E // (NW * CHUNK)) + 1) // 2) * 2
PER_W = N_CHUNKS * CHUNK
E_PAD = PER_W * NW

_mesh = plsc.VectorSubcoreMesh(core_axis_name="c", subcore_axis_name="s")


def _seg_sum(table, src, dst3, onesz):

    def body(table, src, dst3, onesz, out,
             acc, dst_v, rows0, rows1, s0, s1, g0, g1, l0, l1):
        c = lax.axis_index("c")
        s = lax.axis_index("s")
        wid = s * NC + c
        r0 = s * ROWS_PER_TILE
        base0 = wid * PER_W

        pltpu.sync_copy(dst3.at[wid], dst_v)

        pltpu.sync_copy(onesz.at[pl.ds(CHUNK, CHUNK)], rows0)
        for k in range(ROWS_PER_TILE // CHUNK):
            pltpu.sync_copy(rows0, acc.at[pl.ds(r0 + k * CHUNK, CHUNK)])
        plsc.subcore_barrier()

        def load_src(i, buf, sem):
            pltpu.async_copy(src.at[pl.ds(base0 + i * CHUNK, CHUNK)], buf, sem)

        def wait_src(buf, sem):
            pltpu.make_async_copy(src.at[pl.ds(base0, CHUNK)], buf, sem).wait()

        def gather(sbuf, rows, sem):
            pltpu.async_copy(table.at[sbuf], rows, sem)

        def scatter(i, rows, sem):
            pltpu.make_async_copy(table.at[s0], rows, sem).wait()
            pltpu.sync_copy(rows, acc.at[dst_v.at[i]], add=True)

        pltpu.sync_copy(src.at[pl.ds(base0, CHUNK)], s0)
        gather(s0, rows0, g0)
        load_src(1, s1, l1)

        @pl.loop(0, N_CHUNKS - 2, step=2)
        def pipe(i):
            wait_src(s1, l1)
            gather(s1, rows1, g1)
            load_src(i + 2, s0, l0)
            scatter(i, rows0, g0)
            wait_src(s0, l0)
            gather(s0, rows0, g0)
            load_src(i + 3, s1, l1)
            scatter(i + 1, rows1, g1)
        wait_src(s1, l1)
        gather(s1, rows1, g1)
        scatter(N_CHUNKS - 2, rows0, g0)
        scatter(N_CHUNKS - 1, rows1, g1)
        plsc.subcore_barrier()

        for k in range(ROWS_PER_TILE // CHUNK):
            pltpu.sync_copy(acc.at[pl.ds(r0 + k * CHUNK, CHUNK)], rows0)
            pltpu.sync_copy(rows0, out.at[c, pl.ds(r0 + k * CHUNK, CHUNK)])

    return pl.kernel(
        body,
        out_type=jax.ShapeDtypeStruct((NC, N_PAD, D), jnp.float32),
        mesh=_mesh,
        scratch_types=[
            pltpu.VMEM_SHARED((N_PAD, D), jnp.float32),
            pltpu.VMEM((N_CHUNKS, CHUNK), jnp.int32),
            pltpu.VMEM((CHUNK, D), jnp.float32),
            pltpu.VMEM((CHUNK, D), jnp.float32),
            pltpu.VMEM((CHUNK,), jnp.int32),
            pltpu.VMEM((CHUNK,), jnp.int32),
            pltpu.SemaphoreType.DMA,
            pltpu.SemaphoreType.DMA,
            pltpu.SemaphoreType.DMA,
            pltpu.SemaphoreType.DMA,
        ],
    )(table, src, dst3, onesz)


DW = 128


def _deg_sum(dst3, onesz32):

    def body(dst3, onesz32, out, acc, dst_v, ones_v, rows_v, sem0, sem1):
        c = lax.axis_index("c")
        s = lax.axis_index("s")
        wid = s * NC + c
        r0 = s * ROWS_PER_TILE

        pltpu.sync_copy(dst3.at[wid], dst_v)
        pltpu.sync_copy(onesz32.at[pl.ds(CHUNK, CHUNK)], rows_v)
        for k in range(ROWS_PER_TILE // CHUNK):
            pltpu.sync_copy(rows_v, acc.at[pl.ds(r0 + k * CHUNK, CHUNK)])
        pltpu.sync_copy(onesz32.at[pl.ds(0, CHUNK)], ones_v)
        plsc.subcore_barrier()

        def start(i, sem):
            pltpu.async_copy(ones_v, acc.at[dst_v.at[i]], sem, add=True)

        def drain(sem):
            pltpu.make_async_copy(ones_v, acc.at[dst_v.at[0]], sem).wait()

        start(0, sem0)
        start(1, sem1)
        start(2, sem0)
        start(3, sem1)

        @pl.loop(0, N_CHUNKS - 4, step=2)
        def pipe(i):
            drain(sem0)
            start(i + 4, sem0)
            drain(sem1)
            start(i + 5, sem1)
        drain(sem0)
        drain(sem1)
        drain(sem0)
        drain(sem1)
        plsc.subcore_barrier()

        for k in range(ROWS_PER_TILE // CHUNK):
            pltpu.sync_copy(acc.at[pl.ds(r0 + k * CHUNK, CHUNK)], rows_v)
            pltpu.sync_copy(rows_v, out.at[c, pl.ds(r0 + k * CHUNK, CHUNK)])

    return pl.kernel(
        body,
        out_type=jax.ShapeDtypeStruct((NC, N_PAD, DW), jnp.float32),
        mesh=_mesh,
        scratch_types=[
            pltpu.VMEM_SHARED((N_PAD, DW), jnp.float32),
            pltpu.VMEM((N_CHUNKS, CHUNK), jnp.int32),
            pltpu.VMEM((CHUNK, DW), jnp.float32),
            pltpu.VMEM((CHUNK, DW), jnp.float32),
            pltpu.SemaphoreType.DMA,
            pltpu.SemaphoreType.DMA,
        ],
    )(dst3, onesz32)


BLK = 400


def _tc_layer(parts, degparts, xin, WlT, bl, WrT):
    def body(p_ref, dg_ref, x_ref, wl_ref, bl_ref, wr_ref, o_ref):
        agg = p_ref[0] + p_ref[1]
        deg = dg_ref[0, :, 0:1] + dg_ref[1, :, 0:1]
        mean = agg / jnp.maximum(deg, 1.0)
        h = (jnp.dot(mean, wl_ref[...], preferred_element_type=jnp.float32)
             + bl_ref[...]
             + jnp.dot(x_ref[...], wr_ref[...], preferred_element_type=jnp.float32))
        o_ref[...] = jnp.maximum(h, 0.0)

    return pl.pallas_call(
        body,
        grid=(N // BLK,),
        in_specs=[
            pl.BlockSpec((2, BLK, D), lambda i: (0, i, 0)),
            pl.BlockSpec((2, BLK, DW), lambda i: (0, i, 0)),
            pl.BlockSpec((BLK, D), lambda i: (i, 0)),
            pl.BlockSpec((D, D), lambda i: (0, 0)),
            pl.BlockSpec((1, D), lambda i: (0, 0)),
            pl.BlockSpec((D, D), lambda i: (0, 0)),
        ],
        out_specs=pl.BlockSpec((BLK, D), lambda i: (i, 0)),
        out_shape=jax.ShapeDtypeStruct((N, D), jnp.float32),
    )(parts, degparts, xin, WlT, bl, WrT)


def _tc_layer2_heads(parts, degparts, hin, WlT, bl, WrT, WpT, bp, WdT, bd):
    def body(p_ref, dg_ref, h_ref, wl_ref, bl_ref, wr_ref,
             wp_ref, bp_ref, wd_ref, bd_ref, lo_ref, up_ref):
        agg = p_ref[0] + p_ref[1]
        deg = dg_ref[0, :, 0:1] + dg_ref[1, :, 0:1]
        mean = agg / jnp.maximum(deg, 1.0)
        h2 = (jnp.dot(mean, wl_ref[...], preferred_element_type=jnp.float32)
              + bl_ref[...]
              + jnp.dot(h_ref[...], wr_ref[...], preferred_element_type=jnp.float32))
        h2 = jnp.maximum(h2, 0.0)
        p = jnp.dot(h2, wp_ref[...], preferred_element_type=jnp.float32) + bp_ref[...]
        dz = jnp.dot(h2, wd_ref[...], preferred_element_type=jnp.float32) + bd_ref[...]
        sg = 1.0 / (1.0 + jnp.exp(-dz))
        lo_ref[...] = p - sg
        up_ref[...] = p + sg

    return pl.pallas_call(
        body,
        grid=(N // BLK,),
        in_specs=[
            pl.BlockSpec((2, BLK, D), lambda i: (0, i, 0)),
            pl.BlockSpec((2, BLK, DW), lambda i: (0, i, 0)),
            pl.BlockSpec((BLK, D), lambda i: (i, 0)),
            pl.BlockSpec((D, D), lambda i: (0, 0)),
            pl.BlockSpec((1, D), lambda i: (0, 0)),
            pl.BlockSpec((D, D), lambda i: (0, 0)),
            pl.BlockSpec((D, 1), lambda i: (0, 0)),
            pl.BlockSpec((1, 1), lambda i: (0, 0)),
            pl.BlockSpec((D, 1), lambda i: (0, 0)),
            pl.BlockSpec((1, 1), lambda i: (0, 0)),
        ],
        out_specs=[
            pl.BlockSpec((BLK, 1), lambda i: (i, 0)),
            pl.BlockSpec((BLK, 1), lambda i: (i, 0)),
        ],
        out_shape=[
            jax.ShapeDtypeStruct((N, 1), jnp.float32),
            jax.ShapeDtypeStruct((N, 1), jnp.float32),
        ],
    )(parts, degparts, hin, WlT, bl, WrT, WpT, bp, WdT, bd)


def kernel(x, edge_index, W1l, b1l, W1r, W2l, b2l, W2r, Wp, bp, Wd, bd):
    src = edge_index[0]
    dst = edge_index[1]
    pad_n = E_PAD - E
    pad_ids = jnp.arange(pad_n, dtype=jnp.int32)
    src_p = jnp.concatenate([src, pad_ids % N])
    dst_p = jnp.concatenate([dst, N + pad_ids % (N_PAD - N)])
    dst3 = dst_p.reshape(NW, N_CHUNKS, CHUNK)
    onesz = jnp.concatenate([jnp.ones((CHUNK, D), jnp.float32),
                             jnp.zeros((CHUNK, D), jnp.float32)])
    onesz32 = jnp.concatenate([jnp.ones((CHUNK, DW), jnp.float32),
                               jnp.zeros((CHUNK, DW), jnp.float32)])

    degp = _deg_sum(dst3, onesz32)
    parts1 = _seg_sum(x, src_p, dst3, onesz)
    h1 = _tc_layer(parts1, degp, x, W1l.T, b1l.reshape(1, D), W1r.T)
    parts2 = _seg_sum(h1, src_p, dst3, onesz)
    lo, up = _tc_layer2_heads(parts2, degp, h1, W2l.T, b2l.reshape(1, D),
                              W2r.T, Wp.T, bp.reshape(1, 1),
                              Wd.T, bd.reshape(1, 1))
    return lo, up

# --- scband reference (transcript-rebuilt; emitter-appended) ---
"""Pipeline reference for scband-gqnn-29025388986760 (READ-ONLY COPY).

The authoritative reference and input builder live on the scoring server;
editing this copy changes nothing except your own understanding.
"""

import jax, jax.numpy as jnp
import numpy as np

N = 10000
E = 320000
D = 128
H = 128


def _init_linear(key, out_f, in_f):
    k1, k2 = jax.random.split(key)
    bound = 1.0 / np.sqrt(in_f)
    W = jax.random.uniform(k1, (out_f, in_f), dtype=jnp.float32, minval=-bound, maxval=bound)
    b = jax.random.uniform(k2, (out_f,), dtype=jnp.float32, minval=-bound, maxval=bound)
    return W, b


def setup_inputs(seed: int = 0) -> dict:
    key = jax.random.key(seed)
    ks = jax.random.split(key, 8)
    inp = {}
    inp["x"] = jax.random.normal(ks[0], (N, D), dtype=jnp.float32)
    inp["edge_index"] = jax.random.randint(ks[1], (2, E), 0, N, dtype=jnp.int32)
    # SAGEConv1: lin_l (applied to aggregated neighbors, has bias), lin_r (root, no bias)
    W1l, b1l = _init_linear(ks[2], H, D)
    W1r, _ = _init_linear(ks[3], H, D)
    # SAGEConv2
    W2l, b2l = _init_linear(ks[4], H, H)
    W2r, _ = _init_linear(ks[5], H, H)
    # output heads
    Wp, bp = _init_linear(ks[6], 1, H)
    Wd, bd = _init_linear(ks[7], 1, H)
    inp.update({"W1l": W1l, "b1l": b1l, "W1r": W1r, "W2l": W2l, "b2l": b2l, "W2r": W2r, "Wp": Wp, "bp": bp, "Wd": Wd, "bd": bd})
    return inp


def _sage_conv(x, edge_index, Wl, bl, Wr):
    src = edge_index[0]
    dst = edge_index[1]
    n = x.shape[0]
    msgs = jnp.take(x, src, axis=0)
    agg = jax.ops.segment_sum(msgs, dst, num_segments=n)
    deg = jax.ops.segment_sum(jnp.ones((edge_index.shape[1],), dtype=x.dtype), dst, num_segments=n)
    mean_agg = agg / jnp.clip(deg, 1.0)[:, None]
    return mean_agg @ Wl.T + bl + x @ Wr.T


def reference(x, edge_index, W1l, b1l, W1r, W2l, b2l, W2r, Wp, bp, Wd, bd):
    h = jax.nn.relu(_sage_conv(x, edge_index, W1l, b1l, W1r))
    h = jax.nn.relu(_sage_conv(h, edge_index, W2l, b2l, W2r))
    preds = h @ Wp.T + bp
    diffs = jax.nn.sigmoid(h @ Wd.T + bd)
    pred_low = preds - diffs
    pred_upper = preds + diffs
    return (pred_low, pred_upper)

if __name__ == "__main__":
    import jax
    _d = setup_inputs()
    print(jax.jit(kernel)(*tuple(_d.values())))

</pallas_src>

<mosaic_0001>
#map = affine_map<(d0, d1) -> (0, 0, 0)>
#map1 = affine_map<(d0, d1) -> (0, 0)>
module attributes {stable_mosaic.version = 14 : i64} {
  func.func @body(%arg0: i32, %arg1: i32, %arg2: memref<32x80x128xi32, #tpu.memory_space<hbm>>, %arg3: memref<256x128xf32, #tpu.memory_space<hbm>>, %arg4: memref<2x10240x128xf32, #tpu.memory_space<hbm>>, %arg5: memref<10240x128xf32, #tpu.memory_space<vmem_shared>>, %arg6: memref<80x128xi32, #tpu.memory_space<vmem>>, %arg7: memref<128x128xf32, #tpu.memory_space<vmem>>, %arg8: memref<128x128xf32, #tpu.memory_space<vmem>>, %arg9: memref<!tpu.dma_semaphore, #tpu.memory_space<semaphore_mem>>, %arg10: memref<!tpu.dma_semaphore, #tpu.memory_space<semaphore_mem>>) attributes {dimension_semantics = [#tpu.dimension_semantics<core_parallel>, #tpu.dimension_semantics<subcore_parallel>], iteration_bounds = array<i64: 2, 16>, scalar_prefetch = 0 : i64, scratch_operands = 6 : i64, tpu.core_type = #tpu.core_type<sc_vector_subcore>, window_params = [{transform_indices = #map}, {transform_indices = #map1}, {transform_indices = #map}]} {
    %mul3A = arith.constant 2 : i32
    %mul3A_0 = arith.muli %arg1, %mul3A : i32
    %add3A = arith.addi %mul3A_0, %arg0 : i32
    %mul3A_1 = arith.constant 640 : i32
    %mul3A_2 = arith.muli %arg1, %mul3A_1 : i32
    "tpu.region"() ({
      %run_scoped3A = tpu.sem_alloc : memref<!tpu.dma_semaphore, #tpu.memory_space<semaphore_mem>>
      %dma_start3A_92 = arith.constant 0 : i32
      %dma_start3A_93 = arith.constant 0 : i32
      %dma_start3A_94 = tpu.memref_slice %arg2[%add3A, %dma_start3A_92, %dma_start3A_93] : memref<32x80x128xi32, #tpu.memory_space<hbm>> -> memref<1x80x128xi32, #tpu.memory_space<hbm>>
      %dma_start3A_95 = tpu.memref_squeeze %dma_start3A_94 : memref<1x80x128xi32, #tpu.memory_space<hbm>> -> memref<80x128xi32, #tpu.memory_space<hbm>>
      %dma_start3A_96 = arith.constant 0 : i32
      %dma_start3A_97 = arith.constant 0 : i32
      %dma_start3A_98 = tpu.memref_slice %arg2[%add3A, %dma_start3A_96, %dma_start3A_97] : memref<32x80x128xi32, #tpu.memory_space<hbm>> -> memref<1x80x128xi32, #tpu.memory_space<hbm>>
      %dma_start3A_99 = tpu.memref_squeeze %dma_start3A_98 : memref<1x80x128xi32, #tpu.memory_space<hbm>> -> memref<80x128xi32, #tpu.memory_space<hbm>>
      tpu.enqueue_dma source(%dma_start3A_99 : memref<80x128xi32, #tpu.memory_space<hbm>>) target(%arg6 : memref<80x128xi32, #tpu.memory_space<vmem>>) target_semaphore(%run_scoped3A : memref<!tpu.dma_semaphore, #tpu.memory_space<semaphore_mem>>)
      %dma_wait3A_100 = arith.constant 0 : i32
      %dma_wait3A_101 = arith.constant 0 : i32
      %dma_wait3A_102 = tpu.memref_slice %arg2[%add3A, %dma_wait3A_100, %dma_wait3A_101] : memref<32x80x128xi32, #tpu.memory_space<hbm>> -> memref<1x80x128xi32, #tpu.memory_space<hbm>>
      %dma_wait3A_103 = tpu.memref_squeeze %dma_wait3A_102 : memref<1x80x128xi32, #tpu.memory_space<hbm>> -> memref<80x128xi32, #tpu.memory_space<hbm>>
      %dma_wait3A_104 = arith.constant 0 : i32
      %dma_wait3A_105 = arith.constant 0 : i32
      %dma_wait3A_106 = tpu.memref_slice %arg2[%add3A, %dma_wait3A_104, %dma_wait3A_105] : memref<32x80x128xi32, #tpu.memory_space<hbm>> -> memref<1x80x128xi32, #tpu.memory_space<hbm>>
      %dma_wait3A_107 = tpu.memref_squeeze %dma_wait3A_106 : memref<1x80x128xi32, #tpu.memory_space<hbm>> -> memref<80x128xi32, #tpu.memory_space<hbm>>
      tpu.wait_dma2 semaphore(%run_scoped3A : memref<!tpu.dma_semaphore, #tpu.memory_space<semaphore_mem>>) src(%dma_wait3A_107 : memref<80x128xi32, #tpu.memory_space<hbm>>) dst(%arg6 : memref<80x128xi32, #tpu.memory_space<vmem>>)
      tpu.yield
    }) : () -> ()
    "tpu.region"() ({
      %run_scoped3A = tpu.sem_alloc : memref<!tpu.dma_semaphore, #tpu.memory_space<semaphore_mem>>
      %dma_start3A_92 = arith.constant 128 : i32
      %dma_start3A_93 = arith.constant 0 : i32
      %dma_start3A_94 = tpu.memref_slice %arg3[%dma_start3A_92, %dma_start3A_93] : memref<256x128xf32, #tpu.memory_space<hbm>> -> memref<128x128xf32, #tpu.memory_space<hbm>>
      %dma_start3A_95 = arith.constant 128 : i32
      %dma_start3A_96 = arith.constant 0 : i32
      %dma_start3A_97 = tpu.memref_slice %arg3[%dma_start3A_95, %dma_start3A_96] : memref<256x128xf32, #tpu.memory_space<hbm>> -> memref<128x128xf32, #tpu.memory_space<hbm>>
      tpu.enqueue_dma source(%dma_start3A_97 : memref<128x128xf32, #tpu.memory_space<hbm>>) target(%arg8 : memref<128x128xf32, #tpu.memory_space<vmem>>) target_semaphore(%run_scoped3A : memref<!tpu.dma_semaphore, #tpu.memory_space<semaphore_mem>>)
      %dma_wait3A_98 = arith.constant 128 : i32
      %dma_wait3A_99 = arith.constant 0 : i32
      %dma_wait3A_100 = tpu.memref_slice %arg3[%dma_wait3A_98, %dma_wait3A_99] : memref<256x128xf32, #tpu.memory_space<hbm>> -> memref<128x128xf32, #tpu.memory_space<hbm>>
      %dma_wait3A_101 = arith.constant 128 : i32
      %dma_wait3A_102 = arith.constant 0 : i32
      %dma_wait3A_103 = tpu.memref_slice %arg3[%dma_wait3A_101, %dma_wait3A_102] : memref<256x128xf32, #tpu.memory_space<hbm>> -> memref<128x128xf32, #tpu.memory_space<hbm>>
      tpu.wait_dma2 semaphore(%run_scoped3A : memref<!tpu.dma_semaphore, #tpu.memory_space<semaphore_mem>>) src(%dma_wait3A_103 : memref<128x128xf32, #tpu.memory_space<hbm>>) dst(%arg8 : memref<128x128xf32, #tpu.memory_space<vmem>>)
      tpu.yield
    }) : () -> ()
    %add3A_3 = arith.constant 0 : i32
    %add3A_4 = arith.addi %mul3A_2, %add3A_3 : i32
    "tpu.region"() ({
      %run_scoped3A = tpu.sem_alloc : memref<!tpu.dma_semaphore, #tpu.memory_space<semaphore_mem>>
      %dma_start3A_92 = arith.constant 0 : i32
      %dma_start3A_93 = tpu.memref_slice %arg5[%add3A_4, %dma_start3A_92] : memref<10240x128xf32, #tpu.memory_space<vmem_shared>> -> memref<128x128xf32, #tpu.memory_space<vmem_shared>>
      %dma_start3A_94 = arith.constant 0 : i32
      %dma_start3A_95 = tpu.memref_slice %arg5[%add3A_4, %dma_start3A_94] : memref<10240x128xf32, #tpu.memory_space<vmem_shared>> -> memref<128x128xf32, #tpu.memory_space<vmem_shared>>
      tpu.enqueue_dma source(%arg8 : memref<128x128xf32, #tpu.memory_space<vmem>>) target(%dma_start3A_95 : memref<128x128xf32, #tpu.memory_space<vmem_shared>>) target_semaphore(%run_scoped3A : memref<!tpu.dma_semaphore, #tpu.memory_space<semaphore_mem>>)
      %dma_wait3A_96 = arith.constant 0 : i32
      %dma_wait3A_97 = tpu.memref_slice %arg5[%add3A_4, %dma_wait3A_96] : memref<10240x128xf32, #tpu.memory_space<vmem_shared>> -> memref<128x128xf32, #tpu.memory_space<vmem_shared>>
      %dma_wait3A_98 = arith.constant 0 : i32
      %dma_wait3A_99 = tpu.memref_slice %arg5[%add3A_4, %dma_wait3A_98] : memref<10240x128xf32, #tpu.memory_space<vmem_shared>> -> memref<128x128xf32, #tpu.memory_space<vmem_shared>>
      tpu.wait_dma2 semaphore(%run_scoped3A : memref<!tpu.dma_semaphore, #tpu.memory_space<semaphore_mem>>) src(%arg8 : memref<128x128xf32, #tpu.memory_space<vmem>>) dst(%dma_wait3A_99 : memref<128x128xf32, #tpu.memory_space<vmem_shared>>)
      tpu.yield
    }) : () -> ()
    %add3A_5 = arith.constant 128 : i32
    %add3A_6 = arith.addi %mul3A_2, %add3A_5 : i32
    "tpu.region"() ({
      %run_scoped3A = tpu.sem_alloc : memref<!tpu.dma_semaphore, #tpu.memory_space<semaphore_mem>>
      %dma_start3A_92 = arith.constant 0 : i32
      %dma_start3A_93 = tpu.memref_slice %arg5[%add3A_6, %dma_start3A_92] : memref<10240x128xf32, #tpu.memory_space<vmem_shared>> -> memref<128x128xf32, #tpu.memory_space<vmem_shared>>
      %dma_start3A_94 = arith.constant 0 : i32
      %dma_start3A_95 = tpu.memref_slice %arg5[%add3A_6, %dma_start3A_94] : memref<10240x128xf32, #tpu.memory_space<vmem_shared>> -> memref<128x128xf32, #tpu.memory_space<vmem_shared>>
      tpu.enqueue_dma source(%arg8 : memref<128x128xf32, #tpu.memory_space<vmem>>) target(%dma_start3A_95 : memref<128x128xf32, #tpu.memory_space<vmem_shared>>) target_semaphore(%run_scoped3A : memref<!tpu.dma_semaphore, #tpu.memory_space<semaphore_mem>>)
      %dma_wait3A_96 = arith.constant 0 : i32
      %dma_wait3A_97 = tpu.memref_slice %arg5[%add3A_6, %dma_wait3A_96] : memref<10240x128xf32, #tpu.memory_space<vmem_shared>> -> memref<128x128xf32, #tpu.memory_space<vmem_shared>>
      %dma_wait3A_98 = arith.constant 0 : i32
      %dma_wait3A_99 = tpu.memref_slice %arg5[%add3A_6, %dma_wait3A_98] : memref<10240x128xf32, #tpu.memory_space<vmem_shared>> -> memref<128x128xf32, #tpu.memory_space<vmem_shared>>
      tpu.wait_dma2 semaphore(%run_scoped3A : memref<!tpu.dma_semaphore, #tpu.memory_space<semaphore_mem>>) src(%arg8 : memref<128x128xf32, #tpu.memory_space<vmem>>) dst(%dma_wait3A_99 : memref<128x128xf32, #tpu.memory_space<vmem_shared>>)
      tpu.yield
    }) : () -> ()
    %add3A_7 = arith.constant 256 : i32
    %add3A_8 = arith.addi %mul3A_2, %add3A_7 : i32
    "tpu.region"() ({
      %run_scoped3A = tpu.sem_alloc : memref<!tpu.dma_semaphore, #tpu.memory_space<semaphore_mem>>
      %dma_start3A_92 = arith.constant 0 : i32
      %dma_start3A_93 = tpu.memref_slice %arg5[%add3A_8, %dma_start3A_92] : memref<10240x128xf32, #tpu.memory_space<vmem_shared>> -> memref<128x128xf32, #tpu.memory_space<vmem_shared>>
      %dma_start3A_94 = arith.constant 0 : i32
      %dma_start3A_95 = tpu.memref_slice %arg5[%add3A_8, %dma_start3A_94] : memref<10240x128xf32, #tpu.memory_space<vmem_shared>> -> memref<128x128xf32, #tpu.memory_space<vmem_shared>>
      tpu.enqueue_dma source(%arg8 : memref<128x128xf32, #tpu.memory_space<vmem>>) target(%dma_start3A_95 : memref<128x128xf32, #tpu.memory_space<vmem_shared>>) target_semaphore(%run_scoped3A : memref<!tpu.dma_semaphore, #tpu.memory_space<semaphore_mem>>)
      %dma_wait3A_96 = arith.constant 0 : i32
      %dma_wait3A_97 = tpu.memref_slice %arg5[%add3A_8, %dma_wait3A_96] : memref<10240x128xf32, #tpu.memory_space<vmem_shared>> -> memref<128x128xf32, #tpu.memory_space<vmem_shared>>
      %dma_wait3A_98 = arith.constant 0 : i32
      %dma_wait3A_99 = tpu.memref_slice %arg5[%add3A_8, %dma_wait3A_98] : memref<10240x128xf32, #tpu.memory_space<vmem_shared>> -> memref<128x128xf32, #tpu.memory_space<vmem_shared>>
      tpu.wait_dma2 semaphore(%run_scoped3A : memref<!tpu.dma_semaphore, #tpu.memory_space<semaphore_mem>>) src(%arg8 : memref<128x128xf32, #tpu.memory_space<vmem>>) dst(%dma_wait3A_99 : memref<128x128xf32, #tpu.memory_space<vmem_shared>>)
      tpu.yield
    }) : () -> ()
    %add3A_9 = arith.constant 384 : i32
    %add3A_10 = arith.addi %mul3A_2, %add3A_9 : i32
    "tpu.region"() ({
      %run_scoped3A = tpu.sem_alloc : memref<!tpu.dma_semaphore, #tpu.memory_space<semaphore_mem>>
      %dma_start3A_92 = arith.constant 0 : i32
      %dma_start3A_93 = tpu.memref_slice %arg5[%add3A_10, %dma_start3A_92] : memref<10240x128xf32, #tpu.memory_space<vmem_shared>> -> memref<128x128xf32, #tpu.memory_space<vmem_shared>>
      %dma_start3A_94 = arith.constant 0 : i32
      %dma_start3A_95 = tpu.memref_slice %arg5[%add3A_10, %dma_start3A_94] : memref<10240x128xf32, #tpu.memory_space<vmem_shared>> -> memref<128x128xf32, #tpu.memory_space<vmem_shared>>
      tpu.enqueue_dma source(%arg8 : memref<128x128xf32, #tpu.memory_space<vmem>>) target(%dma_start3A_95 : memref<128x128xf32, #tpu.memory_space<vmem_shared>>) target_semaphore(%run_scoped3A : memref<!tpu.dma_semaphore, #tpu.memory_space<semaphore_mem>>)
      %dma_wait3A_96 = arith.constant 0 : i32
      %dma_wait3A_97 = tpu.memref_slice %arg5[%add3A_10, %dma_wait3A_96] : memref<10240x128xf32, #tpu.memory_space<vmem_shared>> -> memref<128x128xf32, #tpu.memory_space<vmem_shared>>
      %dma_wait3A_98 = arith.constant 0 : i32
      %dma_wait3A_99 = tpu.memref_slice %arg5[%add3A_10, %dma_wait3A_98] : memref<10240x128xf32, #tpu.memory_space<vmem_shared>> -> memref<128x128xf32, #tpu.memory_space<vmem_shared>>
      tpu.wait_dma2 semaphore(%run_scoped3A : memref<!tpu.dma_semaphore, #tpu.memory_space<semaphore_mem>>) src(%arg8 : memref<128x128xf32, #tpu.memory_space<vmem>>) dst(%dma_wait3A_99 : memref<128x128xf32, #tpu.memory_space<vmem_shared>>)
      tpu.yield
    }) : () -> ()
    %add3A_11 = arith.constant 512 : i32
    %add3A_12 = arith.addi %mul3A_2, %add3A_11 : i32
    "tpu.region"() ({
      %run_scoped3A = tpu.sem_alloc : memref<!tpu.dma_semaphore, #tpu.memory_space<semaphore_mem>>
      %dma_start3A_92 = arith.constant 0 : i32
      %dma_start3A_93 = tpu.memref_slice %arg5[%add3A_12, %dma_start3A_92] : memref<10240x128xf32, #tpu.memory_space<vmem_shared>> -> memref<128x128xf32, #tpu.memory_space<vmem_shared>>
      %dma_start3A_94 = arith.constant 0 : i32
      %dma_start3A_95 = tpu.memref_slice %arg5[%add3A_12, %dma_start3A_94] : memref<10240x128xf32, #tpu.memory_space<vmem_shared>> -> memref<128x128xf32, #tpu.memory_space<vmem_shared>>
      tpu.enqueue_dma source(%arg8 : memref<128x128xf32, #tpu.memory_space<vmem>>) target(%dma_start3A_95 : memref<128x128xf32, #tpu.memory_space<vmem_shared>>) target_semaphore(%run_scoped3A : memref<!tpu.dma_semaphore, #tpu.memory_space<semaphore_mem>>)
      %dma_wait3A_96 = arith.constant 0 : i32
      %dma_wait3A_97 = tpu.memref_slice %arg5[%add3A_12, %dma_wait3A_96] : memref<10240x128xf32, #tpu.memory_space<vmem_shared>> -> memref<128x128xf32, #tpu.memory_space<vmem_shared>>
      %dma_wait3A_98 = arith.constant 0 : i32
      %dma_wait3A_99 = tpu.memref_slice %arg5[%add3A_12, %dma_wait3A_98] : memref<10240x128xf32, #tpu.memory_space<vmem_shared>> -> memref<128x128xf32, #tpu.memory_space<vmem_shared>>
      tpu.wait_dma2 semaphore(%run_scoped3A : memref<!tpu.dma_semaphore, #tpu.memory_space<semaphore_mem>>) src(%arg8 : memref<128x128xf32, #tpu.memory_space<vmem>>) dst(%dma_wait3A_99 : memref<128x128xf32, #tpu.memory_space<vmem_shared>>)
      tpu.yield
    }) : () -> ()
    "tpu.region"() ({
      %run_scoped3A = tpu.sem_alloc : memref<!tpu.dma_semaphore, #tpu.memory_space<semaphore_mem>>
      %dma_start3A_92 = arith.constant 0 : i32
      %dma_start3A_93 = arith.constant 0 : i32
      %dma_start3A_94 = tpu.memref_slice %arg3[%dma_start3A_92, %dma_start3A_93] : memref<256x128xf32, #tpu.memory_space<hbm>> -> memref<128x128xf32, #tpu.memory_space<hbm>>
      %dma_start3A_95 = arith.constant 0 : i32
      %dma_start3A_96 = arith.constant 0 : i32
      %dma_start3A_97 = tpu.memref_slice %arg3[%dma_start3A_95, %dma_start3A_96] : memref<256x128xf32, #tpu.memory_space<hbm>> -> memref<128x128xf32, #tpu.memory_space<hbm>>
      tpu.enqueue_dma source(%dma_start3A_97 : memref<128x128xf32, #tpu.memory_space<hbm>>) target(%arg7 : memref<128x128xf32, #tpu.memory_space<vmem>>) target_semaphore(%run_scoped3A : memref<!tpu.dma_semaphore, #tpu.memory_space<semaphore_mem>>)
      %dma_wait3A_98 = arith.constant 0 : i32
      %dma_wait3A_99 = arith.constant 0 : i32
      %dma_wait3A_100 = tpu.memref_slice %arg3[%dma_wait3A_98, %dma_wait3A_99] : memref<256x128xf32, #tpu.memory_space<hbm>> -> memref<128x128xf32, #tpu.memory_space<hbm>>
      %dma_wait3A_101 = arith.constant 0 : i32
      %dma_wait3A_102 = arith.constant 0 : i32
      %dma_wait3A_103 = tpu.memref_slice %arg3[%dma_wait3A_101, %dma_wait3A_102] : memref<256x128xf32, #tpu.memory_space<hbm>> -> memref<128x128xf32, #tpu.memory_space<hbm>>
      tpu.wait_dma2 semaphore(%run_scoped3A : memref<!tpu.dma_semaphore, #tpu.memory_space<semaphore_mem>>) src(%dma_wait3A_103 : memref<128x128xf32, #tpu.memory_space<hbm>>) dst(%arg7 : memref<128x128xf32, #tpu.memory_space<vmem>>)
      tpu.yield
    }) : () -> ()
    %barrier3A = arith.constant 0 : index
    tpu.barrier barrier_id(%barrier3A)
    %dma_start3A = arith.constant 0 : i32
    %dma_start3A_13 = arith.constant 0 : i32
    %dma_start3A_14 = tpu.memref_slice %arg6[%dma_start3A, %dma_start3A_13] : memref<80x128xi32, #tpu.memory_space<vmem>> -> memref<1x128xi32, #tpu.memory_space<vmem>>
    %dma_start3A_15 = tpu.memref_squeeze %dma_start3A_14 : memref<1x128xi32, #tpu.memory_space<vmem>> -> memref<128xi32, #tpu.memory_space<vmem>>
    %dma_start3A_16 = arith.constant 0 : i32
    %dma_start3A_17 = arith.constant 0 : i32
    %dma_start3A_18 = tpu.memref_slice %arg5[%dma_start3A_16, %dma_start3A_17] : memref<10240x128xf32, #tpu.memory_space<vmem_shared>> -> memref<10240x128xf32, #tpu.memory_space<vmem_shared>>
    tpu.enqueue_indirect_dma source(%arg7 : memref<128x128xf32, #tpu.memory_space<vmem>>) target(%dma_start3A_18 : memref<10240x128xf32, #tpu.memory_space<vmem_shared>>) offsets(%dma_start3A_15 : memref<128xi32, #tpu.memory_space<vmem>>) semaphore(%arg9 : memref<!tpu.dma_semaphore, #tpu.memory_space<semaphore_mem>>) {add = true}
    %dma_start3A_19 = arith.constant 1 : i32
    %dma_start3A_20 = arith.constant 0 : i32
    %dma_start3A_21 = tpu.memref_slice %arg6[%dma_start3A_19, %dma_start3A_20] : memref<80x128xi32, #tpu.memory_space<vmem>> -> memref<1x128xi32, #tpu.memory_space<vmem>>
    %dma_start3A_22 = tpu.memref_squeeze %dma_start3A_21 : memref<1x128xi32, #tpu.memory_space<vmem>> -> memref<128xi32, #tpu.memory_space<vmem>>
    %dma_start3A_23 = arith.constant 0 : i32
    %dma_start3A_24 = arith.constant 0 : i32
    %dma_start3A_25 = tpu.memref_slice %arg5[%dma_start3A_23, %dma_start3A_24] : memref<10240x128xf32, #tpu.memory_space<vmem_shared>> -> memref<10240x128xf32, #tpu.memory_space<vmem_shared>>
    tpu.enqueue_indirect_dma source(%arg7 : memref<128x128xf32, #tpu.memory_space<vmem>>) target(%dma_start3A_25 : memref<10240x128xf32, #tpu.memory_space<vmem_shared>>) offsets(%dma_start3A_22 : memref<128xi32, #tpu.memory_space<vmem>>) semaphore(%arg10 : memref<!tpu.dma_semaphore, #tpu.memory_space<semaphore_mem>>) {add = true}
    %dma_start3A_26 = arith.constant 2 : i32
    %dma_start3A_27 = arith.constant 0 : i32
    %dma_start3A_28 = tpu.memref_slice %arg6[%dma_start3A_26, %dma_start3A_27] : memref<80x128xi32, #tpu.memory_space<vmem>> -> memref<1x128xi32, #tpu.memory_space<vmem>>
    %dma_start3A_29 = tpu.memref_squeeze %dma_start3A_28 : memref<1x128xi32, #tpu.memory_space<vmem>> -> memref<128xi32, #tpu.memory_space<vmem>>
    %dma_start3A_30 = arith.constant 0 : i32
    %dma_start3A_31 = arith.constant 0 : i32
    %dma_start3A_32 = tpu.memref_slice %arg5[%dma_start3A_30, %dma_start3A_31] : memref<10240x128xf32, #tpu.memory_space<vmem_shared>> -> memref<10240x128xf32, #tpu.memory_space<vmem_shared>>
    tpu.enqueue_indirect_dma source(%arg7 : memref<128x128xf32, #tpu.memory_space<vmem>>) target(%dma_start3A_32 : memref<10240x128xf32, #tpu.memory_space<vmem_shared>>) offsets(%dma_start3A_29 : memref<128xi32, #tpu.memory_space<vmem>>) semaphore(%arg9 : memref<!tpu.dma_semaphore, #tpu.memory_space<semaphore_mem>>) {add = true}
    %dma_start3A_33 = arith.constant 3 : i32
    %dma_start3A_34 = arith.constant 0 : i32
    %dma_start3A_35 = tpu.memref_slice %arg6[%dma_start3A_33, %dma_start3A_34] : memref<80x128xi32, #tpu.memory_space<vmem>> -> memref<1x128xi32, #tpu.memory_space<vmem>>
    %dma_start3A_36 = tpu.memref_squeeze %dma_start3A_35 : memref<1x128xi32, #tpu.memory_space<vmem>> -> memref<128xi32, #tpu.memory_space<vmem>>
    %dma_start3A_37 = arith.constant 0 : i32
    %dma_start3A_38 = arith.constant 0 : i32
    %dma_start3A_39 = tpu.memref_slice %arg5[%dma_start3A_37, %dma_start3A_38] : memref<10240x128xf32, #tpu.memory_space<vmem_shared>> -> memref<10240x128xf32, #tpu.memory_space<vmem_shared>>
    tpu.enqueue_indirect_dma source(%arg7 : memref<128x128xf32, #tpu.memory_space<vmem>>) target(%dma_start3A_39 : memref<10240x128xf32, #tpu.memory_space<vmem_shared>>) offsets(%dma_start3A_36 : memref<128xi32, #tpu.memory_space<vmem>>) semaphore(%arg10 : memref<!tpu.dma_semaphore, #tpu.memory_space<semaphore_mem>>) {add = true}
    %scan3A = arith.constant 0 : i32
    %scan3A_40 = arith.constant 38 : i32
    %scan3A_41 = arith.addi %scan3A, %scan3A_40 : i32
    %scan3A_42 = arith.constant 1 : i32
    scf.for %scan3A_92 = %scan3A to %scan3A_41 step %scan3A_42  : i32 {
      %mul3A_93 = arith.constant 2 : i32
      %mul3A_94 = arith.muli %scan3A_92, %mul3A_93 : i32
      %add3A_95 = arith.constant 0 : i32
      %add3A_96 = arith.addi %add3A_95, %mul3A_94 : i32
      %dma_wait3A_97 = arith.constant 0 : i32
      %dma_wait3A_98 = arith.constant 0 : i32
      %dma_wait3A_99 = tpu.memref_slice %arg6[%dma_wait3A_97, %dma_wait3A_98] : memref<80x128xi32, #tpu.memory_space<vmem>> -> memref<1x128xi32, #tpu.memory_space<vmem>>
      %dma_wait3A_100 = tpu.memref_squeeze %dma_wait3A_99 : memref<1x128xi32, #tpu.memory_space<vmem>> -> memref<128xi32, #tpu.memory_space<vmem>>
      %dma_wait3A_101 = arith.constant 0 : i32
      %dma_wait3A_102 = arith.constant 0 : i32
      %dma_wait3A_103 = tpu.memref_slice %arg5[%dma_wait3A_101, %dma_wait3A_102] : memref<10240x128xf32, #tpu.memory_space<vmem_shared>> -> memref<10240x128xf32, #tpu.memory_space<vmem_shared>>
      tpu.wait_indirect_dma semaphore(%arg9 : memref<!tpu.dma_semaphore, #tpu.memory_space<semaphore_mem>>) src(%arg7 : memref<128x128xf32, #tpu.memory_space<vmem>>) dst(%dma_wait3A_103 : memref<10240x128xf32, #tpu.memory_space<vmem_shared>>)
      %add3A_104 = arith.constant 4 : i32
      %add3A_105 = arith.addi %add3A_96, %add3A_104 : i32
      %dma_start3A_106 = arith.constant 0 : i32
      %dma_start3A_107 = tpu.memref_slice %arg6[%add3A_105, %dma_start3A_106] : memref<80x128xi32, #tpu.memory_space<vmem>> -> memref<1x128xi32, #tpu.memory_space<vmem>>
      %dma_start3A_108 = tpu.memref_squeeze %dma_start3A_107 : memref<1x128xi32, #tpu.memory_space<vmem>> -> memref<128xi32, #tpu.memory_space<vmem>>
      %dma_start3A_109 = arith.constant 0 : i32
      %dma_start3A_110 = arith.constant 0 : i32
      %dma_start3A_111 = tpu.memref_slice %arg5[%dma_start3A_109, %dma_start3A_110] : memref<10240x128xf32, #tpu.memory_space<vmem_shared>> -> memref<10240x128xf32, #tpu.memory_space<vmem_shared>>
      tpu.enqueue_indirect_dma source(%arg7 : memref<128x128xf32, #tpu.memory_space<vmem>>) target(%dma_start3A_111 : memref<10240x128xf32, #tpu.memory_space<vmem_shared>>) offsets(%dma_start3A_108 : memref<128xi32, #tpu.memory_space<vmem>>) semaphore(%arg9 : memref<!tpu.dma_semaphore, #tpu.memory_space<semaphore_mem>>) {add = true}
      %dma_wait3A_112 = arith.constant 0 : i32
      %dma_wait3A_113 = arith.constant 0 : i32
      %dma_wait3A_114 = tpu.memref_slice %arg6[%dma_wait3A_112, %dma_wait3A_113] : memref<80x128xi32, #tpu.memory_space<vmem>> -> memref<1x128xi32, #tpu.memory_space<vmem>>
      %dma_wait3A_115 = tpu.memref_squeeze %dma_wait3A_114 : memref<1x128xi32, #tpu.memory_space<vmem>> -> memref<128xi32, #tpu.memory_space<vmem>>
      %dma_wait3A_116 = arith.constant 0 : i32
      %dma_wait3A_117 = arith.constant 0 : i32
      %dma_wait3A_118 = tpu.memref_slice %arg5[%dma_wait3A_116, %dma_wait3A_117] : memref<10240x128xf32, #tpu.memory_space<vmem_shared>> -> memref<10240x128xf32, #tpu.memory_space<vmem_shared>>
      tpu.wait_indirect_dma semaphore(%arg10 : memref<!tpu.dma_semaphore, #tpu.memory_space<semaphore_mem>>) src(%arg7 : memref<128x128xf32, #tpu.memory_space<vmem>>) dst(%dma_wait3A_118 : memref<10240x128xf32, #tpu.memory_space<vmem_shared>>)
      %add3A_119 = arith.constant 5 : i32
      %add3A_120 = arith.addi %add3A_96, %add3A_119 : i32
      %dma_start3A_121 = arith.constant 0 : i32
      %dma_start3A_122 = tpu.memref_slice %arg6[%add3A_120, %dma_start3A_121] : memref<80x128xi32, #tpu.memory_space<vmem>> -> memref<1x128xi32, #tpu.memory_space<vmem>>
      %dma_start3A_123 = tpu.memref_squeeze %dma_start3A_122 : memref<1x128xi32, #tpu.memory_space<vmem>> -> memref<128xi32, #tpu.memory_space<vmem>>
      %dma_start3A_124 = arith.constant 0 : i32
      %dma_start3A_125 = arith.constant 0 : i32
      %dma_start3A_126 = tpu.memref_slice %arg5[%dma_start3A_124, %dma_start3A_125] : memref<10240x128xf32, #tpu.memory_space<vmem_shared>> -> memref<10240x128xf32, #tpu.memory_space<vmem_shared>>
      tpu.enqueue_indirect_dma source(%arg7 : memref<128x128xf32, #tpu.memory_space<vmem>>) target(%dma_start3A_126 : memref<10240x128xf32, #tpu.memory_space<vmem_shared>>) offsets(%dma_start3A_123 : memref<128xi32, #tpu.memory_space<vmem>>) semaphore(%arg10 : memref<!tpu.dma_semaphore, #tpu.memory_space<semaphore_mem>>) {add = true}
    }
    %scan3A_43 = arith.constant 38 : i32
    %dma_wait3A = arith.constant 0 : i32
    %dma_wait3A_44 = arith.constant 0 : i32
    %dma_wait3A_45 = tpu.memref_slice %arg6[%dma_wait3A, %dma_wait3A_44] : memref<80x128xi32, #tpu.memory_space<vmem>> -> memref<1x128xi32, #tpu.memory_space<vmem>>
    %dma_wait3A_46 = tpu.memref_squeeze %dma_wait3A_45 : memref<1x128xi32, #tpu.memory_space<vmem>> -> memref<128xi32, #tpu.memory_space<vmem>>
    %dma_wait3A_47 = arith.constant 0 : i32
    %dma_wait3A_48 = arith.constant 0 : i32
    %dma_wait3A_49 = tpu.memref_slice %arg5[%dma_wait3A_47, %dma_wait3A_48] : memref<10240x128xf32, #tpu.memory_space<vmem_shared>> -> memref<10240x128xf32, #tpu.memory_space<vmem_shared>>
    tpu.wait_indirect_dma semaphore(%arg9 : memref<!tpu.dma_semaphore, #tpu.memory_space<semaphore_mem>>) src(%arg7 : memref<128x128xf32, #tpu.memory_space<vmem>>) dst(%dma_wait3A_49 : memref<10240x128xf32, #tpu.memory_space<vmem_shared>>)
    %dma_wait3A_50 = arith.constant 0 : i32
    %dma_wait3A_51 = arith.constant 0 : i32
    %dma_wait3A_52 = tpu.memref_slice %arg6[%dma_wait3A_50, %dma_wait3A_51] : memref<80x128xi32, #tpu.memory_space<vmem>> -> memref<1x128xi32, #tpu.memory_space<vmem>>
    %dma_wait3A_53 = tpu.memref_squeeze %dma_wait3A_52 : memref<1x128xi32, #tpu.memory_space<vmem>> -> memref<128xi32, #tpu.memory_space<vmem>>
    %dma_wait3A_54 = arith.constant 0 : i32
    %dma_wait3A_55 = arith.constant 0 : i32
    %dma_wait3A_56 = tpu.memref_slice %arg5[%dma_wait3A_54, %dma_wait3A_55] : memref<10240x128xf32, #tpu.memory_space<vmem_shared>> -> memref<10240x128xf32, #tpu.memory_space<vmem_shared>>
    tpu.wait_indirect_dma semaphore(%arg10 : memref<!tpu.dma_semaphore, #tpu.memory_space<semaphore_mem>>) src(%arg7 : memref<128x128xf32, #tpu.memory_space<vmem>>) dst(%dma_wait3A_56 : memref<10240x128xf32, #tpu.memory_space<vmem_shared>>)
    %dma_wait3A_57 = arith.constant 0 : i32
    %dma_wait3A_58 = arith.constant 0 : i32
    %dma_wait3A_59 = tpu.memref_slice %arg6[%dma_wait3A_57, %dma_wait3A_58] : memref<80x128xi32, #tpu.memory_space<vmem>> -> memref<1x128xi32, #tpu.memory_space<vmem>>
    %dma_wait3A_60 = tpu.memref_squeeze %dma_wait3A_59 : memref<1x128xi32, #tpu.memory_space<vmem>> -> memref<128xi32, #tpu.memory_space<vmem>>
    %dma_wait3A_61 = arith.constant 0 : i32
    %dma_wait3A_62 = arith.constant 0 : i32
    %dma_wait3A_63 = tpu.memref_slice %arg5[%dma_wait3A_61, %dma_wait3A_62] : memref<10240x128xf32, #tpu.memory_space<vmem_shared>> -> memref<10240x128xf32, #tpu.memory_space<vmem_shared>>
    tpu.wait_indirect_dma semaphore(%arg9 : memref<!tpu.dma_semaphore, #tpu.memory_space<semaphore_mem>>) src(%arg7 : memref<128x128xf32, #tpu.memory_space<vmem>>) dst(%dma_wait3A_63 : memref<10240x128xf32, #tpu.memory_space<vmem_shared>>)
    %dma_wait3A_64 = arith.constant 0 : i32
    %dma_wait3A_65 = arith.constant 0 : i32
    %dma_wait3A_66 = tpu.memref_slice %arg6[%dma_wait3A_64, %dma_wait3A_65] : memref<80x128xi32, #tpu.memory_space<vmem>> -> memref<1x128xi32, #tpu.memory_space<vmem>>
    %dma_wait3A_67 = tpu.memref_squeeze %dma_wait3A_66 : memref<1x128xi32, #tpu.memory_space<vmem>> -> memref<128xi32, #tpu.memory_space<vmem>>
    %dma_wait3A_68 = arith.constant 0 : i32
    %dma_wait3A_69 = arith.constant 0 : i32
    %dma_wait3A_70 = tpu.memref_slice %arg5[%dma_wait3A_68, %dma_wait3A_69] : memref<10240x128xf32, #tpu.memory_space<vmem_shared>> -> memref<10240x128xf32, #tpu.memory_space<vmem_shared>>
    tpu.wait_indirect_dma semaphore(%arg10 : memref<!tpu.dma_semaphore, #tpu.memory_space<semaphore_mem>>) src(%arg7 : memref<128x128xf32, #tpu.memory_space<vmem>>) dst(%dma_wait3A_70 : memref<10240x128xf32, #tpu.memory_space<vmem_shared>>)
    %barrier3A_71 = arith.constant 0 : index
    tpu.barrier barrier_id(%barrier3A_71)
    %add3A_72 = arith.constant 0 : i32
    %add3A_73 = arith.addi %mul3A_2, %add3A_72 : i32
    "tpu.region"() ({
      %run_scoped3A = tpu.sem_alloc : memref<!tpu.dma_semaphore, #tpu.memory_space<semaphore_mem>>
      %dma_start3A_92 = arith.constant 0 : i32
      %dma_start3A_93 = tpu.memref_slice %arg5[%add3A_73, %dma_start3A_92] : memref<10240x128xf32, #tpu.memory_space<vmem_shared>> -> memref<128x128xf32, #tpu.memory_space<vmem_shared>>
      %dma_start3A_94 = arith.constant 0 : i32
      %dma_start3A_95 = tpu.memref_slice %arg5[%add3A_73, %dma_start3A_94] : memref<10240x128xf32, #tpu.memory_space<vmem_shared>> -> memref<128x128xf32, #tpu.memory_space<vmem_shared>>
      tpu.enqueue_dma source(%dma_start3A_95 : memref<128x128xf32, #tpu.memory_space<vmem_shared>>) target(%arg8 : memref<128x128xf32, #tpu.memory_space<vmem>>) target_semaphore(%run_scoped3A : memref<!tpu.dma_semaphore, #tpu.memory_space<semaphore_mem>>)
      %dma_wait3A_96 = arith.constant 0 : i32
      %dma_wait3A_97 = tpu.memref_slice %arg5[%add3A_73, %dma_wait3A_96] : memref<10240x128xf32, #tpu.memory_space<vmem_shared>> -> memref<128x128xf32, #tpu.memory_space<vmem_shared>>
      %dma_wait3A_98 = arith.constant 0 : i32
      %dma_wait3A_99 = tpu.memref_slice %arg5[%add3A_73, %dma_wait3A_98] : memref<10240x128xf32, #tpu.memory_space<vmem_shared>> -> memref<128x128xf32, #tpu.memory_space<vmem_shared>>
      tpu.wait_dma2 semaphore(%run_scoped3A : memref<!tpu.dma_semaphore, #tpu.memory_space<semaphore_mem>>) src(%dma_wait3A_99 : memref<128x128xf32, #tpu.memory_space<vmem_shared>>) dst(%arg8 : memref<128x128xf32, #tpu.memory_space<vmem>>)
      tpu.yield
    }) : () -> ()
    %add3A_74 = arith.constant 0 : i32
    %add3A_75 = arith.addi %mul3A_2, %add3A_74 : i32
    "tpu.region"() ({
      %run_scoped3A = tpu.sem_alloc : memref<!tpu.dma_semaphore, #tpu.memory_space<semaphore_mem>>
      %dma_start3A_92 = arith.constant 0 : i32
      %dma_start3A_93 = tpu.memref_slice %arg4[%arg0, %add3A_75, %dma_start3A_92] : memref<2x10240x128xf32, #tpu.memory_space<hbm>> -> memref<1x128x128xf32, #tpu.memory_space<hbm>>
      %dma_start3A_94 = tpu.memref_squeeze %dma_start3A_93 : memref<1x128x128xf32, #tpu.memory_space<hbm>> -> memref<128x128xf32, #tpu.memory_space<hbm>>
      %dma_start3A_95 = arith.constant 0 : i32
      %dma_start3A_96 = tpu.memref_slice %arg4[%arg0, %add3A_75, %dma_start3A_95] : memref<2x10240x128xf32, #tpu.memory_space<hbm>> -> memref<1x128x128xf32, #tpu.memory_space<hbm>>
      %dma_start3A_97 = tpu.memref_squeeze %dma_start3A_96 : memref<1x128x128xf32, #tpu.memory_space<hbm>> -> memref<128x128xf32, #tpu.memory_space<hbm>>
      tpu.enqueue_dma source(%arg8 : memref<128x128xf32, #tpu.memory_space<vmem>>) target(%dma_start3A_97 : memref<128x128xf32, #tpu.memory_space<hbm>>) target_semaphore(%run_scoped3A : memref<!tpu.dma_semaphore, #tpu.memory_space<semaphore_mem>>)
      %dma_wait3A_98 = arith.constant 0 : i32
      %dma_wait3A_99 = tpu.memref_slice %arg4[%arg0, %add3A_75, %dma_wait3A_98] : memref<2x10240x128xf32, #tpu.memory_space<hbm>> -> memref<1x128x128xf32, #tpu.memory_space<hbm>>
      %dma_wait3A_100 = tpu.memref_squeeze %dma_wait3A_99 : memref<1x128x128xf32, #tpu.memory_space<hbm>> -> memref<128x128xf32, #tpu.memory_space<hbm>>
      %dma_wait3A_101 = arith.constant 0 : i32
      %dma_wait3A_102 = tpu.memref_slice %arg4[%arg0, %add3A_75, %dma_wait3A_101] : memref<2x10240x128xf32, #tpu.memory_space<hbm>> -> memref<1x128x128xf32, #tpu.memory_space<hbm>>
      %dma_wait3A_103 = tpu.memref_squeeze %dma_wait3A_102 : memref<1x128x128xf32, #tpu.memory_space<hbm>> -> memref<128x128xf32, #tpu.memory_space<hbm>>
      tpu.wait_dma2 semaphore(%run_scoped3A : memref<!tpu.dma_semaphore, #tpu.memory_space<semaphore_mem>>) src(%arg8 : memref<128x128xf32, #tpu.memory_space<vmem>>) dst(%dma_wait3A_103 : memref<128x128xf32, #tpu.memory_space<hbm>>)
      tpu.yield
    }) : () -> ()
    %add3A_76 = arith.constant 128 : i32
    %add3A_77 = arith.addi %mul3A_2, %add3A_76 : i32
    "tpu.region"() ({
      %run_scoped3A = tpu.sem_alloc : memref<!tpu.dma_semaphore, #tpu.memory_space<semaphore_mem>>
      %dma_start3A_92 = arith.constant 0 : i32
      %dma_start3A_93 = tpu.memref_slice %arg5[%add3A_77, %dma_start3A_92] : memref<10240x128xf32, #tpu.memory_space<vmem_shared>> -> memref<128x128xf32, #tpu.memory_space<vmem_shared>>
      %dma_start3A_94 = arith.constant 0 : i32
      %dma_start3A_95 = tpu.memref_slice %arg5[%add3A_77, %dma_start3A_94] : memref<10240x128xf32, #tpu.memory_space<vmem_shared>> -> memref<128x128xf32, #tpu.memory_space<vmem_shared>>
      tpu.enqueue_dma source(%dma_start3A_95 : memref<128x128xf32, #tpu.memory_space<vmem_shared>>) target(%arg8 : memref<128x128xf32, #tpu.memory_space<vmem>>) target_semaphore(%run_scoped3A : memref<!tpu.dma_semaphore, #tpu.memory_space<semaphore_mem>>)
      %dma_wait3A_96 = arith.constant 0 : i32
      %dma_wait3A_97 = tpu.memref_slice %arg5[%add3A_77, %dma_wait3A_96] : memref<10240x128xf32, #tpu.memory_space<vmem_shared>> -> memref<128x128xf32, #tpu.memory_space<vmem_shared>>
      %dma_wait3A_98 = arith.constant 0 : i32
      %dma_wait3A_99 = tpu.memref_slice %arg5[%add3A_77, %dma_wait3A_98] : memref<10240x128xf32, #tpu.memory_space<vmem_shared>> -> memref<128x128xf32, #tpu.memory_space<vmem_shared>>
      tpu.wait_dma2 semaphore(%run_scoped3A : memref<!tpu.dma_semaphore, #tpu.memory_space<semaphore_mem>>) src(%dma_wait3A_99 : memref<128x128xf32, #tpu.memory_space<vmem_shared>>) dst(%arg8 : memref<128x128xf32, #tpu.memory_space<vmem>>)
      tpu.yield
    }) : () -> ()
    %add3A_78 = arith.constant 128 : i32
    %add3A_79 = arith.addi %mul3A_2, %add3A_78 : i32
    "tpu.region"() ({
      %run_scoped3A = tpu.sem_alloc : memref<!tpu.dma_semaphore, #tpu.memory_space<semaphore_mem>>
      %dma_start3A_92 = arith.constant 0 : i32
      %dma_start3A_93 = tpu.memref_slice %arg4[%arg0, %add3A_79, %dma_start3A_92] : memref<2x10240x128xf32, #tpu.memory_space<hbm>> -> memref<1x128x128xf32, #tpu.memory_space<hbm>>
      %dma_start3A_94 = tpu.memref_squeeze %dma_start3A_93 : memref<1x128x128xf32, #tpu.memory_space<hbm>> -> memref<128x128xf32, #tpu.memory_space<hbm>>
      %dma_start3A_95 = arith.constant 0 : i32
      %dma_start3A_96 = tpu.memref_slice %arg4[%arg0, %add3A_79, %dma_start3A_95] : memref<2x10240x128xf32, #tpu.memory_space<hbm>> -> memref<1x128x128xf32, #tpu.memory_space<hbm>>
      %dma_start3A_97 = tpu.memref_squeeze %dma_start3A_96 : memref<1x128x128xf32, #tpu.memory_space<hbm>> -> memref<128x128xf32, #tpu.memory_space<hbm>>
      tpu.enqueue_dma source(%arg8 : memref<128x128xf32, #tpu.memory_space<vmem>>) target(%dma_start3A_97 : memref<128x128xf32, #tpu.memory_space<hbm>>) target_semaphore(%run_scoped3A : memref<!tpu.dma_semaphore, #tpu.memory_space<semaphore_mem>>)
      %dma_wait3A_98 = arith.constant 0 : i32
      %dma_wait3A_99 = tpu.memref_slice %arg4[%arg0, %add3A_79, %dma_wait3A_98] : memref<2x10240x128xf32, #tpu.memory_space<hbm>> -> memref<1x128x128xf32, #tpu.memory_space<hbm>>
      %dma_wait3A_100 = tpu.memref_squeeze %dma_wait3A_99 : memref<1x128x128xf32, #tpu.memory_space<hbm>> -> memref<128x128xf32, #tpu.memory_space<hbm>>
      %dma_wait3A_101 = arith.constant 0 : i32
      %dma_wait3A_102 = tpu.memref_slice %arg4[%arg0, %add3A_79, %dma_wait3A_101] : memref<2x10240x128xf32, #tpu.memory_space<hbm>> -> memref<1x128x128xf32, #tpu.memory_space<hbm>>
      %dma_wait3A_103 = tpu.memref_squeeze %dma_wait3A_102 : memref<1x128x128xf32, #tpu.memory_space<hbm>> -> memref<128x128xf32, #tpu.memory_space<hbm>>
      tpu.wait_dma2 semaphore(%run_scoped3A : memref<!tpu.dma_semaphore, #tpu.memory_space<semaphore_mem>>) src(%arg8 : memref<128x128xf32, #tpu.memory_space<vmem>>) dst(%dma_wait3A_103 : memref<128x128xf32, #tpu.memory_space<hbm>>)
      tpu.yield
    }) : () -> ()
    %add3A_80 = arith.constant 256 : i32
    %add3A_81 = arith.addi %mul3A_2, %add3A_80 : i32
    "tpu.region"() ({
      %run_scoped3A = tpu.sem_alloc : memref<!tpu.dma_semaphore, #tpu.memory_space<semaphore_mem>>
      %dma_start3A_92 = arith.constant 0 : i32
      %dma_start3A_93 = tpu.memref_slice %arg5[%add3A_81, %dma_start3A_92] : memref<10240x128xf32, #tpu.memory_space<vmem_shared>> -> memref<128x128xf32, #tpu.memory_space<vmem_shared>>
      %dma_start3A_94 = arith.constant 0 : i32
      %dma_start3A_95 = tpu.memref_slice %arg5[%add3A_81, %dma_start3A_94] : memref<10240x128xf32, #tpu.memory_space<vmem_shared>> -> memref<128x128xf32, #tpu.memory_space<vmem_shared>>
      tpu.enqueue_dma source(%dma_start3A_95 : memref<128x128xf32, #tpu.memory_space<vmem_shared>>) target(%arg8 : memref<128x128xf32, #tpu.memory_space<vmem>>) target_semaphore(%run_scoped3A : memref<!tpu.dma_semaphore, #tpu.memory_space<semaphore_mem>>)
      %dma_wait3A_96 = arith.constant 0 : i32
      %dma_wait3A_97 = tpu.memref_slice %arg5[%add3A_81, %dma_wait3A_96] : memref<10240x128xf32, #tpu.memory_space<vmem_shared>> -> memref<128x128xf32, #tpu.memory_space<vmem_shared>>
      %dma_wait3A_98 = arith.constant 0 : i32
      %dma_wait3A_99 = tpu.memref_slice %arg5[%add3A_81, %dma_wait3A_98] : memref<10240x128xf32, #tpu.memory_space<vmem_shared>> -> memref<128x128xf32, #tpu.memory_space<vmem_shared>>
      tpu.wait_dma2 semaphore(%run_scoped3A : memref<!tpu.dma_semaphore, #tpu.memory_space<semaphore_mem>>) src(%dma_wait3A_99 : memref<128x128xf32, #tpu.memory_space<vmem_shared>>) dst(%arg8 : memref<128x128xf32, #tpu.memory_space<vmem>>)
      tpu.yield
    }) : () -> ()
    %add3A_82 = arith.constant 256 : i32
    %add3A_83 = arith.addi %mul3A_2, %add3A_82 : i32
    "tpu.region"() ({
      %run_scoped3A = tpu.sem_alloc : memref<!tpu.dma_semaphore, #tpu.memory_space<semaphore_mem>>
      %dma_start3A_92 = arith.constant 0 : i32
      %dma_start3A_93 = tpu.memref_slice %arg4[%arg0, %add3A_83, %dma_start3A_92] : memref<2x10240x128xf32, #tpu.memory_space<hbm>> -> memref<1x128x128xf32, #tpu.memory_space<hbm>>
      %dma_start3A_94 = tpu.memref_squeeze %dma_start3A_93 : memref<1x128x128xf32, #tpu.memory_space<hbm>> -> memref<128x128xf32, #tpu.memory_space<hbm>>
      %dma_start3A_95 = arith.constant 0 : i32
      %dma_start3A_96 = tpu.memref_slice %arg4[%arg0, %add3A_83, %dma_start3A_95] : memref<2x10240x128xf32, #tpu.memory_space<hbm>> -> memref<1x128x128xf32, #tpu.memory_space<hbm>>
      %dma_start3A_97 = tpu.memref_squeeze %dma_start3A_96 : memref<1x128x128xf32, #tpu.memory_space<hbm>> -> memref<128x128xf32, #tpu.memory_space<hbm>>
      tpu.enqueue_dma source(%arg8 : memref<128x128xf32, #tpu.memory_space<vmem>>) target(%dma_start3A_97 : memref<128x128xf32, #tpu.memory_space<hbm>>) target_semaphore(%run_scoped3A : memref<!tpu.dma_semaphore, #tpu.memory_space<semaphore_mem>>)
      %dma_wait3A_98 = arith.constant 0 : i32
      %dma_wait3A_99 = tpu.memref_slice %arg4[%arg0, %add3A_83, %dma_wait3A_98] : memref<2x10240x128xf32, #tpu.memory_space<hbm>> -> memref<1x128x128xf32, #tpu.memory_space<hbm>>
      %dma_wait3A_100 = tpu.memref_squeeze %dma_wait3A_99 : memref<1x128x128xf32, #tpu.memory_space<hbm>> -> memref<128x128xf32, #tpu.memory_space<hbm>>
      %dma_wait3A_101 = arith.constant 0 : i32
      %dma_wait3A_102 = tpu.memref_slice %arg4[%arg0, %add3A_83, %dma_wait3A_101] : memref<2x10240x128xf32, #tpu.memory_space<hbm>> -> memref<1x128x128xf32, #tpu.memory_space<hbm>>
      %dma_wait3A_103 = tpu.memref_squeeze %dma_wait3A_102 : memref<1x128x128xf32, #tpu.memory_space<hbm>> -> memref<128x128xf32, #tpu.memory_space<hbm>>
      tpu.wait_dma2 semaphore(%run_scoped3A : memref<!tpu.dma_semaphore, #tpu.memory_space<semaphore_mem>>) src(%arg8 : memref<128x128xf32, #tpu.memory_space<vmem>>) dst(%dma_wait3A_103 : memref<128x128xf32, #tpu.memory_space<hbm>>)
      tpu.yield
    }) : () -> ()
    %add3A_84 = arith.constant 384 : i32
    %add3A_85 = arith.addi %mul3A_2, %add3A_84 : i32
    "tpu.region"() ({
      %run_scoped3A = tpu.sem_alloc : memref<!tpu.dma_semaphore, #tpu.memory_space<semaphore_mem>>
      %dma_start3A_92 = arith.constant 0 : i32
      %dma_start3A_93 = tpu.memref_slice %arg5[%add3A_85, %dma_start3A_92] : memref<10240x128xf32, #tpu.memory_space<vmem_shared>> -> memref<128x128xf32, #tpu.memory_space<vmem_shared>>
      %dma_start3A_94 = arith.constant 0 : i32
      %dma_start3A_95 = tpu.memref_slice %arg5[%add3A_85, %dma_start3A_94] : memref<10240x128xf32, #tpu.memory_space<vmem_shared>> -> memref<128x128xf32, #tpu.memory_space<vmem_shared>>
      tpu.enqueue_dma source(%dma_start3A_95 : memref<128x128xf32, #tpu.memory_space<vmem_shared>>) target(%arg8 : memref<128x128xf32, #tpu.memory_space<vmem>>) target_semaphore(%run_scoped3A : memref<!tpu.dma_semaphore, #tpu.memory_space<semaphore_mem>>)
      %dma_wait3A_96 = arith.constant 0 : i32
      %dma_wait3A_97 = tpu.memref_slice %arg5[%add3A_85, %dma_wait3A_96] : memref<10240x128xf32, #tpu.memory_space<vmem_shared>> -> memref<128x128xf32, #tpu.memory_space<vmem_shared>>
      %dma_wait3A_98 = arith.constant 0 : i32
      %dma_wait3A_99 = tpu.memref_slice %arg5[%add3A_85, %dma_wait3A_98] : memref<10240x128xf32, #tpu.memory_space<vmem_shared>> -> memref<128x128xf32, #tpu.memory_space<vmem_shared>>
      tpu.wait_dma2 semaphore(%run_scoped3A : memref<!tpu.dma_semaphore, #tpu.memory_space<semaphore_mem>>) src(%dma_wait3A_99 : memref<128x128xf32, #tpu.memory_space<vmem_shared>>) dst(%arg8 : memref<128x128xf32, #tpu.memory_space<vmem>>)
      tpu.yield
    }) : () -> ()
    %add3A_86 = arith.constant 384 : i32
    %add3A_87 = arith.addi %mul3A_2, %add3A_86 : i32
    "tpu.region"() ({
      %run_scoped3A = tpu.sem_alloc : memref<!tpu.dma_semaphore, #tpu.memory_space<semaphore_mem>>
      %dma_start3A_92 = arith.constant 0 : i32
      %dma_start3A_93 = tpu.memref_slice %arg4[%arg0, %add3A_87, %dma_start3A_92] : memref<2x10240x128xf32, #tpu.memory_space<hbm>> -> memref<1x128x128xf32, #tpu.memory_space<hbm>>
      %dma_start3A_94 = tpu.memref_squeeze %dma_start3A_93 : memref<1x128x128xf32, #tpu.memory_space<hbm>> -> memref<128x128xf32, #tpu.memory_space<hbm>>
      %dma_start3A_95 = arith.constant 0 : i32
      %dma_start3A_96 = tpu.memref_slice %arg4[%arg0, %add3A_87, %dma_start3A_95] : memref<2x10240x128xf32, #tpu.memory_space<hbm>> -> memref<1x128x128xf32, #tpu.memory_space<hbm>>
      %dma_start3A_97 = tpu.memref_squeeze %dma_start3A_96 : memref<1x128x128xf32, #tpu.memory_space<hbm>> -> memref<128x128xf32, #tpu.memory_space<hbm>>
      tpu.enqueue_dma source(%arg8 : memref<128x128xf32, #tpu.memory_space<vmem>>) target(%dma_start3A_97 : memref<128x128xf32, #tpu.memory_space<hbm>>) target_semaphore(%run_scoped3A : memref<!tpu.dma_semaphore, #tpu.memory_space<semaphore_mem>>)
      %dma_wait3A_98 = arith.constant 0 : i32
      %dma_wait3A_99 = tpu.memref_slice %arg4[%arg0, %add3A_87, %dma_wait3A_98] : memref<2x10240x128xf32, #tpu.memory_space<hbm>> -> memref<1x128x128xf32, #tpu.memory_space<hbm>>
      %dma_wait3A_100 = tpu.memref_squeeze %dma_wait3A_99 : memref<1x128x128xf32, #tpu.memory_space<hbm>> -> memref<128x128xf32, #tpu.memory_space<hbm>>
      %dma_wait3A_101 = arith.constant 0 : i32
      %dma_wait3A_102 = tpu.memref_slice %arg4[%arg0, %add3A_87, %dma_wait3A_101] : memref<2x10240x128xf32, #tpu.memory_space<hbm>> -> memref<1x128x128xf32, #tpu.memory_space<hbm>>
      %dma_wait3A_103 = tpu.memref_squeeze %dma_wait3A_102 : memref<1x128x128xf32, #tpu.memory_space<hbm>> -> memref<128x128xf32, #tpu.memory_space<hbm>>
      tpu.wait_dma2 semaphore(%run_scoped3A : memref<!tpu.dma_semaphore, #tpu.memory_space<semaphore_mem>>) src(%arg8 : memref<128x128xf32, #tpu.memory_space<vmem>>) dst(%dma_wait3A_103 : memref<128x128xf32, #tpu.memory_space<hbm>>)
      tpu.yield
    }) : () -> ()
    %add3A_88 = arith.constant 512 : i32
    %add3A_89 = arith.addi %mul3A_2, %add3A_88 : i32
    "tpu.region"() ({
      %run_scoped3A = tpu.sem_alloc : memref<!tpu.dma_semaphore, #tpu.memory_space<semaphore_mem>>
      %dma_start3A_92 = arith.constant 0 : i32
      %dma_start3A_93 = tpu.memref_slice %arg5[%add3A_89, %dma_start3A_92] : memref<10240x128xf32, #tpu.memory_space<vmem_shared>> -> memref<128x128xf32, #tpu.memory_space<vmem_shared>>
      %dma_start3A_94 = arith.constant 0 : i32
      %dma_start3A_95 = tpu.memref_slice %arg5[%add3A_89, %dma_start3A_94] : memref<10240x128xf32, #tpu.memory_space<vmem_shared>> -> memref<128x128xf32, #tpu.memory_space<vmem_shared>>
      tpu.enqueue_dma source(%dma_start3A_95 : memref<128x128xf32, #tpu.memory_space<vmem_shared>>) target(%arg8 : memref<128x128xf32, #tpu.memory_space<vmem>>) target_semaphore(%run_scoped3A : memref<!tpu.dma_semaphore, #tpu.memory_space<semaphore_mem>>)
      %dma_wait3A_96 = arith.constant 0 : i32
      %dma_wait3A_97 = tpu.memref_slice %arg5[%add3A_89, %dma_wait3A_96] : memref<10240x128xf32, #tpu.memory_space<vmem_shared>> -> memref<128x128xf32, #tpu.memory_space<vmem_shared>>
      %dma_wait3A_98 = arith.constant 0 : i32
      %dma_wait3A_99 = tpu.memref_slice %arg5[%add3A_89, %dma_wait3A_98] : memref<10240x128xf32, #tpu.memory_space<vmem_shared>> -> memref<128x128xf32, #tpu.memory_space<vmem_shared>>
      tpu.wait_dma2 semaphore(%run_scoped3A : memref<!tpu.dma_semaphore, #tpu.memory_space<semaphore_mem>>) src(%dma_wait3A_99 : memref<128x128xf32, #tpu.memory_space<vmem_shared>>) dst(%arg8 : memref<128x128xf32, #tpu.memory_space<vmem>>)
      tpu.yield
    }) : () -> ()
    %add3A_90 = arith.constant 512 : i32
    %add3A_91 = arith.addi %mul3A_2, %add3A_90 : i32
    "tpu.region"() ({
      %run_scoped3A = tpu.sem_alloc : memref<!tpu.dma_semaphore, #tpu.memory_space<semaphore_mem>>
      %dma_start3A_92 = arith.constant 0 : i32
      %dma_start3A_93 = tpu.memref_slice %arg4[%arg0, %add3A_91, %dma_start3A_92] : memref<2x10240x128xf32, #tpu.memory_space<hbm>> -> memref<1x128x128xf32, #tpu.memory_space<hbm>>
      %dma_start3A_94 = tpu.memref_squeeze %dma_start3A_93 : memref<1x128x128xf32, #tpu.memory_space<hbm>> -> memref<128x128xf32, #tpu.memory_space<hbm>>
      %dma_start3A_95 = arith.constant 0 : i32
      %dma_start3A_96 = tpu.memref_slice %arg4[%arg0, %add3A_91, %dma_start3A_95] : memref<2x10240x128xf32, #tpu.memory_space<hbm>> -> memref<1x128x128xf32, #tpu.memory_space<hbm>>
      %dma_start3A_97 = tpu.memref_squeeze %dma_start3A_96 : memref<1x128x128xf32, #tpu.memory_space<hbm>> -> memref<128x128xf32, #tpu.memory_space<hbm>>
      tpu.enqueue_dma source(%arg8 : memref<128x128xf32, #tpu.memory_space<vmem>>) target(%dma_start3A_97 : memref<128x128xf32, #tpu.memory_space<hbm>>) target_semaphore(%run_scoped3A : memref<!tpu.dma_semaphore, #tpu.memory_space<semaphore_mem>>)
      %dma_wait3A_98 = arith.constant 0 : i32
      %dma_wait3A_99 = tpu.memref_slice %arg4[%arg0, %add3A_91, %dma_wait3A_98] : memref<2x10240x128xf32, #tpu.memory_space<hbm>> -> memref<1x128x128xf32, #tpu.memory_space<hbm>>
      %dma_wait3A_100 = tpu.memref_squeeze %dma_wait3A_99 : memref<1x128x128xf32, #tpu.memory_space<hbm>> -> memref<128x128xf32, #tpu.memory_space<hbm>>
      %dma_wait3A_101 = arith.constant 0 : i32
      %dma_wait3A_102 = tpu.memref_slice %arg4[%arg0, %add3A_91, %dma_wait3A_101] : memref<2x10240x128xf32, #tpu.memory_space<hbm>> -> memref<1x128x128xf32, #tpu.memory_space<hbm>>
      %dma_wait3A_103 = tpu.memref_squeeze %dma_wait3A_102 : memref<1x128x128xf32, #tpu.memory_space<hbm>> -> memref<128x128xf32, #tpu.memory_space<hbm>>
      tpu.wait_dma2 semaphore(%run_scoped3A : memref<!tpu.dma_semaphore, #tpu.memory_space<semaphore_mem>>) src(%arg8 : memref<128x128xf32, #tpu.memory_space<vmem>>) dst(%dma_wait3A_103 : memref<128x128xf32, #tpu.memory_space<hbm>>)
      tpu.yield
    }) : () -> ()
    return
  }
}

#map = affine_map<(d0, d1) -> (0, 0)>
#map1 = affine_map<(d0, d1) -> (0)>
#map2 = affine_map<(d0, d1) -> (0, 0, 0)>
module attributes {stable_mosaic.version = 14 : i64} {
  func.func @body(%arg0: i32, %arg1: i32, %arg2: memref<10000x128xf32, #tpu.memory_space<hbm>>, %arg3: memref<327680xi32, #tpu.memory_space<hbm>>, %arg4: memref<32x80x128xi32, #tpu.memory_space<hbm>>, %arg5: memref<256x128xf32, #tpu.memory_space<hbm>>, %arg6: memref<2x10240x128xf32, #tpu.memory_space<hbm>>, %arg7: memref<10240x128xf32, #tpu.memory_space<vmem_shared>>, %arg8: memref<80x128xi32, #tpu.memory_space<vmem>>, %arg9: memref<128x128xf32, #tpu.memory_space<vmem>>, %arg10: memref<128x128xf32, #tpu.memory_space<vmem>>, %arg11: memref<128xi32, #tpu.memory_space<vmem>>, %arg12: memref<128xi32, #tpu.memory_space<vmem>>, %arg13: memref<!tpu.dma_semaphore, #tpu.memory_space<semaphore_mem>>, %arg14: memref<!tpu.dma_semaphore, #tpu.memory_space<semaphore_mem>>, %arg15: memref<!tpu.dma_semaphore, #tpu.memory_space<semaphore_mem>>, %arg16: memref<!tpu.dma_semaphore, #tpu.memory_space<semaphore_mem>>) attributes {dimension_semantics = [#tpu.dimension_semantics<core_parallel>, #tpu.dimension_semantics<subcore_parallel>], iteration_bounds = array<i64: 2, 16>, scalar_prefetch = 0 : i64, scratch_operands = 10 : i64, tpu.core_type = #tpu.core_type<sc_vector_subcore>, window_params = [{transform_indices = #map}, {transform_indices = #map1}, {transform_indices = #map2}, {transform_indices = #map}, {transform_indices = #map2}]} {
    %mul3A = arith.constant 2 : i32
    %mul3A_0 = arith.muli %arg1, %mul3A : i32
    %add3A = arith.addi %mul3A_0, %arg0 : i32
    %mul3A_1 = arith.constant 640 : i32
    %mul3A_2 = arith.muli %arg1, %mul3A_1 : i32
    %mul3A_3 = arith.constant 10240 : i32
    %mul3A_4 = arith.muli %add3A, %mul3A_3 : i32
    "tpu.region"() ({
      %run_scoped3A_57 = tpu.sem_alloc : memref<!tpu.dma_semaphore, #tpu.memory_space<semaphore_mem>>
      %dma_start3A_58 = arith.constant 0 : i32
      %dma_start3A_59 = arith.constant 0 : i32
      %dma_start3A_60 = tpu.memref_slice %arg4[%add3A, %dma_start3A_58, %dma_start3A_59] : memref<32x80x128xi32, #tpu.memory_space<hbm>> -> memref<1x80x128xi32, #tpu.memory_space<hbm>>
      %dma_start3A_61 = tpu.memref_squeeze %dma_start3A_60 : memref<1x80x128xi32, #tpu.memory_space<hbm>> -> memref<80x128xi32, #tpu.memory_space<hbm>>
      %dma_start3A_62 = arith.constant 0 : i32
      %dma_start3A_63 = arith.constant 0 : i32
      %dma_start3A_64 = tpu.memref_slice %arg4[%add3A, %dma_start3A_62, %dma_start3A_63] : memref<32x80x128xi32, #tpu.memory_space<hbm>> -> memref<1x80x128xi32, #tpu.memory_space<hbm>>
      %dma_start3A_65 = tpu.memref_squeeze %dma_start3A_64 : memref<1x80x128xi32, #tpu.memory_space<hbm>> -> memref<80x128xi32, #tpu.memory_space<hbm>>
      tpu.enqueue_dma source(%dma_start3A_65 : memref<80x128xi32, #tpu.memory_space<hbm>>) target(%arg8 : memref<80x128xi32, #tpu.memory_space<vmem>>) target_semaphore(%run_scoped3A_57 : memref<!tpu.dma_semaphore, #tpu.memory_space<semaphore_mem>>)
      %dma_wait3A_66 = arith.constant 0 : i32
      %dma_wait3A_67 = arith.constant 0 : i32
      %dma_wait3A_68 = tpu.memref_slice %arg4[%add3A, %dma_wait3A_66, %dma_wait3A_67] : memref<32x80x128xi32, #tpu.memory_space<hbm>> -> memref<1x80x128xi32, #tpu.memory_space<hbm>>
      %dma_wait3A_69 = tpu.memref_squeeze %dma_wait3A_68 : memref<1x80x128xi32, #tpu.memory_space<hbm>> -> memref<80x128xi32, #tpu.memory_space<hbm>>
      %dma_wait3A_70 = arith.constant 0 : i32
      %dma_wait3A_71 = arith.constant 0 : i32
      %dma_wait3A_72 = tpu.memref_slice %arg4[%add3A, %dma_wait3A_70, %dma_wait3A_71] : memref<32x80x128xi32, #tpu.memory_space<hbm>> -> memref<1x80x128xi32, #tpu.memory_space<hbm>>
      %dma_wait3A_73 = tpu.memref_squeeze %dma_wait3A_72 : memref<1x80x128xi32, #tpu.memory_space<hbm>> -> memref<80x128xi32, #tpu.memory_space<hbm>>
      tpu.wait_dma2 semaphore(%run_scoped3A_57 : memref<!tpu.dma_semaphore, #tpu.memory_space<semaphore_mem>>) src(%dma_wait3A_73 : memref<80x128xi32, #tpu.memory_space<hbm>>) dst(%arg8 : memref<80x128xi32, #tpu.memory_space<vmem>>)
      tpu.yield
    }) : () -> ()
    "tpu.region"() ({
      %run_scoped3A_57 = tpu.sem_alloc : memref<!tpu.dma_semaphore, #tpu.memory_space<semaphore_mem>>
      %dma_start3A_58 = arith.constant 128 : i32
      %dma_start3A_59 = arith.constant 0 : i32
      %dma_start3A_60 = tpu.memref_slice %arg5[%dma_start3A_58, %dma_start3A_59] : memref<256x128xf32, #tpu.memory_space<hbm>> -> memref<128x128xf32, #tpu.memory_space<hbm>>
      %dma_start3A_61 = arith.constant 128 : i32
      %dma_start3A_62 = arith.constant 0 : i32
      %dma_start3A_63 = tpu.memref_slice %arg5[%dma_start3A_61, %dma_start3A_62] : memref<256x128xf32, #tpu.memory_space<hbm>> -> memref<128x128xf32, #tpu.memory_space<hbm>>
      tpu.enqueue_dma source(%dma_start3A_63 : memref<128x128xf32, #tpu.memory_space<hbm>>) target(%arg9 : memref<128x128xf32, #tpu.memory_space<vmem>>) target_semaphore(%run_scoped3A_57 : memref<!tpu.dma_semaphore, #tpu.memory_space<semaphore_mem>>)
      %dma_wait3A_64 = arith.constant 128 : i32
      %dma_wait3A_65 = arith.constant 0 : i32
      %dma_wait3A_66 = tpu.memref_slice %arg5[%dma_wait3A_64, %dma_wait3A_65] : memref<256x128xf32, #tpu.memory_space<hbm>> -> memref<128x128xf32, #tpu.memory_space<hbm>>
      %dma_wait3A_67 = arith.constant 128 : i32
      %dma_wait3A_68 = arith.constant 0 : i32
      %dma_wait3A_69 = tpu.memref_slice %arg5[%dma_wait3A_67, %dma_wait3A_68] : memref<256x128xf32, #tpu.memory_space<hbm>> -> memref<128x128xf32, #tpu.memory_space<hbm>>
      tpu.wait_dma2 semaphore(%run_scoped3A_57 : memref<!tpu.dma_semaphore, #tpu.memory_space<semaphore_mem>>) src(%dma_wait3A_69 : memref<128x128xf32, #tpu.memory_space<hbm>>) dst(%arg9 : memref<128x128xf32, #tpu.memory_space<vmem>>)
      tpu.yield
    }) : () -> ()
    %add3A_5 = arith.constant 0 : i32
    %add3A_6 = arith.addi %mul3A_2, %add3A_5 : i32
    "tpu.region"() ({
      %run_scoped3A_57 = tpu.sem_alloc : memref<!tpu.dma_semaphore, #tpu.memory_space<semaphore_mem>>
      %dma_start3A_58 = arith.constant 0 : i32
      %dma_start3A_59 = tpu.memref_slice %arg7[%add3A_6, %dma_start3A_58] : memref<10240x128xf32, #tpu.memory_space<vmem_shared>> -> memref<128x128xf32, #tpu.memory_space<vmem_shared>>
      %dma_start3A_60 = arith.constant 0 : i32
      %dma_start3A_61 = tpu.memref_slice %arg7[%add3A_6, %dma_start3A_60] : memref<10240x128xf32, #tpu.memory_space<vmem_shared>> -> memref<128x128xf32, #tpu.memory_space<vmem_shared>>
      tpu.enqueue_dma source(%arg9 : memref<128x128xf32, #tpu.memory_space<vmem>>) target(%dma_start3A_61 : memref<128x128xf32, #tpu.memory_space<vmem_shared>>) target_semaphore(%run_scoped3A_57 : memref<!tpu.dma_semaphore, #tpu.memory_space<semaphore_mem>>)
      %dma_wait3A_62 = arith.constant 0 : i32
      %dma_wait3A_63 = tpu.memref_slice %arg7[%add3A_6, %dma_wait3A_62] : memref<10240x128xf32, #tpu.memory_space<vmem_shared>> -> memref<128x128xf32, #tpu.memory_space<vmem_shared>>
      %dma_wait3A_64 = arith.constant 0 : i32
      %dma_wait3A_65 = tpu.memref_slice %arg7[%add3A_6, %dma_wait3A_64] : memref<10240x128xf32, #tpu.memory_space<vmem_shared>> -> memref<128x128xf32, #tpu.memory_space<vmem_shared>>
      tpu.wait_dma2 semaphore(%run_scoped3A_57 : memref<!tpu.dma_semaphore, #tpu.memory_space<semaphore_mem>>) src(%arg9 : memref<128x128xf32, #tpu.memory_space<vmem>>) dst(%dma_wait3A_65 : memref<128x128xf32, #tpu.memory_space<vmem_shared>>)
      tpu.yield
    }) : () -> ()
    %add3A_7 = arith.constant 128 : i32
    %add3A_8 = arith.addi %mul3A_2, %add3A_7 : i32
    "tpu.region"() ({
      %run_scoped3A_57 = tpu.sem_alloc : memref<!tpu.dma_semaphore, #tpu.memory_space<semaphore_mem>>
      %dma_start3A_58 = arith.constant 0 : i32
      %dma_start3A_59 = tpu.memref_slice %arg7[%add3A_8, %dma_start3A_58] : memref<10240x128xf32, #tpu.memory_space<vmem_shared>> -> memref<128x128xf32, #tpu.memory_space<vmem_shared>>
      %dma_start3A_60 = arith.constant 0 : i32
      %dma_start3A_61 = tpu.memref_slice %arg7[%add3A_8, %dma_start3A_60] : memref<10240x128xf32, #tpu.memory_space<vmem_shared>> -> memref<128x128xf32, #tpu.memory_space<vmem_shared>>
      tpu.enqueue_dma source(%arg9 : memref<128x128xf32, #tpu.memory_space<vmem>>) target(%dma_start3A_61 : memref<128x128xf32, #tpu.memory_space<vmem_shared>>) target_semaphore(%run_scoped3A_57 : memref<!tpu.dma_semaphore, #tpu.memory_space<semaphore_mem>>)
      %dma_wait3A_62 = arith.constant 0 : i32
      %dma_wait3A_63 = tpu.memref_slice %arg7[%add3A_8, %dma_wait3A_62] : memref<10240x128xf32, #tpu.memory_space<vmem_shared>> -> memref<128x128xf32, #tpu.memory_space<vmem_shared>>
      %dma_wait3A_64 = arith.constant 0 : i32
      %dma_wait3A_65 = tpu.memref_slice %arg7[%add3A_8, %dma_wait3A_64] : memref<10240x128xf32, #tpu.memory_space<vmem_shared>> -> memref<128x128xf32, #tpu.memory_space<vmem_shared>>
      tpu.wait_dma2 semaphore(%run_scoped3A_57 : memref<!tpu.dma_semaphore, #tpu.memory_space<semaphore_mem>>) src(%arg9 : memref<128x128xf32, #tpu.memory_space<vmem>>) dst(%dma_wait3A_65 : memref<128x128xf32, #tpu.memory_space<vmem_shared>>)
      tpu.yield
    }) : () -> ()
    %add3A_9 = arith.constant 256 : i32
    %add3A_10 = arith.addi %mul3A_2, %add3A_9 : i32
    "tpu.region"() ({
      %run_scoped3A_57 = tpu.sem_alloc : memref<!tpu.dma_semaphore, #tpu.memory_space<semaphore_mem>>
      %dma_start3A_58 = arith.constant 0 : i32
      %dma_start3A_59 = tpu.memref_slice %arg7[%add3A_10, %dma_start3A_58] : memref<10240x128xf32, #tpu.memory_space<vmem_shared>> -> memref<128x128xf32, #tpu.memory_space<vmem_shared>>
      %dma_start3A_60 = arith.constant 0 : i32
      %dma_start3A_61 = tpu.memref_slice %arg7[%add3A_10, %dma_start3A_60] : memref<10240x128xf32, #tpu.memory_space<vmem_shared>> -> memref<128x128xf32, #tpu.memory_space<vmem_shared>>
      tpu.enqueue_dma source(%arg9 : memref<128x128xf32, #tpu.memory_space<vmem>>) target(%dma_start3A_61 : memref<128x128xf32, #tpu.memory_space<vmem_shared>>) target_semaphore(%run_scoped3A_57 : memref<!tpu.dma_semaphore, #tpu.memory_space<semaphore_mem>>)
      %dma_wait3A_62 = arith.constant 0 : i32
      %dma_wait3A_63 = tpu.memref_slice %arg7[%add3A_10, %dma_wait3A_62] : memref<10240x128xf32, #tpu.memory_space<vmem_shared>> -> memref<128x128xf32, #tpu.memory_space<vmem_shared>>
      %dma_wait3A_64 = arith.constant 0 : i32
      %dma_wait3A_65 = tpu.memref_slice %arg7[%add3A_10, %dma_wait3A_64] : memref<10240x128xf32, #tpu.memory_space<vmem_shared>> -> memref<128x128xf32, #tpu.memory_space<vmem_shared>>
      tpu.wait_dma2 semaphore(%run_scoped3A_57 : memref<!tpu.dma_semaphore, #tpu.memory_space<semaphore_mem>>) src(%arg9 : memref<128x128xf32, #tpu.memory_space<vmem>>) dst(%dma_wait3A_65 : memref<128x128xf32, #tpu.memory_space<vmem_shared>>)
      tpu.yield
    }) : () -> ()
    %add3A_11 = arith.constant 384 : i32
    %add3A_12 = arith.addi %mul3A_2, %add3A_11 : i32
    "tpu.region"() ({
      %run_scoped3A_57 = tpu.sem_alloc : memref<!tpu.dma_semaphore, #tpu.memory_space<semaphore_mem>>
      %dma_start3A_58 = arith.constant 0 : i32
      %dma_start3A_59 = tpu.memref_slice %arg7[%add3A_12, %dma_start3A_58] : memref<10240x128xf32, #tpu.memory_space<vmem_shared>> -> memref<128x128xf32, #tpu.memory_space<vmem_shared>>
      %dma_start3A_60 = arith.constant 0 : i32
      %dma_start3A_61 = tpu.memref_slice %arg7[%add3A_12, %dma_start3A_60] : memref<10240x128xf32, #tpu.memory_space<vmem_shared>> -> memref<128x128xf32, #tpu.memory_space<vmem_shared>>
      tpu.enqueue_dma source(%arg9 : memref<128x128xf32, #tpu.memory_space<vmem>>) target(%dma_start3A_61 : memref<128x128xf32, #tpu.memory_space<vmem_shared>>) target_semaphore(%run_scoped3A_57 : memref<!tpu.dma_semaphore, #tpu.memory_space<semaphore_mem>>)
      %dma_wait3A_62 = arith.constant 0 : i32
      %dma_wait3A_63 = tpu.memref_slice %arg7[%add3A_12, %dma_wait3A_62] : memref<10240x128xf32, #tpu.memory_space<vmem_shared>> -> memref<128x128xf32, #tpu.memory_space<vmem_shared>>
      %dma_wait3A_64 = arith.constant 0 : i32
      %dma_wait3A_65 = tpu.memref_slice %arg7[%add3A_12, %dma_wait3A_64] : memref<10240x128xf32, #tpu.memory_space<vmem_shared>> -> memref<128x128xf32, #tpu.memory_space<vmem_shared>>
      tpu.wait_dma2 semaphore(%run_scoped3A_57 : memref<!tpu.dma_semaphore, #tpu.memory_space<semaphore_mem>>) src(%arg9 : memref<128x128xf32, #tpu.memory_space<vmem>>) dst(%dma_wait3A_65 : memref<128x128xf32, #tpu.memory_space<vmem_shared>>)
      tpu.yield
    }) : () -> ()
    %add3A_13 = arith.constant 512 : i32
    %add3A_14 = arith.addi %mul3A_2, %add3A_13 : i32
    "tpu.region"() ({
      %run_scoped3A_57 = tpu.sem_alloc : memref<!tpu.dma_semaphore, #tpu.memory_space<semaphore_mem>>
      %dma_start3A_58 = arith.constant 0 : i32
      %dma_start3A_59 = tpu.memref_slice %arg7[%add3A_14, %dma_start3A_58] : memref<10240x128xf32, #tpu.memory_space<vmem_shared>> -> memref<128x128xf32, #tpu.memory_space<vmem_shared>>
      %dma_start3A_60 = arith.constant 0 : i32
      %dma_start3A_61 = tpu.memref_slice %arg7[%add3A_14, %dma_start3A_60] : memref<10240x128xf32, #tpu.memory_space<vmem_shared>> -> memref<128x128xf32, #tpu.memory_space<vmem_shared>>
      tpu.enqueue_dma source(%arg9 : memref<128x128xf32, #tpu.memory_space<vmem>>) target(%dma_start3A_61 : memref<128x128xf32, #tpu.memory_space<vmem_shared>>) target_semaphore(%run_scoped3A_57 : memref<!tpu.dma_semaphore, #tpu.memory_space<semaphore_mem>>)
      %dma_wait3A_62 = arith.constant 0 : i32
      %dma_wait3A_63 = tpu.memref_slice %arg7[%add3A_14, %dma_wait3A_62] : memref<10240x128xf32, #tpu.memory_space<vmem_shared>> -> memref<128x128xf32, #tpu.memory_space<vmem_shared>>
      %dma_wait3A_64 = arith.constant 0 : i32
      %dma_wait3A_65 = tpu.memref_slice %arg7[%add3A_14, %dma_wait3A_64] : memref<10240x128xf32, #tpu.memory_space<vmem_shared>> -> memref<128x128xf32, #tpu.memory_space<vmem_shared>>
      tpu.wait_dma2 semaphore(%run_scoped3A_57 : memref<!tpu.dma_semaphore, #tpu.memory_space<semaphore_mem>>) src(%arg9 : memref<128x128xf32, #tpu.memory_space<vmem>>) dst(%dma_wait3A_65 : memref<128x128xf32, #tpu.memory_space<vmem_shared>>)
      tpu.yield
    }) : () -> ()
    %barrier3A = arith.constant 0 : index
    tpu.barrier barrier_id(%barrier3A)
    "tpu.region"() ({
      %run_scoped3A_57 = tpu.sem_alloc : memref<!tpu.dma_semaphore, #tpu.memory_space<semaphore_mem>>
      %dma_start3A_58 = tpu.memref_slice %arg3[%mul3A_4] : memref<327680xi32, #tpu.memory_space<hbm>> -> memref<128xi32, #tpu.memory_space<hbm>>
      %dma_start3A_59 = tpu.memref_slice %arg3[%mul3A_4] : memref<327680xi32, #tpu.memory_space<hbm>> -> memref<128xi32, #tpu.memory_space<hbm>>
      tpu.enqueue_dma source(%dma_start3A_59 : memref<128xi32, #tpu.memory_space<hbm>>) target(%arg11 : memref<128xi32, #tpu.memory_space<vmem>>) target_semaphore(%run_scoped3A_57 : memref<!tpu.dma_semaphore, #tpu.memory_space<semaphore_mem>>)
      %dma_wait3A_60 = tpu.memref_slice %arg3[%mul3A_4] : memref<327680xi32, #tpu.memory_space<hbm>> -> memref<128xi32, #tpu.memory_space<hbm>>
      %dma_wait3A_61 = tpu.memref_slice %arg3[%mul3A_4] : memref<327680xi32, #tpu.memory_space<hbm>> -> memref<128xi32, #tpu.memory_space<hbm>>
      tpu.wait_dma2 semaphore(%run_scoped3A_57 : memref<!tpu.dma_semaphore, #tpu.memory_space<semaphore_mem>>) src(%dma_wait3A_61 : memref<128xi32, #tpu.memory_space<hbm>>) dst(%arg11 : memref<128xi32, #tpu.memory_space<vmem>>)
      tpu.yield
    }) : () -> ()
    %dma_start3A = arith.constant 0 : i32
    %dma_start3A_15 = arith.constant 0 : i32
    %dma_start3A_16 = tpu.memref_slice %arg2[%dma_start3A, %dma_start3A_15] : memref<10000x128xf32, #tpu.memory_space<hbm>> -> memref<10000x128xf32, #tpu.memory_space<hbm>>
    tpu.enqueue_indirect_dma source(%dma_start3A_16 : memref<10000x128xf32, #tpu.memory_space<hbm>>) target(%arg9 : memref<128x128xf32, #tpu.memory_space<vmem>>) offsets(%arg11 : memref<128xi32, #tpu.memory_space<vmem>>) semaphore(%arg13 : memref<!tpu.dma_semaphore, #tpu.memory_space<semaphore_mem>>)
    %add3A_17 = arith.constant 128 : i32
    %add3A_18 = arith.addi %mul3A_4, %add3A_17 : i32
    %dma_start3A_19 = tpu.memref_slice %arg3[%add3A_18] : memref<327680xi32, #tpu.memory_space<hbm>> -> memref<128xi32, #tpu.memory_space<hbm>>
    %dma_start3A_20 = tpu.memref_slice %arg3[%add3A_18] : memref<327680xi32, #tpu.memory_space<hbm>> -> memref<128xi32, #tpu.memory_space<hbm>>
    tpu.enqueue_dma source(%dma_start3A_20 : memref<128xi32, #tpu.memory_space<hbm>>) target(%arg12 : memref<128xi32, #tpu.memory_space<vmem>>) target_semaphore(%arg16 : memref<!tpu.dma_semaphore, #tpu.memory_space<semaphore_mem>>)
    %scan3A = arith.constant 0 : i32
    %scan3A_21 = arith.constant 39 : i32
    %scan3A_22 = arith.addi %scan3A, %scan3A_21 : i32
    %scan3A_23 = arith.constant 1 : i32
    scf.for %scan3A_57 = %scan3A to %scan3A_22 step %scan3A_23  : i32 {
      %mul3A_58 = arith.constant 2 : i32
      %mul3A_59 = arith.muli %scan3A_57, %mul3A_58 : i32
      %add3A_60 = arith.constant 0 : i32
      %add3A_61 = arith.addi %add3A_60, %mul3A_59 : i32
      %dma_wait3A_62 = tpu.memref_slice %arg3[%mul3A_4] : memref<327680xi32, #tpu.memory_space<hbm>> -> memref<128xi32, #tpu.memory_space<hbm>>
      %dma_wait3A_63 = tpu.memref_slice %arg3[%mul3A_4] : memref<327680xi32, #tpu.memory_space<hbm>> -> memref<128xi32, #tpu.memory_space<hbm>>
      tpu.wait_dma2 semaphore(%arg16 : memref<!tpu.dma_semaphore, #tpu.memory_space<semaphore_mem>>) src(%dma_wait3A_63 : memref<128xi32, #tpu.memory_space<hbm>>) dst(%arg12 : memref<128xi32, #tpu.memory_space<vmem>>)
      %dma_start3A_64 = arith.constant 0 : i32
      %dma_start3A_65 = arith.constant 0 : i32
      %dma_start3A_66 = tpu.memref_slice %arg2[%dma_start3A_64, %dma_start3A_65] : memref<10000x128xf32, #tpu.memory_space<hbm>> -> memref<10000x128xf32, #tpu.memory_space<hbm>>
      tpu.enqueue_indirect_dma source(%dma_start3A_66 : memref<10000x128xf32, #tpu.memory_space<hbm>>) target(%arg10 : memref<128x128xf32, #tpu.memory_space<vmem>>) offsets(%arg12 : memref<128xi32, #tpu.memory_space<vmem>>) semaphore(%arg14 : memref<!tpu.dma_semaphore, #tpu.memory_space<semaphore_mem>>)
      %add3A_67 = arith.constant 2 : i32
      %add3A_68 = arith.addi %add3A_61, %add3A_67 : i32
      %mul3A_69 = arith.constant 128 : i32
      %mul3A_70 = arith.muli %add3A_68, %mul3A_69 : i32
      %add3A_71 = arith.addi %mul3A_4, %mul3A_70 : i32
      %dma_start3A_72 = tpu.memref_slice %arg3[%add3A_71] : memref<327680xi32, #tpu.memory_space<hbm>> -> memref<128xi32, #tpu.memory_space<hbm>>
      %dma_start3A_73 = tpu.memref_slice %arg3[%add3A_71] : memref<327680xi32, #tpu.memory_space<hbm>> -> memref<128xi32, #tpu.memory_space<hbm>>
      tpu.enqueue_dma source(%dma_start3A_73 : memref<128xi32, #tpu.memory_space<hbm>>) target(%arg11 : memref<128xi32, #tpu.memory_space<vmem>>) target_semaphore(%arg15 : memref<!tpu.dma_semaphore, #tpu.memory_space<semaphore_mem>>)
      %dma_wait3A_74 = arith.constant 0 : i32
      %dma_wait3A_75 = arith.constant 0 : i32
      %dma_wait3A_76 = tpu.memref_slice %arg2[%dma_wait3A_74, %dma_wait3A_75] : memref<10000x128xf32, #tpu.memory_space<hbm>> -> memref<10000x128xf32, #tpu.memory_space<hbm>>
      tpu.wait_indirect_dma semaphore(%arg13 : memref<!tpu.dma_semaphore, #tpu.memory_space<semaphore_mem>>) src(%dma_wait3A_76 : memref<10000x128xf32, #tpu.memory_space<hbm>>) dst(%arg9 : memref<128x128xf32, #tpu.memory_space<vmem>>)
      "tpu.region"() ({
        %run_scoped3A_94 = tpu.sem_alloc : memref<!tpu.dma_semaphore, #tpu.memory_space<semaphore_mem>>
        %dma_start3A_95 = arith.constant 0 : i32
        %dma_start3A_96 = tpu.memref_slice %arg8[%add3A_61, %dma_start3A_95] : memref<80x128xi32, #tpu.memory_space<vmem>> -> memref<1x128xi32, #tpu.memory_space<vmem>>
        %dma_start3A_97 = tpu.memref_squeeze %dma_start3A_96 : memref<1x128xi32, #tpu.memory_space<vmem>> -> memref<128xi32, #tpu.memory_space<vmem>>
        %dma_start3A_98 = arith.constant 0 : i32
        %dma_start3A_99 = arith.constant 0 : i32
        %dma_start3A_100 = tpu.memref_slice %arg7[%dma_start3A_98, %dma_start3A_99] : memref<10240x128xf32, #tpu.memory_space<vmem_shared>> -> memref<10240x128xf32, #tpu.memory_space<vmem_shared>>
        tpu.enqueue_indirect_dma source(%arg9 : memref<128x128xf32, #tpu.memory_space<vmem>>) target(%dma_start3A_100 : memref<10240x128xf32, #tpu.memory_space<vmem_shared>>) offsets(%dma_start3A_97 : memref<128xi32, #tpu.memory_space<vmem>>) semaphore(%run_scoped3A_94 : memref<!tpu.dma_semaphore, #tpu.memory_space<semaphore_mem>>) {add = true}
        %dma_wait3A_101 = arith.constant 0 : i32
        %dma_wait3A_102 = tpu.memref_slice %arg8[%add3A_61, %dma_wait3A_101] : memref<80x128xi32, #tpu.memory_space<vmem>> -> memref<1x128xi32, #tpu.memory_space<vmem>>
        %dma_wait3A_103 = tpu.memref_squeeze %dma_wait3A_102 : memref<1x128xi32, #tpu.memory_space<vmem>> -> memref<128xi32, #tpu.memory_space<vmem>>
        %dma_wait3A_104 = arith.constant 0 : i32
        %dma_wait3A_105 = arith.constant 0 : i32
        %dma_wait3A_106 = tpu.memref_slice %arg7[%dma_wait3A_104, %dma_wait3A_105] : memref<10240x128xf32, #tpu.memory_space<vmem_shared>> -> memref<10240x128xf32, #tpu.memory_space<vmem_shared>>
        tpu.wait_indirect_dma semaphore(%run_scoped3A_94 : memref<!tpu.dma_semaphore, #tpu.memory_space<semaphore_mem>>) src(%arg9 : memref<128x128xf32, #tpu.memory_space<vmem>>) dst(%dma_wait3A_106 : memref<10240x128xf32, #tpu.memory_space<vmem_shared>>)
        tpu.yield
      }) : () -> ()
      %dma_wait3A_77 = tpu.memref_slice %arg3[%mul3A_4] : memref<327680xi32, #tpu.memory_space<hbm>> -> memref<128xi32, #tpu.memory_space<hbm>>
      %dma_wait3A_78 = tpu.memref_slice %arg3[%mul3A_4] : memref<327680xi32, #tpu.memory_space<hbm>> -> memref<128xi32, #tpu.memory_space<hbm>>
      tpu.wait_dma2 semaphore(%arg15 : memref<!tpu.dma_semaphore, #tpu.memory_space<semaphore_mem>>) src(%dma_wait3A_78 : memref<128xi32, #tpu.memory_space<hbm>>) dst(%arg11 : memref<128xi32, #tpu.memory_space<vmem>>)
      %dma_start3A_79 = arith.constant 0 : i32
      %dma_start3A_80 = arith.constant 0 : i32
      %dma_start3A_81 = tpu.memref_slice %arg2[%dma_start3A_79, %dma_start3A_80] : memref<10000x128xf32, #tpu.memory_space<hbm>> -> memref<10000x128xf32, #tpu.memory_space<hbm>>
      tpu.enqueue_indirect_dma source(%dma_start3A_81 : memref<10000x128xf32, #tpu.memory_space<hbm>>) target(%arg9 : memref<128x128xf32, #tpu.memory_space<vmem>>) offsets(%arg11 : memref<128xi32, #tpu.memory_space<vmem>>) semaphore(%arg13 : memref<!tpu.dma_semaphore, #tpu.memory_space<semaphore_mem>>)
      %add3A_82 = arith.constant 3 : i32
      %add3A_83 = arith.addi %add3A_61, %add3A_82 : i32
      %mul3A_84 = arith.constant 128 : i32
      %mul3A_85 = arith.muli %add3A_83, %mul3A_84 : i32
      %add3A_86 = arith.addi %mul3A_4, %mul3A_85 : i32
      %dma_start3A_87 = tpu.memref_slice %arg3[%add3A_86] : memref<327680xi32, #tpu.memory_space<hbm>> -> memref<128xi32, #tpu.memory_space<hbm>>
      %dma_start3A_88 = tpu.memref_slice %arg3[%add3A_86] : memref<327680xi32, #tpu.memory_space<hbm>> -> memref<128xi32, #tpu.memory_space<hbm>>
      tpu.enqueue_dma source(%dma_start3A_88 : memref<128xi32, #tpu.memory_space<hbm>>) target(%arg12 : memref<128xi32, #tpu.memory_space<vmem>>) target_semaphore(%arg16 : memref<!tpu.dma_semaphore, #tpu.memory_space<semaphore_mem>>)
      %add3A_89 = arith.constant 1 : i32
      %add3A_90 = arith.addi %add3A_61, %add3A_89 : i32
      %dma_wait3A_91 = arith.constant 0 : i32
      %dma_wait3A_92 = arith.constant 0 : i32
      %dma_wait3A_93 = tpu.memref_slice %arg2[%dma_wait3A_91, %dma_wait3A_92] : memref<10000x128xf32, #tpu.memory_space<hbm>> -> memref<10000x128xf32, #tpu.memory_space<hbm>>
      tpu.wait_indirect_dma semaphore(%arg14 : memref<!tpu.dma_semaphore, #tpu.memory_space<semaphore_mem>>) src(%dma_wait3A_93 : memref<10000x128xf32, #tpu.memory_space<hbm>>) dst(%arg10 : memref<128x128xf32, #tpu.memory_space<vmem>>)
      "tpu.region"() ({
        %run_scoped3A_94 = tpu.sem_alloc : memref<!tpu.dma_semaphore, #tpu.memory_space<semaphore_mem>>
        %dma_start3A_95 = arith.constant 0 : i32
        %dma_start3A_96 = tpu.memref_slice %arg8[%add3A_90, %dma_start3A_95] : memref<80x128xi32, #tpu.memory_space<vmem>> -> memref<1x128xi32, #tpu.memory_space<vmem>>
        %dma_start3A_97 = tpu.memref_squeeze %dma_start3A_96 : memref<1x128xi32, #tpu.memory_space<vmem>> -> memref<128xi32, #tpu.memory_space<vmem>>
        %dma_start3A_98 = arith.constant 0 : i32
        %dma_start3A_99 = arith.constant 0 : i32
        %dma_start3A_100 = tpu.memref_slice %arg7[%dma_start3A_98, %dma_start3A_99] : memref<10240x128xf32, #tpu.memory_space<vmem_shared>> -> memref<10240x128xf32, #tpu.memory_space<vmem_shared>>
        tpu.enqueue_indirect_dma source(%arg10 : memref<128x128xf32, #tpu.memory_space<vmem>>) target(%dma_start3A_100 : memref<10240x128xf32, #tpu.memory_space<vmem_shared>>) offsets(%dma_start3A_97 : memref<128xi32, #tpu.memory_space<vmem>>) semaphore(%run_scoped3A_94 : memref<!tpu.dma_semaphore, #tpu.memory_space<semaphore_mem>>) {add = true}
        %dma_wait3A_101 = arith.constant 0 : i32
        %dma_wait3A_102 = tpu.memref_slice %arg8[%add3A_90, %dma_wait3A_101] : memref<80x128xi32, #tpu.memory_space<vmem>> -> memref<1x128xi32, #tpu.memory_space<vmem>>
        %dma_wait3A_103 = tpu.memref_squeeze %dma_wait3A_102 : memref<1x128xi32, #tpu.memory_space<vmem>> -> memref<128xi32, #tpu.memory_space<vmem>>
        %dma_wait3A_104 = arith.constant 0 : i32
        %dma_wait3A_105 = arith.constant 0 : i32
        %dma_wait3A_106 = tpu.memref_slice %arg7[%dma_wait3A_104, %dma_wait3A_105] : memref<10240x128xf32, #tpu.memory_space<vmem_shared>> -> memref<10240x128xf32, #tpu.memory_space<vmem_shared>>
        tpu.wait_indirect_dma semaphore(%run_scoped3A_94 : memref<!tpu.dma_semaphore, #tpu.memory_space<semaphore_mem>>) src(%arg10 : memref<128x128xf32, #tpu.memory_space<vmem>>) dst(%dma_wait3A_106 : memref<10240x128xf32, #tpu.memory_space<vmem_shared>>)
        tpu.yield
      }) : () -> ()
    }
    %scan3A_24 = arith.constant 39 : i32
    %dma_wait3A = tpu.memref_slice %arg3[%mul3A_4] : memref<327680xi32, #tpu.memory_space<hbm>> -> memref<128xi32, #tpu.memory_space<hbm>>
    %dma_wait3A_25 = tpu.memref_slice %arg3[%mul3A_4] : memref<327680xi32, #tpu.memory_space<hbm>> -> memref<128xi32, #tpu.memory_space<hbm>>
    tpu.wait_dma2 semaphore(%arg16 : memref<!tpu.dma_semaphore, #tpu.memory_space<semaphore_mem>>) src(%dma_wait3A_25 : memref<128xi32, #tpu.memory_space<hbm>>) dst(%arg12 : memref<128xi32, #tpu.memory_space<vmem>>)
    %dma_start3A_26 = arith.constant 0 : i32
    %dma_start3A_27 = arith.constant 0 : i32
    %dma_start3A_28 = tpu.memref_slice %arg2[%dma_start3A_26, %dma_start3A_27] : memref<10000x128xf32, #tpu.memory_space<hbm>> -> memref<10000x128xf32, #tpu.memory_space<hbm>>
    tpu.enqueue_indirect_dma source(%dma_start3A_28 : memref<10000x128xf32, #tpu.memory_space<hbm>>) target(%arg10 : memref<128x128xf32, #tpu.memory_space<vmem>>) offsets(%arg12 : memref<128xi32, #tpu.memory_space<vmem>>) semaphore(%arg14 : memref<!tpu.dma_semaphore, #tpu.memory_space<semaphore_mem>>)
    %dma_wait3A_29 = arith.constant 0 : i32
    %dma_wait3A_30 = arith.constant 0 : i32
    %dma_wait3A_31 = tpu.memref_slice %arg2[%dma_wait3A_29, %dma_wait3A_30] : memref<10000x128xf32, #tpu.memory_space<hbm>> -> memref<10000x128xf32, #tpu.memory_space<hbm>>
    tpu.wait_indirect_dma semaphore(%arg13 : memref<!tpu.dma_semaphore, #tpu.memory_space<semaphore_mem>>) src(%dma_wait3A_31 : memref<10000x128xf32, #tpu.memory_space<hbm>>) dst(%arg9 : memref<128x128xf32, #tpu.memory_space<vmem>>)
    %run_scoped3A = arith.constant 78 : i32
    "tpu.region"() ({
      %run_scoped3A_57 = tpu.sem_alloc : memref<!tpu.dma_semaphore, #tpu.memory_space<semaphore_mem>>
      %dma_start3A_58 = arith.constant 0 : i32
      %dma_start3A_59 = tpu.memref_slice %arg8[%run_scoped3A, %dma_start3A_58] : memref<80x128xi32, #tpu.memory_space<vmem>> -> memref<1x128xi32, #tpu.memory_space<vmem>>
      %dma_start3A_60 = tpu.memref_squeeze %dma_start3A_59 : memref<1x128xi32, #tpu.memory_space<vmem>> -> memref<128xi32, #tpu.memory_space<vmem>>
      %dma_start3A_61 = arith.constant 0 : i32
      %dma_start3A_62 = arith.constant 0 : i32
      %dma_start3A_63 = tpu.memref_slice %arg7[%dma_start3A_61, %dma_start3A_62] : memref<10240x128xf32, #tpu.memory_space<vmem_shared>> -> memref<10240x128xf32, #tpu.memory_space<vmem_shared>>
      tpu.enqueue_indirect_dma source(%arg9 : memref<128x128xf32, #tpu.memory_space<vmem>>) target(%dma_start3A_63 : memref<10240x128xf32, #tpu.memory_space<vmem_shared>>) offsets(%dma_start3A_60 : memref<128xi32, #tpu.memory_space<vmem>>) semaphore(%run_scoped3A_57 : memref<!tpu.dma_semaphore, #tpu.memory_space<semaphore_mem>>) {add = true}
      %dma_wait3A_64 = arith.constant 0 : i32
      %dma_wait3A_65 = tpu.memref_slice %arg8[%run_scoped3A, %dma_wait3A_64] : memref<80x128xi32, #tpu.memory_space<vmem>> -> memref<1x128xi32, #tpu.memory_space<vmem>>
      %dma_wait3A_66 = tpu.memref_squeeze %dma_wait3A_65 : memref<1x128xi32, #tpu.memory_space<vmem>> -> memref<128xi32, #tpu.memory_space<vmem>>
      %dma_wait3A_67 = arith.constant 0 : i32
      %dma_wait3A_68 = arith.constant 0 : i32
      %dma_wait3A_69 = tpu.memref_slice %arg7[%dma_wait3A_67, %dma_wait3A_68] : memref<10240x128xf32, #tpu.memory_space<vmem_shared>> -> memref<10240x128xf32, #tpu.memory_space<vmem_shared>>
      tpu.wait_indirect_dma semaphore(%run_scoped3A_57 : memref<!tpu.dma_semaphore, #tpu.memory_space<semaphore_mem>>) src(%arg9 : memref<128x128xf32, #tpu.memory_space<vmem>>) dst(%dma_wait3A_69 : memref<10240x128xf32, #tpu.memory_space<vmem_shared>>)
      tpu.yield
    }) : () -> ()
    %dma_wait3A_32 = arith.constant 0 : i32
    %dma_wait3A_33 = arith.constant 0 : i32
    %dma_wait3A_34 = tpu.memref_slice %arg2[%dma_wait3A_32, %dma_wait3A_33] : memref<10000x128xf32, #tpu.memory_space<hbm>> -> memref<10000x128xf32, #tpu.memory_space<hbm>>
    tpu.wait_indirect_dma semaphore(%arg14 : memref<!tpu.dma_semaphore, #tpu.memory_space<semaphore_mem>>) src(%dma_wait3A_34 : memref<10000x128xf32, #tpu.memory_space<hbm>>) dst(%arg10 : memref<128x128xf32, #tpu.memory_space<vmem>>)
    %run_scoped3A_35 = arith.constant 79 : i32
    "tpu.region"() ({
      %run_scoped3A_57 = tpu.sem_alloc : memref<!tpu.dma_semaphore, #tpu.memory_space<semaphore_mem>>
      %dma_start3A_58 = arith.constant 0 : i32
      %dma_start3A_59 = tpu.memref_slice %arg8[%run_scoped3A_35, %dma_start3A_58] : memref<80x128xi32, #tpu.memory_space<vmem>> -> memref<1x128xi32, #tpu.memory_space<vmem>>
      %dma_start3A_60 = tpu.memref_squeeze %dma_start3A_59 : memref<1x128xi32, #tpu.memory_space<vmem>> -> memref<128xi32, #tpu.memory_space<vmem>>
      %dma_start3A_61 = arith.constant 0 : i32
      %dma_start3A_62 = arith.constant 0 : i32
      %dma_start3A_63 = tpu.memref_slice %arg7[%dma_start3A_61, %dma_start3A_62] : memref<10240x128xf32, #tpu.memory_space<vmem_shared>> -> memref<10240x128xf32, #tpu.memory_space<vmem_shared>>
      tpu.enqueue_indirect_dma source(%arg10 : memref<128x128xf32, #tpu.memory_space<vmem>>) target(%dma_start3A_63 : memref<10240x128xf32, #tpu.memory_space<vmem_shared>>) offsets(%dma_start3A_60 : memref<128xi32, #tpu.memory_space<vmem>>) semaphore(%run_scoped3A_57 : memref<!tpu.dma_semaphore, #tpu.memory_space<semaphore_mem>>) {add = true}
      %dma_wait3A_64 = arith.constant 0 : i32
      %dma_wait3A_65 = tpu.memref_slice %arg8[%run_scoped3A_35, %dma_wait3A_64] : memref<80x128xi32, #tpu.memory_space<vmem>> -> memref<1x128xi32, #tpu.memory_space<vmem>>
      %dma_wait3A_66 = tpu.memref_squeeze %dma_wait3A_65 : memref<1x128xi32, #tpu.memory_space<vmem>> -> memref<128xi32, #tpu.memory_space<vmem>>
      %dma_wait3A_67 = arith.constant 0 : i32
      %dma_wait3A_68 = arith.constant 0 : i32
      %dma_wait3A_69 = tpu.memref_slice %arg7[%dma_wait3A_67, %dma_wait3A_68] : memref<10240x128xf32, #tpu.memory_space<vmem_shared>> -> memref<10240x128xf32, #tpu.memory_space<vmem_shared>>
      tpu.wait_indirect_dma semaphore(%run_scoped3A_57 : memref<!tpu.dma_semaphore, #tpu.memory_space<semaphore_mem>>) src(%arg10 : memref<128x128xf32, #tpu.memory_space<vmem>>) dst(%dma_wait3A_69 : memref<10240x128xf32, #tpu.memory_space<vmem_shared>>)
      tpu.yield
    }) : () -> ()
    %barrier3A_36 = arith.constant 0 : index
    tpu.barrier barrier_id(%barrier3A_36)
    %add3A_37 = arith.constant 0 : i32
    %add3A_38 = arith.addi %mul3A_2, %add3A_37 : i32
    "tpu.region"() ({
      %run_scoped3A_57 = tpu.sem_alloc : memref<!tpu.dma_semaphore, #tpu.memory_space<semaphore_mem>>
      %dma_start3A_58 = arith.constant 0 : i32
      %dma_start3A_59 = tpu.memref_slice %arg7[%add3A_38, %dma_start3A_58] : memref<10240x128xf32, #tpu.memory_space<vmem_shared>> -> memref<128x128xf32, #tpu.memory_space<vmem_shared>>
      %dma_start3A_60 = arith.constant 0 : i32
      %dma_start3A_61 = tpu.memref_slice %arg7[%add3A_38, %dma_start3A_60] : memref<10240x128xf32, #tpu.memory_space<vmem_shared>> -> memref<128x128xf32, #tpu.memory_space<vmem_shared>>
      tpu.enqueue_dma source(%dma_start3A_61 : memref<128x128xf32, #tpu.memory_space<vmem_shared>>) target(%arg9 : memref<128x128xf32, #tpu.memory_space<vmem>>) target_semaphore(%run_scoped3A_57 : memref<!tpu.dma_semaphore, #tpu.memory_space<semaphore_mem>>)
      %dma_wait3A_62 = arith.constant 0 : i32
      %dma_wait3A_63 = tpu.memref_slice %arg7[%add3A_38, %dma_wait3A_62] : memref<10240x128xf32, #tpu.memory_space<vmem_shared>> -> memref<128x128xf32, #tpu.memory_space<vmem_shared>>
      %dma_wait3A_64 = arith.constant 0 : i32
      %dma_wait3A_65 = tpu.memref_slice %arg7[%add3A_38, %dma_wait3A_64] : memref<10240x128xf32, #tpu.memory_space<vmem_shared>> -> memref<128x128xf32, #tpu.memory_space<vmem_shared>>
      tpu.wait_dma2 semaphore(%run_scoped3A_57 : memref<!tpu.dma_semaphore, #tpu.memory_space<semaphore_mem>>) src(%dma_wait3A_65 : memref<128x128xf32, #tpu.memory_space<vmem_shared>>) dst(%arg9 : memref<128x128xf32, #tpu.memory_space<vmem>>)
      tpu.yield
    }) : () -> ()
    %add3A_39 = arith.constant 0 : i32
    %add3A_40 = arith.addi %mul3A_2, %add3A_39 : i32
    "tpu.region"() ({
      %run_scoped3A_57 = tpu.sem_alloc : memref<!tpu.dma_semaphore, #tpu.memory_space<semaphore_mem>>
      %dma_start3A_58 = arith.constant 0 : i32
      %dma_start3A_59 = tpu.memref_slice %arg6[%arg0, %add3A_40, %dma_start3A_58] : memref<2x10240x128xf32, #tpu.memory_space<hbm>> -> memref<1x128x128xf32, #tpu.memory_space<hbm>>
      %dma_start3A_60 = tpu.memref_squeeze %dma_start3A_59 : memref<1x128x128xf32, #tpu.memory_space<hbm>> -> memref<128x128xf32, #tpu.memory_space<hbm>>
      %dma_start3A_61 = arith.constant 0 : i32
      %dma_start3A_62 = tpu.memref_slice %arg6[%arg0, %add3A_40, %dma_start3A_61] : memref<2x10240x128xf32, #tpu.memory_space<hbm>> -> memref<1x128x128xf32, #tpu.memory_space<hbm>>
      %dma_start3A_63 = tpu.memref_squeeze %dma_start3A_62 : memref<1x128x128xf32, #tpu.memory_space<hbm>> -> memref<128x128xf32, #tpu.memory_space<hbm>>
      tpu.enqueue_dma source(%arg9 : memref<128x128xf32, #tpu.memory_space<vmem>>) target(%dma_start3A_63 : memref<128x128xf32, #tpu.memory_space<hbm>>) target_semaphore(%run_scoped3A_57 : memref<!tpu.dma_semaphore, #tpu.memory_space<semaphore_mem>>)
      %dma_wait3A_64 = arith.constant 0 : i32
      %dma_wait3A_65 = tpu.memref_slice %arg6[%arg0, %add3A_40, %dma_wait3A_64] : memref<2x10240x128xf32, #tpu.memory_space<hbm>> -> memref<1x128x128xf32, #tpu.memory_space<hbm>>
      %dma_wait3A_66 = tpu.memref_squeeze %dma_wait3A_65 : memref<1x128x128xf32, #tpu.memory_space<hbm>> -> memref<128x128xf32, #tpu.memory_space<hbm>>
      %dma_wait3A_67 = arith.constant 0 : i32
      %dma_wait3A_68 = tpu.memref_slice %arg6[%arg0, %add3A_40, %dma_wait3A_67] : memref<2x10240x128xf32, #tpu.memory_space<hbm>> -> memref<1x128x128xf32, #tpu.memory_space<hbm>>
      %dma_wait3A_69 = tpu.memref_squeeze %dma_wait3A_68 : memref<1x128x128xf32, #tpu.memory_space<hbm>> -> memref<128x128xf32, #tpu.memory_space<hbm>>
      tpu.wait_dma2 semaphore(%run_scoped3A_57 : memref<!tpu.dma_semaphore, #tpu.memory_space<semaphore_mem>>) src(%arg9 : memref<128x128xf32, #tpu.memory_space<vmem>>) dst(%dma_wait3A_69 : memref<128x128xf32, #tpu.memory_space<hbm>>)
      tpu.yield
    }) : () -> ()
    %add3A_41 = arith.constant 128 : i32
    %add3A_42 = arith.addi %mul3A_2, %add3A_41 : i32
    "tpu.region"() ({
      %run_scoped3A_57 = tpu.sem_alloc : memref<!tpu.dma_semaphore, #tpu.memory_space<semaphore_mem>>
      %dma_start3A_58 = arith.constant 0 : i32
      %dma_start3A_59 = tpu.memref_slice %arg7[%add3A_42, %dma_start3A_58] : memref<10240x128xf32, #tpu.memory_space<vmem_shared>> -> memref<128x128xf32, #tpu.memory_space<vmem_shared>>
      %dma_start3A_60 = arith.constant 0 : i32
      %dma_start3A_61 = tpu.memref_slice %arg7[%add3A_42, %dma_start3A_60] : memref<10240x128xf32, #tpu.memory_space<vmem_shared>> -> memref<128x128xf32, #tpu.memory_space<vmem_shared>>
      tpu.enqueue_dma source(%dma_start3A_61 : memref<128x128xf32, #tpu.memory_space<vmem_shared>>) target(%arg9 : memref<128x128xf32, #tpu.memory_space<vmem>>) target_semaphore(%run_scoped3A_57 : memref<!tpu.dma_semaphore, #tpu.memory_space<semaphore_mem>>)
      %dma_wait3A_62 = arith.constant 0 : i32
      %dma_wait3A_63 = tpu.memref_slice %arg7[%add3A_42, %dma_wait3A_62] : memref<10240x128xf32, #tpu.memory_space<vmem_shared>> -> memref<128x128xf32, #tpu.memory_space<vmem_shared>>
      %dma_wait3A_64 = arith.constant 0 : i32
      %dma_wait3A_65 = tpu.memref_slice %arg7[%add3A_42, %dma_wait3A_64] : memref<10240x128xf32, #tpu.memory_space<vmem_shared>> -> memref<128x128xf32, #tpu.memory_space<vmem_shared>>
      tpu.wait_dma2 semaphore(%run_scoped3A_57 : memref<!tpu.dma_semaphore, #tpu.memory_space<semaphore_mem>>) src(%dma_wait3A_65 : memref<128x128xf32, #tpu.memory_space<vmem_shared>>) dst(%arg9 : memref<128x128xf32, #tpu.memory_space<vmem>>)
      tpu.yield
    }) : () -> ()
    %add3A_43 = arith.constant 128 : i32
    %add3A_44 = arith.addi %mul3A_2, %add3A_43 : i32
    "tpu.region"() ({
      %run_scoped3A_57 = tpu.sem_alloc : memref<!tpu.dma_semaphore, #tpu.memory_space<semaphore_mem>>
      %dma_start3A_58 = arith.constant 0 : i32
      %dma_start3A_59 = tpu.memref_slice %arg6[%arg0, %add3A_44, %dma_start3A_58] : memref<2x10240x128xf32, #tpu.memory_space<hbm>> -> memref<1x128x128xf32, #tpu.memory_space<hbm>>
      %dma_start3A_60 = tpu.memref_squeeze %dma_start3A_59 : memref<1x128x128xf32, #tpu.memory_space<hbm>> -> memref<128x128xf32, #tpu.memory_space<hbm>>
      %dma_start3A_61 = arith.constant 0 : i32
      %dma_start3A_62 = tpu.memref_slice %arg6[%arg0, %add3A_44, %dma_start3A_61] : memref<2x10240x128xf32, #tpu.memory_space<hbm>> -> memref<1x128x128xf32, #tpu.memory_space<hbm>>
      %dma_start3A_63 = tpu.memref_squeeze %dma_start3A_62 : memref<1x128x128xf32, #tpu.memory_space<hbm>> -> memref<128x128xf32, #tpu.memory_space<hbm>>
      tpu.enqueue_dma source(%arg9 : memref<128x128xf32, #tpu.memory_space<vmem>>) target(%dma_start3A_63 : memref<128x128xf32, #tpu.memory_space<hbm>>) target_semaphore(%run_scoped3A_57 : memref<!tpu.dma_semaphore, #tpu.memory_space<semaphore_mem>>)
      %dma_wait3A_64 = arith.constant 0 : i32
      %dma_wait3A_65 = tpu.memref_slice %arg6[%arg0, %add3A_44, %dma_wait3A_64] : memref<2x10240x128xf32, #tpu.memory_space<hbm>> -> memref<1x128x128xf32, #tpu.memory_space<hbm>>
      %dma_wait3A_66 = tpu.memref_squeeze %dma_wait3A_65 : memref<1x128x128xf32, #tpu.memory_space<hbm>> -> memref<128x128xf32, #tpu.memory_space<hbm>>
      %dma_wait3A_67 = arith.constant 0 : i32
      %dma_wait3A_68 = tpu.memref_slice %arg6[%arg0, %add3A_44, %dma_wait3A_67] : memref<2x10240x128xf32, #tpu.memory_space<hbm>> -> memref<1x128x128xf32, #tpu.memory_space<hbm>>
      %dma_wait3A_69 = tpu.memref_squeeze %dma_wait3A_68 : memref<1x128x128xf32, #tpu.memory_space<hbm>> -> memref<128x128xf32, #tpu.memory_space<hbm>>
      tpu.wait_dma2 semaphore(%run_scoped3A_57 : memref<!tpu.dma_semaphore, #tpu.memory_space<semaphore_mem>>) src(%arg9 : memref<128x128xf32, #tpu.memory_space<vmem>>) dst(%dma_wait3A_69 : memref<128x128xf32, #tpu.memory_space<hbm>>)
      tpu.yield
    }) : () -> ()
    %add3A_45 = arith.constant 256 : i32
    %add3A_46 = arith.addi %mul3A_2, %add3A_45 : i32
    "tpu.region"() ({
      %run_scoped3A_57 = tpu.sem_alloc : memref<!tpu.dma_semaphore, #tpu.memory_space<semaphore_mem>>
      %dma_start3A_58 = arith.constant 0 : i32
      %dma_start3A_59 = tpu.memref_slice %arg7[%add3A_46, %dma_start3A_58] : memref<10240x128xf32, #tpu.memory_space<vmem_shared>> -> memref<128x128xf32, #tpu.memory_space<vmem_shared>>
      %dma_start3A_60 = arith.constant 0 : i32
      %dma_start3A_61 = tpu.memref_slice %arg7[%add3A_46, %dma_start3A_60] : memref<10240x128xf32, #tpu.memory_space<vmem_shared>> -> memref<128x128xf32, #tpu.memory_space<vmem_shared>>
      tpu.enqueue_dma source(%dma_start3A_61 : memref<128x128xf32, #tpu.memory_space<vmem_shared>>) target(%arg9 : memref<128x128xf32, #tpu.memory_space<vmem>>) target_semaphore(%run_scoped3A_57 : memref<!tpu.dma_semaphore, #tpu.memory_space<semaphore_mem>>)
      %dma_wait3A_62 = arith.constant 0 : i32
      %dma_wait3A_63 = tpu.memref_slice %arg7[%add3A_46, %dma_wait3A_62] : memref<10240x128xf32, #tpu.memory_space<vmem_shared>> -> memref<128x128xf32, #tpu.memory_space<vmem_shared>>
      %dma_wait3A_64 = arith.constant 0 : i32
      %dma_wait3A_65 = tpu.memref_slice %arg7[%add3A_46, %dma_wait3A_64] : memref<10240x128xf32, #tpu.memory_space<vmem_shared>> -> memref<128x128xf32, #tpu.memory_space<vmem_shared>>
      tpu.wait_dma2 semaphore(%run_scoped3A_57 : memref<!tpu.dma_semaphore, #tpu.memory_space<semaphore_mem>>) src(%dma_wait3A_65 : memref<128x128xf32, #tpu.memory_space<vmem_shared>>) dst(%arg9 : memref<128x128xf32, #tpu.memory_space<vmem>>)
      tpu.yield
    }) : () -> ()
    %add3A_47 = arith.constant 256 : i32
    %add3A_48 = arith.addi %mul3A_2, %add3A_47 : i32
    "tpu.region"() ({
      %run_scoped3A_57 = tpu.sem_alloc : memref<!tpu.dma_semaphore, #tpu.memory_space<semaphore_mem>>
      %dma_start3A_58 = arith.constant 0 : i32
      %dma_start3A_59 = tpu.memref_slice %arg6[%arg0, %add3A_48, %dma_start3A_58] : memref<2x10240x128xf32, #tpu.memory_space<hbm>> -> memref<1x128x128xf32, #tpu.memory_space<hbm>>
      %dma_start3A_60 = tpu.memref_squeeze %dma_start3A_59 : memref<1x128x128xf32, #tpu.memory_space<hbm>> -> memref<128x128xf32, #tpu.memory_space<hbm>>
      %dma_start3A_61 = arith.constant 0 : i32
      %dma_start3A_62 = tpu.memref_slice %arg6[%arg0, %add3A_48, %dma_start3A_61] : memref<2x10240x128xf32, #tpu.memory_space<hbm>> -> memref<1x128x128xf32, #tpu.memory_space<hbm>>
      %dma_start3A_63 = tpu.memref_squeeze %dma_start3A_62 : memref<1x128x128xf32, #tpu.memory_space<hbm>> -> memref<128x128xf32, #tpu.memory_space<hbm>>
      tpu.enqueue_dma source(%arg9 : memref<128x128xf32, #tpu.memory_space<vmem>>) target(%dma_start3A_63 : memref<128x128xf32, #tpu.memory_space<hbm>>) target_semaphore(%run_scoped3A_57 : memref<!tpu.dma_semaphore, #tpu.memory_space<semaphore_mem>>)
      %dma_wait3A_64 = arith.constant 0 : i32
      %dma_wait3A_65 = tpu.memref_slice %arg6[%arg0, %add3A_48, %dma_wait3A_64] : memref<2x10240x128xf32, #tpu.memory_space<hbm>> -> memref<1x128x128xf32, #tpu.memory_space<hbm>>
      %dma_wait3A_66 = tpu.memref_squeeze %dma_wait3A_65 : memref<1x128x128xf32, #tpu.memory_space<hbm>> -> memref<128x128xf32, #tpu.memory_space<hbm>>
      %dma_wait3A_67 = arith.constant 0 : i32
      %dma_wait3A_68 = tpu.memref_slice %arg6[%arg0, %add3A_48, %dma_wait3A_67] : memref<2x10240x128xf32, #tpu.memory_space<hbm>> -> memref<1x128x128xf32, #tpu.memory_space<hbm>>
      %dma_wait3A_69 = tpu.memref_squeeze %dma_wait3A_68 : memref<1x128x128xf32, #tpu.memory_space<hbm>> -> memref<128x128xf32, #tpu.memory_space<hbm>>
      tpu.wait_dma2 semaphore(%run_scoped3A_57 : memref<!tpu.dma_semaphore, #tpu.memory_space<semaphore_mem>>) src(%arg9 : memref<128x128xf32, #tpu.memory_space<vmem>>) dst(%dma_wait3A_69 : memref<128x128xf32, #tpu.memory_space<hbm>>)
      tpu.yield
    }) : () -> ()
    %add3A_49 = arith.constant 384 : i32
    %add3A_50 = arith.addi %mul3A_2, %add3A_49 : i32
    "tpu.region"() ({
      %run_scoped3A_57 = tpu.sem_alloc : memref<!tpu.dma_semaphore, #tpu.memory_space<semaphore_mem>>
      %dma_start3A_58 = arith.constant 0 : i32
      %dma_start3A_59 = tpu.memref_slice %arg7[%add3A_50, %dma_start3A_58] : memref<10240x128xf32, #tpu.memory_space<vmem_shared>> -> memref<128x128xf32, #tpu.memory_space<vmem_shared>>
      %dma_start3A_60 = arith.constant 0 : i32
      %dma_start3A_61 = tpu.memref_slice %arg7[%add3A_50, %dma_start3A_60] : memref<10240x128xf32, #tpu.memory_space<vmem_shared>> -> memref<128x128xf32, #tpu.memory_space<vmem_shared>>
      tpu.enqueue_dma source(%dma_start3A_61 : memref<128x128xf32, #tpu.memory_space<vmem_shared>>) target(%arg9 : memref<128x128xf32, #tpu.memory_space<vmem>>) target_semaphore(%run_scoped3A_57 : memref<!tpu.dma_semaphore, #tpu.memory_space<semaphore_mem>>)
      %dma_wait3A_62 = arith.constant 0 : i32
      %dma_wait3A_63 = tpu.memref_slice %arg7[%add3A_50, %dma_wait3A_62] : memref<10240x128xf32, #tpu.memory_space<vmem_shared>> -> memref<128x128xf32, #tpu.memory_space<vmem_shared>>
      %dma_wait3A_64 = arith.constant 0 : i32
      %dma_wait3A_65 = tpu.memref_slice %arg7[%add3A_50, %dma_wait3A_64] : memref<10240x128xf32, #tpu.memory_space<vmem_shared>> -> memref<128x128xf32, #tpu.memory_space<vmem_shared>>
      tpu.wait_dma2 semaphore(%run_scoped3A_57 : memref<!tpu.dma_semaphore, #tpu.memory_space<semaphore_mem>>) src(%dma_wait3A_65 : memref<128x128xf32, #tpu.memory_space<vmem_shared>>) dst(%arg9 : memref<128x128xf32, #tpu.memory_space<vmem>>)
      tpu.yield
    }) : () -> ()
    %add3A_51 = arith.constant 384 : i32
    %add3A_52 = arith.addi %mul3A_2, %add3A_51 : i32
    "tpu.region"() ({
      %run_scoped3A_57 = tpu.sem_alloc : memref<!tpu.dma_semaphore, #tpu.memory_space<semaphore_mem>>
      %dma_start3A_58 = arith.constant 0 : i32
      %dma_start3A_59 = tpu.memref_slice %arg6[%arg0, %add3A_52, %dma_start3A_58] : memref<2x10240x128xf32, #tpu.memory_space<hbm>> -> memref<1x128x128xf32, #tpu.memory_space<hbm>>
      %dma_start3A_60 = tpu.memref_squeeze %dma_start3A_59 : memref<1x128x128xf32, #tpu.memory_space<hbm>> -> memref<128x128xf32, #tpu.memory_space<hbm>>
      %dma_start3A_61 = arith.constant 0 : i32
      %dma_start3A_62 = tpu.memref_slice %arg6[%arg0, %add3A_52, %dma_start3A_61] : memref<2x10240x128xf32, #tpu.memory_space<hbm>> -> memref<1x128x128xf32, #tpu.memory_space<hbm>>
      %dma_start3A_63 = tpu.memref_squeeze %dma_start3A_62 : memref<1x128x128xf32, #tpu.memory_space<hbm>> -> memref<128x128xf32, #tpu.memory_space<hbm>>
      tpu.enqueue_dma source(%arg9 : memref<128x128xf32, #tpu.memory_space<vmem>>) target(%dma_start3A_63 : memref<128x128xf32, #tpu.memory_space<hbm>>) target_semaphore(%run_scoped3A_57 : memref<!tpu.dma_semaphore, #tpu.memory_space<semaphore_mem>>)
      %dma_wait3A_64 = arith.constant 0 : i32
      %dma_wait3A_65 = tpu.memref_slice %arg6[%arg0, %add3A_52, %dma_wait3A_64] : memref<2x10240x128xf32, #tpu.memory_space<hbm>> -> memref<1x128x128xf32, #tpu.memory_space<hbm>>
      %dma_wait3A_66 = tpu.memref_squeeze %dma_wait3A_65 : memref<1x128x128xf32, #tpu.memory_space<hbm>> -> memref<128x128xf32, #tpu.memory_space<hbm>>
      %dma_wait3A_67 = arith.constant 0 : i32
      %dma_wait3A_68 = tpu.memref_slice %arg6[%arg0, %add3A_52, %dma_wait3A_67] : memref<2x10240x128xf32, #tpu.memory_space<hbm>> -> memref<1x128x128xf32, #tpu.memory_space<hbm>>
      %dma_wait3A_69 = tpu.memref_squeeze %dma_wait3A_68 : memref<1x128x128xf32, #tpu.memory_space<hbm>> -> memref<128x128xf32, #tpu.memory_space<hbm>>
      tpu.wait_dma2 semaphore(%run_scoped3A_57 : memref<!tpu.dma_semaphore, #tpu.memory_space<semaphore_mem>>) src(%arg9 : memref<128x128xf32, #tpu.memory_space<vmem>>) dst(%dma_wait3A_69 : memref<128x128xf32, #tpu.memory_space<hbm>>)
      tpu.yield
    }) : () -> ()
    %add3A_53 = arith.constant 512 : i32
    %add3A_54 = arith.addi %mul3A_2, %add3A_53 : i32
    "tpu.region"() ({
      %run_scoped3A_57 = tpu.sem_alloc : memref<!tpu.dma_semaphore, #tpu.memory_space<semaphore_mem>>
      %dma_start3A_58 = arith.constant 0 : i32
      %dma_start3A_59 = tpu.memref_slice %arg7[%add3A_54, %dma_start3A_58] : memref<10240x128xf32, #tpu.memory_space<vmem_shared>> -> memref<128x128xf32, #tpu.memory_space<vmem_shared>>
      %dma_start3A_60 = arith.constant 0 : i32
      %dma_start3A_61 = tpu.memref_slice %arg7[%add3A_54, %dma_start3A_60] : memref<10240x128xf32, #tpu.memory_space<vmem_shared>> -> memref<128x128xf32, #tpu.memory_space<vmem_shared>>
      tpu.enqueue_dma source(%dma_start3A_61 : memref<128x128xf32, #tpu.memory_space<vmem_shared>>) target(%arg9 : memref<128x128xf32, #tpu.memory_space<vmem>>) target_semaphore(%run_scoped3A_57 : memref<!tpu.dma_semaphore, #tpu.memory_space<semaphore_mem>>)
      %dma_wait3A_62 = arith.constant 0 : i32
      %dma_wait3A_63 = tpu.memref_slice %arg7[%add3A_54, %dma_wait3A_62] : memref<10240x128xf32, #tpu.memory_space<vmem_shared>> -> memref<128x128xf32, #tpu.memory_space<vmem_shared>>
      %dma_wait3A_64 = arith.constant 0 : i32
      %dma_wait3A_65 = tpu.memref_slice %arg7[%add3A_54, %dma_wait3A_64] : memref<10240x128xf32, #tpu.memory_space<vmem_shared>> -> memref<128x128xf32, #tpu.memory_space<vmem_shared>>
      tpu.wait_dma2 semaphore(%run_scoped3A_57 : memref<!tpu.dma_semaphore, #tpu.memory_space<semaphore_mem>>) src(%dma_wait3A_65 : memref<128x128xf32, #tpu.memory_space<vmem_shared>>) dst(%arg9 : memref<128x128xf32, #tpu.memory_space<vmem>>)
      tpu.yield
    }) : () -> ()
    %add3A_55 = arith.constant 512 : i32
    %add3A_56 = arith.addi %mul3A_2, %add3A_55 : i32
    "tpu.region"() ({
      %run_scoped3A_57 = tpu.sem_alloc : memref<!tpu.dma_semaphore, #tpu.memory_space<semaphore_mem>>
      %dma_start3A_58 = arith.constant 0 : i32
      %dma_start3A_59 = tpu.memref_slice %arg6[%arg0, %add3A_56, %dma_start3A_58] : memref<2x10240x128xf32, #tpu.memory_space<hbm>> -> memref<1x128x128xf32, #tpu.memory_space<hbm>>
      %dma_start3A_60 = tpu.memref_squeeze %dma_start3A_59 : memref<1x128x128xf32, #tpu.memory_space<hbm>> -> memref<128x128xf32, #tpu.memory_space<hbm>>
      %dma_start3A_61 = arith.constant 0 : i32
      %dma_start3A_62 = tpu.memref_slice %arg6[%arg0, %add3A_56, %dma_start3A_61] : memref<2x10240x128xf32, #tpu.memory_space<hbm>> -> memref<1x128x128xf32, #tpu.memory_space<hbm>>
      %dma_start3A_63 = tpu.memref_squeeze %dma_start3A_62 : memref<1x128x128xf32, #tpu.memory_space<hbm>> -> memref<128x128xf32, #tpu.memory_space<hbm>>
      tpu.enqueue_dma source(%arg9 : memref<128x128xf32, #tpu.memory_space<vmem>>) target(%dma_start3A_63 : memref<128x128xf32, #tpu.memory_space<hbm>>) target_semaphore(%run_scoped3A_57 : memref<!tpu.dma_semaphore, #tpu.memory_space<semaphore_mem>>)
      %dma_wait3A_64 = arith.constant 0 : i32
      %dma_wait3A_65 = tpu.memref_slice %arg6[%arg0, %add3A_56, %dma_wait3A_64] : memref<2x10240x128xf32, #tpu.memory_space<hbm>> -> memref<1x128x128xf32, #tpu.memory_space<hbm>>
      %dma_wait3A_66 = tpu.memref_squeeze %dma_wait3A_65 : memref<1x128x128xf32, #tpu.memory_space<hbm>> -> memref<128x128xf32, #tpu.memory_space<hbm>>
      %dma_wait3A_67 = arith.constant 0 : i32
      %dma_wait3A_68 = tpu.memref_slice %arg6[%arg0, %add3A_56, %dma_wait3A_67] : memref<2x10240x128xf32, #tpu.memory_space<hbm>> -> memref<1x128x128xf32, #tpu.memory_space<hbm>>
      %dma_wait3A_69 = tpu.memref_squeeze %dma_wait3A_68 : memref<1x128x128xf32, #tpu.memory_space<hbm>> -> memref<128x128xf32, #tpu.memory_space<hbm>>
      tpu.wait_dma2 semaphore(%run_scoped3A_57 : memref<!tpu.dma_semaphore, #tpu.memory_space<semaphore_mem>>) src(%arg9 : memref<128x128xf32, #tpu.memory_space<vmem>>) dst(%dma_wait3A_69 : memref<128x128xf32, #tpu.memory_space<hbm>>)
      tpu.yield
    }) : () -> ()
    return
  }
}

#map = affine_map<(d0, d1) -> (0, 0)>
#map1 = affine_map<(d0, d1) -> (0)>
#map2 = affine_map<(d0, d1) -> (0, 0, 0)>
module attributes {stable_mosaic.version = 14 : i64} {
  func.func @body(%arg0: i32, %arg1: i32, %arg2: memref<10000x128xf32, #tpu.memory_space<hbm>>, %arg3: memref<327680xi32, #tpu.memory_space<hbm>>, %arg4: memref<32x80x128xi32, #tpu.memory_space<hbm>>, %arg5: memref<256x128xf32, #tpu.memory_space<hbm>>, %arg6: memref<2x10240x128xf32, #tpu.memory_space<hbm>>, %arg7: memref<10240x128xf32, #tpu.memory_space<vmem_shared>>, %arg8: memref<80x128xi32, #tpu.memory_space<vmem>>, %arg9: memref<128x128xf32, #tpu.memory_space<vmem>>, %arg10: memref<128x128xf32, #tpu.memory_space<vmem>>, %arg11: memref<128xi32, #tpu.memory_space<vmem>>, %arg12: memref<128xi32, #tpu.memory_space<vmem>>, %arg13: memref<!tpu.dma_semaphore, #tpu.memory_space<semaphore_mem>>, %arg14: memref<!tpu.dma_semaphore, #tpu.memory_space<semaphore_mem>>, %arg15: memref<!tpu.dma_semaphore, #tpu.memory_space<semaphore_mem>>, %arg16: memref<!tpu.dma_semaphore, #tpu.memory_space<semaphore_mem>>) attributes {dimension_semantics = [#tpu.dimension_semantics<core_parallel>, #tpu.dimension_semantics<subcore_parallel>], iteration_bounds = array<i64: 2, 16>, scalar_prefetch = 0 : i64, scratch_operands = 10 : i64, tpu.core_type = #tpu.core_type<sc_vector_subcore>, window_params = [{transform_indices = #map}, {transform_indices = #map1}, {transform_indices = #map2}, {transform_indices = #map}, {transform_indices = #map2}]} {
    %mul3A = arith.constant 2 : i32
    %mul3A_0 = arith.muli %arg1, %mul3A : i32
    %add3A = arith.addi %mul3A_0, %arg0 : i32
    %mul3A_1 = arith.constant 640 : i32
    %mul3A_2 = arith.muli %arg1, %mul3A_1 : i32
    %mul3A_3 = arith.constant 10240 : i32
    %mul3A_4 = arith.muli %add3A, %mul3A_3 : i32
    "tpu.region"() ({
      %run_scoped3A_57 = tpu.sem_alloc : memref<!tpu.dma_semaphore, #tpu.memory_space<semaphore_mem>>
      %dma_start3A_58 = arith.constant 0 : i32
      %dma_start3A_59 = arith.constant 0 : i32
      %dma_start3A_60 = tpu.memref_slice %arg4[%add3A, %dma_start3A_58, %dma_start3A_59] : memref<32x80x128xi32, #tpu.memory_space<hbm>> -> memref<1x80x128xi32, #tpu.memory_space<hbm>>
      %dma_start3A_61 = tpu.memref_squeeze %dma_start3A_60 : memref<1x80x128xi32, #tpu.memory_space<hbm>> -> memref<80x128xi32, #tpu.memory_space<hbm>>
      %dma_start3A_62 = arith.constant 0 : i32
      %dma_start3A_63 = arith.constant 0 : i32
      %dma_start3A_64 = tpu.memref_slice %arg4[%add3A, %dma_start3A_62, %dma_start3A_63] : memref<32x80x128xi32, #tpu.memory_space<hbm>> -> memref<1x80x128xi32, #tpu.memory_space<hbm>>
      %dma_start3A_65 = tpu.memref_squeeze %dma_start3A_64 : memref<1x80x128xi32, #tpu.memory_space<hbm>> -> memref<80x128xi32, #tpu.memory_space<hbm>>
      tpu.enqueue_dma source(%dma_start3A_65 : memref<80x128xi32, #tpu.memory_space<hbm>>) target(%arg8 : memref<80x128xi32, #tpu.memory_space<vmem>>) target_semaphore(%run_scoped3A_57 : memref<!tpu.dma_semaphore, #tpu.memory_space<semaphore_mem>>)
      %dma_wait3A_66 = arith.constant 0 : i32
      %dma_wait3A_67 = arith.constant 0 : i32
      %dma_wait3A_68 = tpu.memref_slice %arg4[%add3A, %dma_wait3A_66, %dma_wait3A_67] : memref<32x80x128xi32, #tpu.memory_space<hbm>> -> memref<1x80x128xi32, #tpu.memory_space<hbm>>
      %dma_wait3A_69 = tpu.memref_squeeze %dma_wait3A_68 : memref<1x80x128xi32, #tpu.memory_space<hbm>> -> memref<80x128xi32, #tpu.memory_space<hbm>>
      %dma_wait3A_70 = arith.constant 0 : i32
      %dma_wait3A_71 = arith.constant 0 : i32
      %dma_wait3A_72 = tpu.memref_slice %arg4[%add3A, %dma_wait3A_70, %dma_wait3A_71] : memref<32x80x128xi32, #tpu.memory_space<hbm>> -> memref<1x80x128xi32, #tpu.memory_space<hbm>>
      %dma_wait3A_73 = tpu.memref_squeeze %dma_wait3A_72 : memref<1x80x128xi32, #tpu.memory_space<hbm>> -> memref<80x128xi32, #tpu.memory_space<hbm>>
      tpu.wait_dma2 semaphore(%run_scoped3A_57 : memref<!tpu.dma_semaphore, #tpu.memory_space<semaphore_mem>>) src(%dma_wait3A_73 : memref<80x128xi32, #tpu.memory_space<hbm>>) dst(%arg8 : memref<80x128xi32, #tpu.memory_space<vmem>>)
      tpu.yield
    }) : () -> ()
    "tpu.region"() ({
      %run_scoped3A_57 = tpu.sem_alloc : memref<!tpu.dma_semaphore, #tpu.memory_space<semaphore_mem>>
      %dma_start3A_58 = arith.constant 128 : i32
      %dma_start3A_59 = arith.constant 0 : i32
      %dma_start3A_60 = tpu.memref_slice %arg5[%dma_start3A_58, %dma_start3A_59] : memref<256x128xf32, #tpu.memory_space<hbm>> -> memref<128x128xf32, #tpu.memory_space<hbm>>
      %dma_start3A_61 = arith.constant 128 : i32
      %dma_start3A_62 = arith.constant 0 : i32
      %dma_start3A_63 = tpu.memref_slice %arg5[%dma_start3A_61, %dma_start3A_62] : memref<256x128xf32, #tpu.memory_space<hbm>> -> memref<128x128xf32, #tpu.memory_space<hbm>>
      tpu.enqueue_dma source(%dma_start3A_63 : memref<128x128xf32, #tpu.memory_space<hbm>>) target(%arg9 : memref<128x128xf32, #tpu.memory_space<vmem>>) target_semaphore(%run_scoped3A_57 : memref<!tpu.dma_semaphore, #tpu.memory_space<semaphore_mem>>)
      %dma_wait3A_64 = arith.constant 128 : i32
      %dma_wait3A_65 = arith.constant 0 : i32
      %dma_wait3A_66 = tpu.memref_slice %arg5[%dma_wait3A_64, %dma_wait3A_65] : memref<256x128xf32, #tpu.memory_space<hbm>> -> memref<128x128xf32, #tpu.memory_space<hbm>>
      %dma_wait3A_67 = arith.constant 128 : i32
      %dma_wait3A_68 = arith.constant 0 : i32
      %dma_wait3A_69 = tpu.memref_slice %arg5[%dma_wait3A_67, %dma_wait3A_68] : memref<256x128xf32, #tpu.memory_space<hbm>> -> memref<128x128xf32, #tpu.memory_space<hbm>>
      tpu.wait_dma2 semaphore(%run_scoped3A_57 : memref<!tpu.dma_semaphore, #tpu.memory_space<semaphore_mem>>) src(%dma_wait3A_69 : memref<128x128xf32, #tpu.memory_space<hbm>>) dst(%arg9 : memref<128x128xf32, #tpu.memory_space<vmem>>)
      tpu.yield
    }) : () -> ()
    %add3A_5 = arith.constant 0 : i32
    %add3A_6 = arith.addi %mul3A_2, %add3A_5 : i32
    "tpu.region"() ({
      %run_scoped3A_57 = tpu.sem_alloc : memref<!tpu.dma_semaphore, #tpu.memory_space<semaphore_mem>>
      %dma_start3A_58 = arith.constant 0 : i32
      %dma_start3A_59 = tpu.memref_slice %arg7[%add3A_6, %dma_start3A_58] : memref<10240x128xf32, #tpu.memory_space<vmem_shared>> -> memref<128x128xf32, #tpu.memory_space<vmem_shared>>
      %dma_start3A_60 = arith.constant 0 : i32
      %dma_start3A_61 = tpu.memref_slice %arg7[%add3A_6, %dma_start3A_60] : memref<10240x128xf32, #tpu.memory_space<vmem_shared>> -> memref<128x128xf32, #tpu.memory_space<vmem_shared>>
      tpu.enqueue_dma source(%arg9 : memref<128x128xf32, #tpu.memory_space<vmem>>) target(%dma_start3A_61 : memref<128x128xf32, #tpu.memory_space<vmem_shared>>) target_semaphore(%run_scoped3A_57 : memref<!tpu.dma_semaphore, #tpu.memory_space<semaphore_mem>>)
      %dma_wait3A_62 = arith.constant 0 : i32
      %dma_wait3A_63 = tpu.memref_slice %arg7[%add3A_6, %dma_wait3A_62] : memref<10240x128xf32, #tpu.memory_space<vmem_shared>> -> memref<128x128xf32, #tpu.memory_space<vmem_shared>>
      %dma_wait3A_64 = arith.constant 0 : i32
      %dma_wait3A_65 = tpu.memref_slice %arg7[%add3A_6, %dma_wait3A_64] : memref<10240x128xf32, #tpu.memory_space<vmem_shared>> -> memref<128x128xf32, #tpu.memory_space<vmem_shared>>
      tpu.wait_dma2 semaphore(%run_scoped3A_57 : memref<!tpu.dma_semaphore, #tpu.memory_space<semaphore_mem>>) src(%arg9 : memref<128x128xf32, #tpu.memory_space<vmem>>) dst(%dma_wait3A_65 : memref<128x128xf32, #tpu.memory_space<vmem_shared>>)
      tpu.yield
    }) : () -> ()
    %add3A_7 = arith.constant 128 : i32
    %add3A_8 = arith.addi %mul3A_2, %add3A_7 : i32
    "tpu.region"() ({
      %run_scoped3A_57 = tpu.sem_alloc : memref<!tpu.dma_semaphore, #tpu.memory_space<semaphore_mem>>
      %dma_start3A_58 = arith.constant 0 : i32
      %dma_start3A_59 = tpu.memref_slice %arg7[%add3A_8, %dma_start3A_58] : memref<10240x128xf32, #tpu.memory_space<vmem_shared>> -> memref<128x128xf32, #tpu.memory_space<vmem_shared>>
      %dma_start3A_60 = arith.constant 0 : i32
      %dma_start3A_61 = tpu.memref_slice %arg7[%add3A_8, %dma_start3A_60] : memref<10240x128xf32, #tpu.memory_space<vmem_shared>> -> memref<128x128xf32, #tpu.memory_space<vmem_shared>>
      tpu.enqueue_dma source(%arg9 : memref<128x128xf32, #tpu.memory_space<vmem>>) target(%dma_start3A_61 : memref<128x128xf32, #tpu.memory_space<vmem_shared>>) target_semaphore(%run_scoped3A_57 : memref<!tpu.dma_semaphore, #tpu.memory_space<semaphore_mem>>)
      %dma_wait3A_62 = arith.constant 0 : i32
      %dma_wait3A_63 = tpu.memref_slice %arg7[%add3A_8, %dma_wait3A_62] : memref<10240x128xf32, #tpu.memory_space<vmem_shared>> -> memref<128x128xf32, #tpu.memory_space<vmem_shared>>
      %dma_wait3A_64 = arith.constant 0 : i32
      %dma_wait3A_65 = tpu.memref_slice %arg7[%add3A_8, %dma_wait3A_64] : memref<10240x128xf32, #tpu.memory_space<vmem_shared>> -> memref<128x128xf32, #tpu.memory_space<vmem_shared>>
      tpu.wait_dma2 semaphore(%run_scoped3A_57 : memref<!tpu.dma_semaphore, #tpu.memory_space<semaphore_mem>>) src(%arg9 : memref<128x128xf32, #tpu.memory_space<vmem>>) dst(%dma_wait3A_65 : memref<128x128xf32, #tpu.memory_space<vmem_shared>>)
      tpu.yield
    }) : () -> ()
    %add3A_9 = arith.constant 256 : i32
    %add3A_10 = arith.addi %mul3A_2, %add3A_9 : i32
    "tpu.region"() ({
      %run_scoped3A_57 = tpu.sem_alloc : memref<!tpu.dma_semaphore, #tpu.memory_space<semaphore_mem>>
      %dma_start3A_58 = arith.constant 0 : i32
      %dma_start3A_59 = tpu.memref_slice %arg7[%add3A_10, %dma_start3A_58] : memref<10240x128xf32, #tpu.memory_space<vmem_shared>> -> memref<128x128xf32, #tpu.memory_space<vmem_shared>>
      %dma_start3A_60 = arith.constant 0 : i32
      %dma_start3A_61 = tpu.memref_slice %arg7[%add3A_10, %dma_start3A_60] : memref<10240x128xf32, #tpu.memory_space<vmem_shared>> -> memref<128x128xf32, #tpu.memory_space<vmem_shared>>
      tpu.enqueue_dma source(%arg9 : memref<128x128xf32, #tpu.memory_space<vmem>>) target(%dma_start3A_61 : memref<128x128xf32, #tpu.memory_space<vmem_shared>>) target_semaphore(%run_scoped3A_57 : memref<!tpu.dma_semaphore, #tpu.memory_space<semaphore_mem>>)
      %dma_wait3A_62 = arith.constant 0 : i32
      %dma_wait3A_63 = tpu.memref_slice %arg7[%add3A_10, %dma_wait3A_62] : memref<10240x128xf32, #tpu.memory_space<vmem_shared>> -> memref<128x128xf32, #tpu.memory_space<vmem_shared>>
      %dma_wait3A_64 = arith.constant 0 : i32
      %dma_wait3A_65 = tpu.memref_slice %arg7[%add3A_10, %dma_wait3A_64] : memref<10240x128xf32, #tpu.memory_space<vmem_shared>> -> memref<128x128xf32, #tpu.memory_space<vmem_shared>>
      tpu.wait_dma2 semaphore(%run_scoped3A_57 : memref<!tpu.dma_semaphore, #tpu.memory_space<semaphore_mem>>) src(%arg9 : memref<128x128xf32, #tpu.memory_space<vmem>>) dst(%dma_wait3A_65 : memref<128x128xf32, #tpu.memory_space<vmem_shared>>)
      tpu.yield
    }) : () -> ()
    %add3A_11 = arith.constant 384 : i32
    %add3A_12 = arith.addi %mul3A_2, %add3A_11 : i32
    "tpu.region"() ({
      %run_scoped3A_57 = tpu.sem_alloc : memref<!tpu.dma_semaphore, #tpu.memory_space<semaphore_mem>>
      %dma_start3A_58 = arith.constant 0 : i32
      %dma_start3A_59 = tpu.memref_slice %arg7[%add3A_12, %dma_start3A_58] : memref<10240x128xf32, #tpu.memory_space<vmem_shared>> -> memref<128x128xf32, #tpu.memory_space<vmem_shared>>
      %dma_start3A_60 = arith.constant 0 : i32
      %dma_start3A_61 = tpu.memref_slice %arg7[%add3A_12, %dma_start3A_60] : memref<10240x128xf32, #tpu.memory_space<vmem_shared>> -> memref<128x128xf32, #tpu.memory_space<vmem_shared>>
      tpu.enqueue_dma source(%arg9 : memref<128x128xf32, #tpu.memory_space<vmem>>) target(%dma_start3A_61 : memref<128x128xf32, #tpu.memory_space<vmem_shared>>) target_semaphore(%run_scoped3A_57 : memref<!tpu.dma_semaphore, #tpu.memory_space<semaphore_mem>>)
      %dma_wait3A_62 = arith.constant 0 : i32
      %dma_wait3A_63 = tpu.memref_slice %arg7[%add3A_12, %dma_wait3A_62] : memref<10240x128xf32, #tpu.memory_space<vmem_shared>> -> memref<128x128xf32, #tpu.memory_space<vmem_shared>>
      %dma_wait3A_64 = arith.constant 0 : i32
      %dma_wait3A_65 = tpu.memref_slice %arg7[%add3A_12, %dma_wait3A_64] : memref<10240x128xf32, #tpu.memory_space<vmem_shared>> -> memref<128x128xf32, #tpu.memory_space<vmem_shared>>
      tpu.wait_dma2 semaphore(%run_scoped3A_57 : memref<!tpu.dma_semaphore, #tpu.memory_space<semaphore_mem>>) src(%arg9 : memref<128x128xf32, #tpu.memory_space<vmem>>) dst(%dma_wait3A_65 : memref<128x128xf32, #tpu.memory_space<vmem_shared>>)
      tpu.yield
    }) : () -> ()
    %add3A_13 = arith.constant 512 : i32
    %add3A_14 = arith.addi %mul3A_2, %add3A_13 : i32
    "tpu.region"() ({
      %run_scoped3A_57 = tpu.sem_alloc : memref<!tpu.dma_semaphore, #tpu.memory_space<semaphore_mem>>
      %dma_start3A_58 = arith.constant 0 : i32
      %dma_start3A_59 = tpu.memref_slice %arg7[%add3A_14, %dma_start3A_58] : memref<10240x128xf32, #tpu.memory_space<vmem_shared>> -> memref<128x128xf32, #tpu.memory_space<vmem_shared>>
      %dma_start3A_60 = arith.constant 0 : i32
      %dma_start3A_61 = tpu.memref_slice %arg7[%add3A_14, %dma_start3A_60] : memref<10240x128xf32, #tpu.memory_space<vmem_shared>> -> memref<128x128xf32, #tpu.memory_space<vmem_shared>>
      tpu.enqueue_dma source(%arg9 : memref<128x128xf32, #tpu.memory_space<vmem>>) target(%dma_start3A_61 : memref<128x128xf32, #tpu.memory_space<vmem_shared>>) target_semaphore(%run_scoped3A_57 : memref<!tpu.dma_semaphore, #tpu.memory_space<semaphore_mem>>)
      %dma_wait3A_62 = arith.constant 0 : i32
      %dma_wait3A_63 = tpu.memref_slice %arg7[%add3A_14, %dma_wait3A_62] : memref<10240x128xf32, #tpu.memory_space<vmem_shared>> -> memref<128x128xf32, #tpu.memory_space<vmem_shared>>
      %dma_wait3A_64 = arith.constant 0 : i32
      %dma_wait3A_65 = tpu.memref_slice %arg7[%add3A_14, %dma_wait3A_64] : memref<10240x128xf32, #tpu.memory_space<vmem_shared>> -> memref<128x128xf32, #tpu.memory_space<vmem_shared>>
      tpu.wait_dma2 semaphore(%run_scoped3A_57 : memref<!tpu.dma_semaphore, #tpu.memory_space<semaphore_mem>>) src(%arg9 : memref<128x128xf32, #tpu.memory_space<vmem>>) dst(%dma_wait3A_65 : memref<128x128xf32, #tpu.memory_space<vmem_shared>>)
      tpu.yield
    }) : () -> ()
    %barrier3A = arith.constant 0 : index
    tpu.barrier barrier_id(%barrier3A)
    "tpu.region"() ({
      %run_scoped3A_57 = tpu.sem_alloc : memref<!tpu.dma_semaphore, #tpu.memory_space<semaphore_mem>>
      %dma_start3A_58 = tpu.memref_slice %arg3[%mul3A_4] : memref<327680xi32, #tpu.memory_space<hbm>> -> memref<128xi32, #tpu.memory_space<hbm>>
      %dma_start3A_59 = tpu.memref_slice %arg3[%mul3A_4] : memref<327680xi32, #tpu.memory_space<hbm>> -> memref<128xi32, #tpu.memory_space<hbm>>
      tpu.enqueue_dma source(%dma_start3A_59 : memref<128xi32, #tpu.memory_space<hbm>>) target(%arg11 : memref<128xi32, #tpu.memory_space<vmem>>) target_semaphore(%run_scoped3A_57 : memref<!tpu.dma_semaphore, #tpu.memory_space<semaphore_mem>>)
      %dma_wait3A_60 = tpu.memref_slice %arg3[%mul3A_4] : memref<327680xi32, #tpu.memory_space<hbm>> -> memref<128xi32, #tpu.memory_space<hbm>>
      %dma_wait3A_61 = tpu.memref_slice %arg3[%mul3A_4] : memref<327680xi32, #tpu.memory_space<hbm>> -> memref<128xi32, #tpu.memory_space<hbm>>
      tpu.wait_dma2 semaphore(%run_scoped3A_57 : memref<!tpu.dma_semaphore, #tpu.memory_space<semaphore_mem>>) src(%dma_wait3A_61 : memref<128xi32, #tpu.memory_space<hbm>>) dst(%arg11 : memref<128xi32, #tpu.memory_space<vmem>>)
      tpu.yield
    }) : () -> ()
    %dma_start3A = arith.constant 0 : i32
    %dma_start3A_15 = arith.constant 0 : i32
    %dma_start3A_16 = tpu.memref_slice %arg2[%dma_start3A, %dma_start3A_15] : memref<10000x128xf32, #tpu.memory_space<hbm>> -> memref<10000x128xf32, #tpu.memory_space<hbm>>
    tpu.enqueue_indirect_dma source(%dma_start3A_16 : memref<10000x128xf32, #tpu.memory_space<hbm>>) target(%arg9 : memref<128x128xf32, #tpu.memory_space<vmem>>) offsets(%arg11 : memref<128xi32, #tpu.memory_space<vmem>>) semaphore(%arg13 : memref<!tpu.dma_semaphore, #tpu.memory_space<semaphore_mem>>)
    %add3A_17 = arith.constant 128 : i32
    %add3A_18 = arith.addi %mul3A_4, %add3A_17 : i32
    %dma_start3A_19 = tpu.memref_slice %arg3[%add3A_18] : memref<327680xi32, #tpu.memory_space<hbm>> -> memref<128xi32, #tpu.memory_space<hbm>>
    %dma_start3A_20 = tpu.memref_slice %arg3[%add3A_18] : memref<327680xi32, #tpu.memory_space<hbm>> -> memref<128xi32, #tpu.memory_space<hbm>>
    tpu.enqueue_dma source(%dma_start3A_20 : memref<128xi32, #tpu.memory_space<hbm>>) target(%arg12 : memref<128xi32, #tpu.memory_space<vmem>>) target_semaphore(%arg16 : memref<!tpu.dma_semaphore, #tpu.memory_space<semaphore_mem>>)
    %scan3A = arith.constant 0 : i32
    %scan3A_21 = arith.constant 39 : i32
    %scan3A_22 = arith.addi %scan3A, %scan3A_21 : i32
    %scan3A_23 = arith.constant 1 : i32
    scf.for %scan3A_57 = %scan3A to %scan3A_22 step %scan3A_23  : i32 {
      %mul3A_58 = arith.constant 2 : i32
      %mul3A_59 = arith.muli %scan3A_57, %mul3A_58 : i32
      %add3A_60 = arith.constant 0 : i32
      %add3A_61 = arith.addi %add3A_60, %mul3A_59 : i32
      %dma_wait3A_62 = tpu.memref_slice %arg3[%mul3A_4] : memref<327680xi32, #tpu.memory_space<hbm>> -> memref<128xi32, #tpu.memory_space<hbm>>
      %dma_wait3A_63 = tpu.memref_slice %arg3[%mul3A_4] : memref<327680xi32, #tpu.memory_space<hbm>> -> memref<128xi32, #tpu.memory_space<hbm>>
      tpu.wait_dma2 semaphore(%arg16 : memref<!tpu.dma_semaphore, #tpu.memory_space<semaphore_mem>>) src(%dma_wait3A_63 : memref<128xi32, #tpu.memory_space<hbm>>) dst(%arg12 : memref<128xi32, #tpu.memory_space<vmem>>)
      %dma_start3A_64 = arith.constant 0 : i32
      %dma_start3A_65 = arith.constant 0 : i32
      %dma_start3A_66 = tpu.memref_slice %arg2[%dma_start3A_64, %dma_start3A_65] : memref<10000x128xf32, #tpu.memory_space<hbm>> -> memref<10000x128xf32, #tpu.memory_space<hbm>>
      tpu.enqueue_indirect_dma source(%dma_start3A_66 : memref<10000x128xf32, #tpu.memory_space<hbm>>) target(%arg10 : memref<128x128xf32, #tpu.memory_space<vmem>>) offsets(%arg12 : memref<128xi32, #tpu.memory_space<vmem>>) semaphore(%arg14 : memref<!tpu.dma_semaphore, #tpu.memory_space<semaphore_mem>>)
      %add3A_67 = arith.constant 2 : i32
      %add3A_68 = arith.addi %add3A_61, %add3A_67 : i32
      %mul3A_69 = arith.constant 128 : i32
      %mul3A_70 = arith.muli %add3A_68, %mul3A_69 : i32
      %add3A_71 = arith.addi %mul3A_4, %mul3A_70 : i32
      %dma_start3A_72 = tpu.memref_slice %arg3[%add3A_71] : memref<327680xi32, #tpu.memory_space<hbm>> -> memref<128xi32, #tpu.memory_space<hbm>>
      %dma_start3A_73 = tpu.memref_slice %arg3[%add3A_71] : memref<327680xi32, #tpu.memory_space<hbm>> -> memref<128xi32, #tpu.memory_space<hbm>>
      tpu.enqueue_dma source(%dma_start3A_73 : memref<128xi32, #tpu.memory_space<hbm>>) target(%arg11 : memref<128xi32, #tpu.memory_space<vmem>>) target_semaphore(%arg15 : memref<!tpu.dma_semaphore, #tpu.memory_space<semaphore_mem>>)
      %dma_wait3A_74 = arith.constant 0 : i32
      %dma_wait3A_75 = arith.constant 0 : i32
      %dma_wait3A_76 = tpu.memref_slice %arg2[%dma_wait3A_74, %dma_wait3A_75] : memref<10000x128xf32, #tpu.memory_space<hbm>> -> memref<10000x128xf32, #tpu.memory_space<hbm>>
      tpu.wait_indirect_dma semaphore(%arg13 : memref<!tpu.dma_semaphore, #tpu.memory_space<semaphore_mem>>) src(%dma_wait3A_76 : memref<10000x128xf32, #tpu.memory_space<hbm>>) dst(%arg9 : memref<128x128xf32, #tpu.memory_space<vmem>>)
      "tpu.region"() ({
        %run_scoped3A_94 = tpu.sem_alloc : memref<!tpu.dma_semaphore, #tpu.memory_space<semaphore_mem>>
        %dma_start3A_95 = arith.constant 0 : i32
        %dma_start3A_96 = tpu.memref_slice %arg8[%add3A_61, %dma_start3A_95] : memref<80x128xi32, #tpu.memory_space<vmem>> -> memref<1x128xi32, #tpu.memory_space<vmem>>
        %dma_start3A_97 = tpu.memref_squeeze %dma_start3A_96 : memref<1x128xi32, #tpu.memory_space<vmem>> -> memref<128xi32, #tpu.memory_space<vmem>>
        %dma_start3A_98 = arith.constant 0 : i32
        %dma_start3A_99 = arith.constant 0 : i32
        %dma_start3A_100 = tpu.memref_slice %arg7[%dma_start3A_98, %dma_start3A_99] : memref<10240x128xf32, #tpu.memory_space<vmem_shared>> -> memref<10240x128xf32, #tpu.memory_space<vmem_shared>>
        tpu.enqueue_indirect_dma source(%arg9 : memref<128x128xf32, #tpu.memory_space<vmem>>) target(%dma_start3A_100 : memref<10240x128xf32, #tpu.memory_space<vmem_shared>>) offsets(%dma_start3A_97 : memref<128xi32, #tpu.memory_space<vmem>>) semaphore(%run_scoped3A_94 : memref<!tpu.dma_semaphore, #tpu.memory_space<semaphore_mem>>) {add = true}
        %dma_wait3A_101 = arith.constant 0 : i32
        %dma_wait3A_102 = tpu.memref_slice %arg8[%add3A_61, %dma_wait3A_101] : memref<80x128xi32, #tpu.memory_space<vmem>> -> memref<1x128xi32, #tpu.memory_space<vmem>>
        %dma_wait3A_103 = tpu.memref_squeeze %dma_wait3A_102 : memref<1x128xi32, #tpu.memory_space<vmem>> -> memref<128xi32, #tpu.memory_space<vmem>>
        %dma_wait3A_104 = arith.constant 0 : i32
        %dma_wait3A_105 = arith.constant 0 : i32
        %dma_wait3A_106 = tpu.memref_slice %arg7[%dma_wait3A_104, %dma_wait3A_105] : memref<10240x128xf32, #tpu.memory_space<vmem_shared>> -> memref<10240x128xf32, #tpu.memory_space<vmem_shared>>
        tpu.wait_indirect_dma semaphore(%run_scoped3A_94 : memref<!tpu.dma_semaphore, #tpu.memory_space<semaphore_mem>>) src(%arg9 : memref<128x128xf32, #tpu.memory_space<vmem>>) dst(%dma_wait3A_106 : memref<10240x128xf32, #tpu.memory_space<vmem_shared>>)
        tpu.yield
      }) : () -> ()
      %dma_wait3A_77 = tpu.memref_slice %arg3[%mul3A_4] : memref<327680xi32, #tpu.memory_space<hbm>> -> memref<128xi32, #tpu.memory_space<hbm>>
      %dma_wait3A_78 = tpu.memref_slice %arg3[%mul3A_4] : memref<327680xi32, #tpu.memory_space<hbm>> -> memref<128xi32, #tpu.memory_space<hbm>>
      tpu.wait_dma2 semaphore(%arg15 : memref<!tpu.dma_semaphore, #tpu.memory_space<semaphore_mem>>) src(%dma_wait3A_78 : memref<128xi32, #tpu.memory_space<hbm>>) dst(%arg11 : memref<128xi32, #tpu.memory_space<vmem>>)
      %dma_start3A_79 = arith.constant 0 : i32
      %dma_start3A_80 = arith.constant 0 : i32
      %dma_start3A_81 = tpu.memref_slice %arg2[%dma_start3A_79, %dma_start3A_80] : memref<10000x128xf32, #tpu.memory_space<hbm>> -> memref<10000x128xf32, #tpu.memory_space<hbm>>
      tpu.enqueue_indirect_dma source(%dma_start3A_81 : memref<10000x128xf32, #tpu.memory_space<hbm>>) target(%arg9 : memref<128x128xf32, #tpu.memory_space<vmem>>) offsets(%arg11 : memref<128xi32, #tpu.memory_space<vmem>>) semaphore(%arg13 : memref<!tpu.dma_semaphore, #tpu.memory_space<semaphore_mem>>)
      %add3A_82 = arith.constant 3 : i32
      %add3A_83 = arith.addi %add3A_61, %add3A_82 : i32
      %mul3A_84 = arith.constant 128 : i32
      %mul3A_85 = arith.muli %add3A_83, %mul3A_84 : i32
      %add3A_86 = arith.addi %mul3A_4, %mul3A_85 : i32
      %dma_start3A_87 = tpu.memref_slice %arg3[%add3A_86] : memref<327680xi32, #tpu.memory_space<hbm>> -> memref<128xi32, #tpu.memory_space<hbm>>
      %dma_start3A_88 = tpu.memref_slice %arg3[%add3A_86] : memref<327680xi32, #tpu.memory_space<hbm>> -> memref<128xi32, #tpu.memory_space<hbm>>
      tpu.enqueue_dma source(%dma_start3A_88 : memref<128xi32, #tpu.memory_space<hbm>>) target(%arg12 : memref<128xi32, #tpu.memory_space<vmem>>) target_semaphore(%arg16 : memref<!tpu.dma_semaphore, #tpu.memory_space<semaphore_mem>>)
      %add3A_89 = arith.constant 1 : i32
      %add3A_90 = arith.addi %add3A_61, %add3A_89 : i32
      %dma_wait3A_91 = arith.constant 0 : i32
      %dma_wait3A_92 = arith.constant 0 : i32
      %dma_wait3A_93 = tpu.memref_slice %arg2[%dma_wait3A_91, %dma_wait3A_92] : memref<10000x128xf32, #tpu.memory_space<hbm>> -> memref<10000x128xf32, #tpu.memory_space<hbm>>
      tpu.wait_indirect_dma semaphore(%arg14 : memref<!tpu.dma_semaphore, #tpu.memory_space<semaphore_mem>>) src(%dma_wait3A_93 : memref<10000x128xf32, #tpu.memory_space<hbm>>) dst(%arg10 : memref<128x128xf32, #tpu.memory_space<vmem>>)
      "tpu.region"() ({
        %run_scoped3A_94 = tpu.sem_alloc : memref<!tpu.dma_semaphore, #tpu.memory_space<semaphore_mem>>
        %dma_start3A_95 = arith.constant 0 : i32
        %dma_start3A_96 = tpu.memref_slice %arg8[%add3A_90, %dma_start3A_95] : memref<80x128xi32, #tpu.memory_space<vmem>> -> memref<1x128xi32, #tpu.memory_space<vmem>>
        %dma_start3A_97 = tpu.memref_squeeze %dma_start3A_96 : memref<1x128xi32, #tpu.memory_space<vmem>> -> memref<128xi32, #tpu.memory_space<vmem>>
        %dma_start3A_98 = arith.constant 0 : i32
        %dma_start3A_99 = arith.constant 0 : i32
        %dma_start3A_100 = tpu.memref_slice %arg7[%dma_start3A_98, %dma_start3A_99] : memref<10240x128xf32, #tpu.memory_space<vmem_shared>> -> memref<10240x128xf32, #tpu.memory_space<vmem_shared>>
        tpu.enqueue_indirect_dma source(%arg10 : memref<128x128xf32, #tpu.memory_space<vmem>>) target(%dma_start3A_100 : memref<10240x128xf32, #tpu.memory_space<vmem_shared>>) offsets(%dma_start3A_97 : memref<128xi32, #tpu.memory_space<vmem>>) semaphore(%run_scoped3A_94 : memref<!tpu.dma_semaphore, #tpu.memory_space<semaphore_mem>>) {add = true}
        %dma_wait3A_101 = arith.constant 0 : i32
        %dma_wait3A_102 = tpu.memref_slice %arg8[%add3A_90, %dma_wait3A_101] : memref<80x128xi32, #tpu.memory_space<vmem>> -> memref<1x128xi32, #tpu.memory_space<vmem>>
        %dma_wait3A_103 = tpu.memref_squeeze %dma_wait3A_102 : memref<1x128xi32, #tpu.memory_space<vmem>> -> memref<128xi32, #tpu.memory_space<vmem>>
        %dma_wait3A_104 = arith.constant 0 : i32
        %dma_wait3A_105 = arith.constant 0 : i32
        %dma_wait3A_106 = tpu.memref_slice %arg7[%dma_wait3A_104, %dma_wait3A_105] : memref<10240x128xf32, #tpu.memory_space<vmem_shared>> -> memref<10240x128xf32, #tpu.memory_space<vmem_shared>>
        tpu.wait_indirect_dma semaphore(%run_scoped3A_94 : memref<!tpu.dma_semaphore, #tpu.memory_space<semaphore_mem>>) src(%arg10 : memref<128x128xf32, #tpu.memory_space<vmem>>) dst(%dma_wait3A_106 : memref<10240x128xf32, #tpu.memory_space<vmem_shared>>)
        tpu.yield
      }) : () -> ()
    }
    %scan3A_24 = arith.constant 39 : i32
    %dma_wait3A = tpu.memref_slice %arg3[%mul3A_4] : memref<327680xi32, #tpu.memory_space<hbm>> -> memref<128xi32, #tpu.memory_space<hbm>>
    %dma_wait3A_25 = tpu.memref_slice %arg3[%mul3A_4] : memref<327680xi32, #tpu.memory_space<hbm>> -> memref<128xi32, #tpu.memory_space<hbm>>
    tpu.wait_dma2 semaphore(%arg16 : memref<!tpu.dma_semaphore, #tpu.memory_space<semaphore_mem>>) src(%dma_wait3A_25 : memref<128xi32, #tpu.memory_space<hbm>>) dst(%arg12 : memref<128xi32, #tpu.memory_space<vmem>>)
    %dma_start3A_26 = arith.constant 0 : i32
    %dma_start3A_27 = arith.constant 0 : i32
    %dma_start3A_28 = tpu.memref_slice %arg2[%dma_start3A_26, %dma_start3A_27] : memref<10000x128xf32, #tpu.memory_space<hbm>> -> memref<10000x128xf32, #tpu.memory_space<hbm>>
    tpu.enqueue_indirect_dma source(%dma_start3A_28 : memref<10000x128xf32, #tpu.memory_space<hbm>>) target(%arg10 : memref<128x128xf32, #tpu.memory_space<vmem>>) offsets(%arg12 : memref<128xi32, #tpu.memory_space<vmem>>) semaphore(%arg14 : memref<!tpu.dma_semaphore, #tpu.memory_space<semaphore_mem>>)
    %dma_wait3A_29 = arith.constant 0 : i32
    %dma_wait3A_30 = arith.constant 0 : i32
    %dma_wait3A_31 = tpu.memref_slice %arg2[%dma_wait3A_29, %dma_wait3A_30] : memref<10000x128xf32, #tpu.memory_space<hbm>> -> memref<10000x128xf32, #tpu.memory_space<hbm>>
    tpu.wait_indirect_dma semaphore(%arg13 : memref<!tpu.dma_semaphore, #tpu.memory_space<semaphore_mem>>) src(%dma_wait3A_31 : memref<10000x128xf32, #tpu.memory_space<hbm>>) dst(%arg9 : memref<128x128xf32, #tpu.memory_space<vmem>>)
    %run_scoped3A = arith.constant 78 : i32
    "tpu.region"() ({
      %run_scoped3A_57 = tpu.sem_alloc : memref<!tpu.dma_semaphore, #tpu.memory_space<semaphore_mem>>
      %dma_start3A_58 = arith.constant 0 : i32
      %dma_start3A_59 = tpu.memref_slice %arg8[%run_scoped3A, %dma_start3A_58] : memref<80x128xi32, #tpu.memory_space<vmem>> -> memref<1x128xi32, #tpu.memory_space<vmem>>
      %dma_start3A_60 = tpu.memref_squeeze %dma_start3A_59 : memref<1x128xi32, #tpu.memory_space<vmem>> -> memref<128xi32, #tpu.memory_space<vmem>>
      %dma_start3A_61 = arith.constant 0 : i32
      %dma_start3A_62 = arith.constant 0 : i32
      %dma_start3A_63 = tpu.memref_slice %arg7[%dma_start3A_61, %dma_start3A_62] : memref<10240x128xf32, #tpu.memory_space<vmem_shared>> -> memref<10240x128xf32, #tpu.memory_space<vmem_shared>>
      tpu.enqueue_indirect_dma source(%arg9 : memref<128x128xf32, #tpu.memory_space<vmem>>) target(%dma_start3A_63 : memref<10240x128xf32, #tpu.memory_space<vmem_shared>>) offsets(%dma_start3A_60 : memref<128xi32, #tpu.memory_space<vmem>>) semaphore(%run_scoped3A_57 : memref<!tpu.dma_semaphore, #tpu.memory_space<semaphore_mem>>) {add = true}
      %dma_wait3A_64 = arith.constant 0 : i32
      %dma_wait3A_65 = tpu.memref_slice %arg8[%run_scoped3A, %dma_wait3A_64] : memref<80x128xi32, #tpu.memory_space<vmem>> -> memref<1x128xi32, #tpu.memory_space<vmem>>
      %dma_wait3A_66 = tpu.memref_squeeze %dma_wait3A_65 : memref<1x128xi32, #tpu.memory_space<vmem>> -> memref<128xi32, #tpu.memory_space<vmem>>
      %dma_wait3A_67 = arith.constant 0 : i32
      %dma_wait3A_68 = arith.constant 0 : i32
      %dma_wait3A_69 = tpu.memref_slice %arg7[%dma_wait3A_67, %dma_wait3A_68] : memref<10240x128xf32, #tpu.memory_space<vmem_shared>> -> memref<10240x128xf32, #tpu.memory_space<vmem_shared>>
      tpu.wait_indirect_dma semaphore(%run_scoped3A_57 : memref<!tpu.dma_semaphore, #tpu.memory_space<semaphore_mem>>) src(%arg9 : memref<128x128xf32, #tpu.memory_space<vmem>>) dst(%dma_wait3A_69 : memref<10240x128xf32, #tpu.memory_space<vmem_shared>>)
      tpu.yield
    }) : () -> ()
    %dma_wait3A_32 = arith.constant 0 : i32
    %dma_wait3A_33 = arith.constant 0 : i32
    %dma_wait3A_34 = tpu.memref_slice %arg2[%dma_wait3A_32, %dma_wait3A_33] : memref<10000x128xf32, #tpu.memory_space<hbm>> -> memref<10000x128xf32, #tpu.memory_space<hbm>>
    tpu.wait_indirect_dma semaphore(%arg14 : memref<!tpu.dma_semaphore, #tpu.memory_space<semaphore_mem>>) src(%dma_wait3A_34 : memref<10000x128xf32, #tpu.memory_space<hbm>>) dst(%arg10 : memref<128x128xf32, #tpu.memory_space<vmem>>)
    %run_scoped3A_35 = arith.constant 79 : i32
    "tpu.region"() ({
      %run_scoped3A_57 = tpu.sem_alloc : memref<!tpu.dma_semaphore, #tpu.memory_space<semaphore_mem>>
      %dma_start3A_58 = arith.constant 0 : i32
      %dma_start3A_59 = tpu.memref_slice %arg8[%run_scoped3A_35, %dma_start3A_58] : memref<80x128xi32, #tpu.memory_space<vmem>> -> memref<1x128xi32, #tpu.memory_space<vmem>>
      %dma_start3A_60 = tpu.memref_squeeze %dma_start3A_59 : memref<1x128xi32, #tpu.memory_space<vmem>> -> memref<128xi32, #tpu.memory_space<vmem>>
      %dma_start3A_61 = arith.constant 0 : i32
      %dma_start3A_62 = arith.constant 0 : i32
      %dma_start3A_63 = tpu.memref_slice %arg7[%dma_start3A_61, %dma_start3A_62] : memref<10240x128xf32, #tpu.memory_space<vmem_shared>> -> memref<10240x128xf32, #tpu.memory_space<vmem_shared>>
      tpu.enqueue_indirect_dma source(%arg10 : memref<128x128xf32, #tpu.memory_space<vmem>>) target(%dma_start3A_63 : memref<10240x128xf32, #tpu.memory_space<vmem_shared>>) offsets(%dma_start3A_60 : memref<128xi32, #tpu.memory_space<vmem>>) semaphore(%run_scoped3A_57 : memref<!tpu.dma_semaphore, #tpu.memory_space<semaphore_mem>>) {add = true}
      %dma_wait3A_64 = arith.constant 0 : i32
      %dma_wait3A_65 = tpu.memref_slice %arg8[%run_scoped3A_35, %dma_wait3A_64] : memref<80x128xi32, #tpu.memory_space<vmem>> -> memref<1x128xi32, #tpu.memory_space<vmem>>
      %dma_wait3A_66 = tpu.memref_squeeze %dma_wait3A_65 : memref<1x128xi32, #tpu.memory_space<vmem>> -> memref<128xi32, #tpu.memory_space<vmem>>
      %dma_wait3A_67 = arith.constant 0 : i32
      %dma_wait3A_68 = arith.constant 0 : i32
      %dma_wait3A_69 = tpu.memref_slice %arg7[%dma_wait3A_67, %dma_wait3A_68] : memref<10240x128xf32, #tpu.memory_space<vmem_shared>> -> memref<10240x128xf32, #tpu.memory_space<vmem_shared>>
      tpu.wait_indirect_dma semaphore(%run_scoped3A_57 : memref<!tpu.dma_semaphore, #tpu.memory_space<semaphore_mem>>) src(%arg10 : memref<128x128xf32, #tpu.memory_space<vmem>>) dst(%dma_wait3A_69 : memref<10240x128xf32, #tpu.memory_space<vmem_shared>>)
      tpu.yield
    }) : () -> ()
    %barrier3A_36 = arith.constant 0 : index
    tpu.barrier barrier_id(%barrier3A_36)
    %add3A_37 = arith.constant 0 : i32
    %add3A_38 = arith.addi %mul3A_2, %add3A_37 : i32
    "tpu.region"() ({
      %run_scoped3A_57 = tpu.sem_alloc : memref<!tpu.dma_semaphore, #tpu.memory_space<semaphore_mem>>
      %dma_start3A_58 = arith.constant 0 : i32
      %dma_start3A_59 = tpu.memref_slice %arg7[%add3A_38, %dma_start3A_58] : memref<10240x128xf32, #tpu.memory_space<vmem_shared>> -> memref<128x128xf32, #tpu.memory_space<vmem_shared>>
      %dma_start3A_60 = arith.constant 0 : i32
      %dma_start3A_61 = tpu.memref_slice %arg7[%add3A_38, %dma_start3A_60] : memref<10240x128xf32, #tpu.memory_space<vmem_shared>> -> memref<128x128xf32, #tpu.memory_space<vmem_shared>>
      tpu.enqueue_dma source(%dma_start3A_61 : memref<128x128xf32, #tpu.memory_space<vmem_shared>>) target(%arg9 : memref<128x128xf32, #tpu.memory_space<vmem>>) target_semaphore(%run_scoped3A_57 : memref<!tpu.dma_semaphore, #tpu.memory_space<semaphore_mem>>)
      %dma_wait3A_62 = arith.constant 0 : i32
      %dma_wait3A_63 = tpu.memref_slice %arg7[%add3A_38, %dma_wait3A_62] : memref<10240x128xf32, #tpu.memory_space<vmem_shared>> -> memref<128x128xf32, #tpu.memory_space<vmem_shared>>
      %dma_wait3A_64 = arith.constant 0 : i32
      %dma_wait3A_65 = tpu.memref_slice %arg7[%add3A_38, %dma_wait3A_64] : memref<10240x128xf32, #tpu.memory_space<vmem_shared>> -> memref<128x128xf32, #tpu.memory_space<vmem_shared>>
      tpu.wait_dma2 semaphore(%run_scoped3A_57 : memref<!tpu.dma_semaphore, #tpu.memory_space<semaphore_mem>>) src(%dma_wait3A_65 : memref<128x128xf32, #tpu.memory_space<vmem_shared>>) dst(%arg9 : memref<128x128xf32, #tpu.memory_space<vmem>>)
      tpu.yield
    }) : () -> ()
    %add3A_39 = arith.constant 0 : i32
    %add3A_40 = arith.addi %mul3A_2, %add3A_39 : i32
    "tpu.region"() ({
      %run_scoped3A_57 = tpu.sem_alloc : memref<!tpu.dma_semaphore, #tpu.memory_space<semaphore_mem>>
      %dma_start3A_58 = arith.constant 0 : i32
      %dma_start3A_59 = tpu.memref_slice %arg6[%arg0, %add3A_40, %dma_start3A_58] : memref<2x10240x128xf32, #tpu.memory_space<hbm>> -> memref<1x128x128xf32, #tpu.memory_space<hbm>>
      %dma_start3A_60 = tpu.memref_squeeze %dma_start3A_59 : memref<1x128x128xf32, #tpu.memory_space<hbm>> -> memref<128x128xf32, #tpu.memory_space<hbm>>
      %dma_start3A_61 = arith.constant 0 : i32
      %dma_start3A_62 = tpu.memref_slice %arg6[%arg0, %add3A_40, %dma_start3A_61] : memref<2x10240x128xf32, #tpu.memory_space<hbm>> -> memref<1x128x128xf32, #tpu.memory_space<hbm>>
      %dma_start3A_63 = tpu.memref_squeeze %dma_start3A_62 : memref<1x128x128xf32, #tpu.memory_space<hbm>> -> memref<128x128xf32, #tpu.memory_space<hbm>>
      tpu.enqueue_dma source(%arg9 : memref<128x128xf32, #tpu.memory_space<vmem>>) target(%dma_start3A_63 : memref<128x128xf32, #tpu.memory_space<hbm>>) target_semaphore(%run_scoped3A_57 : memref<!tpu.dma_semaphore, #tpu.memory_space<semaphore_mem>>)
      %dma_wait3A_64 = arith.constant 0 : i32
      %dma_wait3A_65 = tpu.memref_slice %arg6[%arg0, %add3A_40, %dma_wait3A_64] : memref<2x10240x128xf32, #tpu.memory_space<hbm>> -> memref<1x128x128xf32, #tpu.memory_space<hbm>>
      %dma_wait3A_66 = tpu.memref_squeeze %dma_wait3A_65 : memref<1x128x128xf32, #tpu.memory_space<hbm>> -> memref<128x128xf32, #tpu.memory_space<hbm>>
      %dma_wait3A_67 = arith.constant 0 : i32
      %dma_wait3A_68 = tpu.memref_slice %arg6[%arg0, %add3A_40, %dma_wait3A_67] : memref<2x10240x128xf32, #tpu.memory_space<hbm>> -> memref<1x128x128xf32, #tpu.memory_space<hbm>>
      %dma_wait3A_69 = tpu.memref_squeeze %dma_wait3A_68 : memref<1x128x128xf32, #tpu.memory_space<hbm>> -> memref<128x128xf32, #tpu.memory_space<hbm>>
      tpu.wait_dma2 semaphore(%run_scoped3A_57 : memref<!tpu.dma_semaphore, #tpu.memory_space<semaphore_mem>>) src(%arg9 : memref<128x128xf32, #tpu.memory_space<vmem>>) dst(%dma_wait3A_69 : memref<128x128xf32, #tpu.memory_space<hbm>>)
      tpu.yield
    }) : () -> ()
    %add3A_41 = arith.constant 128 : i32
    %add3A_42 = arith.addi %mul3A_2, %add3A_41 : i32
    "tpu.region"() ({
      %run_scoped3A_57 = tpu.sem_alloc : memref<!tpu.dma_semaphore, #tpu.memory_space<semaphore_mem>>
      %dma_start3A_58 = arith.constant 0 : i32
      %dma_start3A_59 = tpu.memref_slice %arg7[%add3A_42, %dma_start3A_58] : memref<10240x128xf32, #tpu.memory_space<vmem_shared>> -> memref<128x128xf32, #tpu.memory_space<vmem_shared>>
      %dma_start3A_60 = arith.constant 0 : i32
      %dma_start3A_61 = tpu.memref_slice %arg7[%add3A_42, %dma_start3A_60] : memref<10240x128xf32, #tpu.memory_space<vmem_shared>> -> memref<128x128xf32, #tpu.memory_space<vmem_shared>>
      tpu.enqueue_dma source(%dma_start3A_61 : memref<128x128xf32, #tpu.memory_space<vmem_shared>>) target(%arg9 : memref<128x128xf32, #tpu.memory_space<vmem>>) target_semaphore(%run_scoped3A_57 : memref<!tpu.dma_semaphore, #tpu.memory_space<semaphore_mem>>)
      %dma_wait3A_62 = arith.constant 0 : i32
      %dma_wait3A_63 = tpu.memref_slice %arg7[%add3A_42, %dma_wait3A_62] : memref<10240x128xf32, #tpu.memory_space<vmem_shared>> -> memref<128x128xf32, #tpu.memory_space<vmem_shared>>
      %dma_wait3A_64 = arith.constant 0 : i32
      %dma_wait3A_65 = tpu.memref_slice %arg7[%add3A_42, %dma_wait3A_64] : memref<10240x128xf32, #tpu.memory_space<vmem_shared>> -> memref<128x128xf32, #tpu.memory_space<vmem_shared>>
      tpu.wait_dma2 semaphore(%run_scoped3A_57 : memref<!tpu.dma_semaphore, #tpu.memory_space<semaphore_mem>>) src(%dma_wait3A_65 : memref<128x128xf32, #tpu.memory_space<vmem_shared>>) dst(%arg9 : memref<128x128xf32, #tpu.memory_space<vmem>>)
      tpu.yield
    }) : () -> ()
    %add3A_43 = arith.constant 128 : i32
    %add3A_44 = arith.addi %mul3A_2, %add3A_43 : i32
    "tpu.region"() ({
      %run_scoped3A_57 = tpu.sem_alloc : memref<!tpu.dma_semaphore, #tpu.memory_space<semaphore_mem>>
      %dma_start3A_58 = arith.constant 0 : i32
      %dma_start3A_59 = tpu.memref_slice %arg6[%arg0, %add3A_44, %dma_start3A_58] : memref<2x10240x128xf32, #tpu.memory_space<hbm>> -> memref<1x128x128xf32, #tpu.memory_space<hbm>>
      %dma_start3A_60 = tpu.memref_squeeze %dma_start3A_59 : memref<1x128x128xf32, #tpu.memory_space<hbm>> -> memref<128x128xf32, #tpu.memory_space<hbm>>
      %dma_start3A_61 = arith.constant 0 : i32
      %dma_start3A_62 = tpu.memref_slice %arg6[%arg0, %add3A_44, %dma_start3A_61] : memref<2x10240x128xf32, #tpu.memory_space<hbm>> -> memref<1x128x128xf32, #tpu.memory_space<hbm>>
      %dma_start3A_63 = tpu.memref_squeeze %dma_start3A_62 : memref<1x128x128xf32, #tpu.memory_space<hbm>> -> memref<128x128xf32, #tpu.memory_space<hbm>>
      tpu.enqueue_dma source(%arg9 : memref<128x128xf32, #tpu.memory_space<vmem>>) target(%dma_start3A_63 : memref<128x128xf32, #tpu.memory_space<hbm>>) target_semaphore(%run_scoped3A_57 : memref<!tpu.dma_semaphore, #tpu.memory_space<semaphore_mem>>)
      %dma_wait3A_64 = arith.constant 0 : i32
      %dma_wait3A_65 = tpu.memref_slice %arg6[%arg0, %add3A_44, %dma_wait3A_64] : memref<2x10240x128xf32, #tpu.memory_space<hbm>> -> memref<1x128x128xf32, #tpu.memory_space<hbm>>
      %dma_wait3A_66 = tpu.memref_squeeze %dma_wait3A_65 : memref<1x128x128xf32, #tpu.memory_space<hbm>> -> memref<128x128xf32, #tpu.memory_space<hbm>>
      %dma_wait3A_67 = arith.constant 0 : i32
      %dma_wait3A_68 = tpu.memref_slice %arg6[%arg0, %add3A_44, %dma_wait3A_67] : memref<2x10240x128xf32, #tpu.memory_space<hbm>> -> memref<1x128x128xf32, #tpu.memory_space<hbm>>
      %dma_wait3A_69 = tpu.memref_squeeze %dma_wait3A_68 : memref<1x128x128xf32, #tpu.memory_space<hbm>> -> memref<128x128xf32, #tpu.memory_space<hbm>>
      tpu.wait_dma2 semaphore(%run_scoped3A_57 : memref<!tpu.dma_semaphore, #tpu.memory_space<semaphore_mem>>) src(%arg9 : memref<128x128xf32, #tpu.memory_space<vmem>>) dst(%dma_wait3A_69 : memref<128x128xf32, #tpu.memory_space<hbm>>)
      tpu.yield
    }) : () -> ()
    %add3A_45 = arith.constant 256 : i32
    %add3A_46 = arith.addi %mul3A_2, %add3A_45 : i32
    "tpu.region"() ({
      %run_scoped3A_57 = tpu.sem_alloc : memref<!tpu.dma_semaphore, #tpu.memory_space<semaphore_mem>>
      %dma_start3A_58 = arith.constant 0 : i32
      %dma_start3A_59 = tpu.memref_slice %arg7[%add3A_46, %dma_start3A_58] : memref<10240x128xf32, #tpu.memory_space<vmem_shared>> -> memref<128x128xf32, #tpu.memory_space<vmem_shared>>
      %dma_start3A_60 = arith.constant 0 : i32
      %dma_start3A_61 = tpu.memref_slice %arg7[%add3A_46, %dma_start3A_60] : memref<10240x128xf32, #tpu.memory_space<vmem_shared>> -> memref<128x128xf32, #tpu.memory_space<vmem_shared>>
      tpu.enqueue_dma source(%dma_start3A_61 : memref<128x128xf32, #tpu.memory_space<vmem_shared>>) target(%arg9 : memref<128x128xf32, #tpu.memory_space<vmem>>) target_semaphore(%run_scoped3A_57 : memref<!tpu.dma_semaphore, #tpu.memory_space<semaphore_mem>>)
      %dma_wait3A_62 = arith.constant 0 : i32
      %dma_wait3A_63 = tpu.memref_slice %arg7[%add3A_46, %dma_wait3A_62] : memref<10240x128xf32, #tpu.memory_space<vmem_shared>> -> memref<128x128xf32, #tpu.memory_space<vmem_shared>>
      %dma_wait3A_64 = arith.constant 0 : i32
      %dma_wait3A_65 = tpu.memref_slice %arg7[%add3A_46, %dma_wait3A_64] : memref<10240x128xf32, #tpu.memory_space<vmem_shared>> -> memref<128x128xf32, #tpu.memory_space<vmem_shared>>
      tpu.wait_dma2 semaphore(%run_scoped3A_57 : memref<!tpu.dma_semaphore, #tpu.memory_space<semaphore_mem>>) src(%dma_wait3A_65 : memref<128x128xf32, #tpu.memory_space<vmem_shared>>) dst(%arg9 : memref<128x128xf32, #tpu.memory_space<vmem>>)
      tpu.yield
    }) : () -> ()
    %add3A_47 = arith.constant 256 : i32
    %add3A_48 = arith.addi %mul3A_2, %add3A_47 : i32
    "tpu.region"() ({
      %run_scoped3A_57 = tpu.sem_alloc : memref<!tpu.dma_semaphore, #tpu.memory_space<semaphore_mem>>
      %dma_start3A_58 = arith.constant 0 : i32
      %dma_start3A_59 = tpu.memref_slice %arg6[%arg0, %add3A_48, %dma_start3A_58] : memref<2x10240x128xf32, #tpu.memory_space<hbm>> -> memref<1x128x128xf32, #tpu.memory_space<hbm>>
      %dma_start3A_60 = tpu.memref_squeeze %dma_start3A_59 : memref<1x128x128xf32, #tpu.memory_space<hbm>> -> memref<128x128xf32, #tpu.memory_space<hbm>>
      %dma_start3A_61 = arith.constant 0 : i32
      %dma_start3A_62 = tpu.memref_slice %arg6[%arg0, %add3A_48, %dma_start3A_61] : memref<2x10240x128xf32, #tpu.memory_space<hbm>> -> memref<1x128x128xf32, #tpu.memory_space<hbm>>
      %dma_start3A_63 = tpu.memref_squeeze %dma_start3A_62 : memref<1x128x128xf32, #tpu.memory_space<hbm>> -> memref<128x128xf32, #tpu.memory_space<hbm>>
      tpu.enqueue_dma source(%arg9 : memref<128x128xf32, #tpu.memory_space<vmem>>) target(%dma_start3A_63 : memref<128x128xf32, #tpu.memory_space<hbm>>) target_semaphore(%run_scoped3A_57 : memref<!tpu.dma_semaphore, #tpu.memory_space<semaphore_mem>>)
      %dma_wait3A_64 = arith.constant 0 : i32
      %dma_wait3A_65 = tpu.memref_slice %arg6[%arg0, %add3A_48, %dma_wait3A_64] : memref<2x10240x128xf32, #tpu.memory_space<hbm>> -> memref<1x128x128xf32, #tpu.memory_space<hbm>>
      %dma_wait3A_66 = tpu.memref_squeeze %dma_wait3A_65 : memref<1x128x128xf32, #tpu.memory_space<hbm>> -> memref<128x128xf32, #tpu.memory_space<hbm>>
      %dma_wait3A_67 = arith.constant 0 : i32
      %dma_wait3A_68 = tpu.memref_slice %arg6[%arg0, %add3A_48, %dma_wait3A_67] : memref<2x10240x128xf32, #tpu.memory_space<hbm>> -> memref<1x128x128xf32, #tpu.memory_space<hbm>>
      %dma_wait3A_69 = tpu.memref_squeeze %dma_wait3A_68 : memref<1x128x128xf32, #tpu.memory_space<hbm>> -> memref<128x128xf32, #tpu.memory_space<hbm>>
      tpu.wait_dma2 semaphore(%run_scoped3A_57 : memref<!tpu.dma_semaphore, #tpu.memory_space<semaphore_mem>>) src(%arg9 : memref<128x128xf32, #tpu.memory_space<vmem>>) dst(%dma_wait3A_69 : memref<128x128xf32, #tpu.memory_space<hbm>>)
      tpu.yield
    }) : () -> ()
    %add3A_49 = arith.constant 384 : i32
    %add3A_50 = arith.addi %mul3A_2, %add3A_49 : i32
    "tpu.region"() ({
      %run_scoped3A_57 = tpu.sem_alloc : memref<!tpu.dma_semaphore, #tpu.memory_space<semaphore_mem>>
      %dma_start3A_58 = arith.constant 0 : i32
      %dma_start3A_59 = tpu.memref_slice %arg7[%add3A_50, %dma_start3A_58] : memref<10240x128xf32, #tpu.memory_space<vmem_shared>> -> memref<128x128xf32, #tpu.memory_space<vmem_shared>>
      %dma_start3A_60 = arith.constant 0 : i32
      %dma_start3A_61 = tpu.memref_slice %arg7[%add3A_50, %dma_start3A_60] : memref<10240x128xf32, #tpu.memory_space<vmem_shared>> -> memref<128x128xf32, #tpu.memory_space<vmem_shared>>
      tpu.enqueue_dma source(%dma_start3A_61 : memref<128x128xf32, #tpu.memory_space<vmem_shared>>) target(%arg9 : memref<128x128xf32, #tpu.memory_space<vmem>>) target_semaphore(%run_scoped3A_57 : memref<!tpu.dma_semaphore, #tpu.memory_space<semaphore_mem>>)
      %dma_wait3A_62 = arith.constant 0 : i32
      %dma_wait3A_63 = tpu.memref_slice %arg7[%add3A_50, %dma_wait3A_62] : memref<10240x128xf32, #tpu.memory_space<vmem_shared>> -> memref<128x128xf32, #tpu.memory_space<vmem_shared>>
      %dma_wait3A_64 = arith.constant 0 : i32
      %dma_wait3A_65 = tpu.memref_slice %arg7[%add3A_50, %dma_wait3A_64] : memref<10240x128xf32, #tpu.memory_space<vmem_shared>> -> memref<128x128xf32, #tpu.memory_space<vmem_shared>>
      tpu.wait_dma2 semaphore(%run_scoped3A_57 : memref<!tpu.dma_semaphore, #tpu.memory_space<semaphore_mem>>) src(%dma_wait3A_65 : memref<128x128xf32, #tpu.memory_space<vmem_shared>>) dst(%arg9 : memref<128x128xf32, #tpu.memory_space<vmem>>)
      tpu.yield
    }) : () -> ()
    %add3A_51 = arith.constant 384 : i32
    %add3A_52 = arith.addi %mul3A_2, %add3A_51 : i32
    "tpu.region"() ({
      %run_scoped3A_57 = tpu.sem_alloc : memref<!tpu.dma_semaphore, #tpu.memory_space<semaphore_mem>>
      %dma_start3A_58 = arith.constant 0 : i32
      %dma_start3A_59 = tpu.memref_slice %arg6[%arg0, %add3A_52, %dma_start3A_58] : memref<2x10240x128xf32, #tpu.memory_space<hbm>> -> memref<1x128x128xf32, #tpu.memory_space<hbm>>
      %dma_start3A_60 = tpu.memref_squeeze %dma_start3A_59 : memref<1x128x128xf32, #tpu.memory_space<hbm>> -> memref<128x128xf32, #tpu.memory_space<hbm>>
      %dma_start3A_61 = arith.constant 0 : i32
      %dma_start3A_62 = tpu.memref_slice %arg6[%arg0, %add3A_52, %dma_start3A_61] : memref<2x10240x128xf32, #tpu.memory_space<hbm>> -> memref<1x128x128xf32, #tpu.memory_space<hbm>>
      %dma_start3A_63 = tpu.memref_squeeze %dma_start3A_62 : memref<1x128x128xf32, #tpu.memory_space<hbm>> -> memref<128x128xf32, #tpu.memory_space<hbm>>
      tpu.enqueue_dma source(%arg9 : memref<128x128xf32, #tpu.memory_space<vmem>>) target(%dma_start3A_63 : memref<128x128xf32, #tpu.memory_space<hbm>>) target_semaphore(%run_scoped3A_57 : memref<!tpu.dma_semaphore, #tpu.memory_space<semaphore_mem>>)
      %dma_wait3A_64 = arith.constant 0 : i32
      %dma_wait3A_65 = tpu.memref_slice %arg6[%arg0, %add3A_52, %dma_wait3A_64] : memref<2x10240x128xf32, #tpu.memory_space<hbm>> -> memref<1x128x128xf32, #tpu.memory_space<hbm>>
      %dma_wait3A_66 = tpu.memref_squeeze %dma_wait3A_65 : memref<1x128x128xf32, #tpu.memory_space<hbm>> -> memref<128x128xf32, #tpu.memory_space<hbm>>
      %dma_wait3A_67 = arith.constant 0 : i32
      %dma_wait3A_68 = tpu.memref_slice %arg6[%arg0, %add3A_52, %dma_wait3A_67] : memref<2x10240x128xf32, #tpu.memory_space<hbm>> -> memref<1x128x128xf32, #tpu.memory_space<hbm>>
      %dma_wait3A_69 = tpu.memref_squeeze %dma_wait3A_68 : memref<1x128x128xf32, #tpu.memory_space<hbm>> -> memref<128x128xf32, #tpu.memory_space<hbm>>
      tpu.wait_dma2 semaphore(%run_scoped3A_57 : memref<!tpu.dma_semaphore, #tpu.memory_space<semaphore_mem>>) src(%arg9 : memref<128x128xf32, #tpu.memory_space<vmem>>) dst(%dma_wait3A_69 : memref<128x128xf32, #tpu.memory_space<hbm>>)
      tpu.yield
    }) : () -> ()
    %add3A_53 = arith.constant 512 : i32
    %add3A_54 = arith.addi %mul3A_2, %add3A_53 : i32
    "tpu.region"() ({
      %run_scoped3A_57 = tpu.sem_alloc : memref<!tpu.dma_semaphore, #tpu.memory_space<semaphore_mem>>
      %dma_start3A_58 = arith.constant 0 : i32
      %dma_start3A_59 = tpu.memref_slice %arg7[%add3A_54, %dma_start3A_58] : memref<10240x128xf32, #tpu.memory_space<vmem_shared>> -> memref<128x128xf32, #tpu.memory_space<vmem_shared>>
      %dma_start3A_60 = arith.constant 0 : i32
      %dma_start3A_61 = tpu.memref_slice %arg7[%add3A_54, %dma_start3A_60] : memref<10240x128xf32, #tpu.memory_space<vmem_shared>> -> memref<128x128xf32, #tpu.memory_space<vmem_shared>>
      tpu.enqueue_dma source(%dma_start3A_61 : memref<128x128xf32, #tpu.memory_space<vmem_shared>>) target(%arg9 : memref<128x128xf32, #tpu.memory_space<vmem>>) target_semaphore(%run_scoped3A_57 : memref<!tpu.dma_semaphore, #tpu.memory_space<semaphore_mem>>)
      %dma_wait3A_62 = arith.constant 0 : i32
      %dma_wait3A_63 = tpu.memref_slice %arg7[%add3A_54, %dma_wait3A_62] : memref<10240x128xf32, #tpu.memory_space<vmem_shared>> -> memref<128x128xf32, #tpu.memory_space<vmem_shared>>
      %dma_wait3A_64 = arith.constant 0 : i32
      %dma_wait3A_65 = tpu.memref_slice %arg7[%add3A_54, %dma_wait3A_64] : memref<10240x128xf32, #tpu.memory_space<vmem_shared>> -> memref<128x128xf32, #tpu.memory_space<vmem_shared>>
      tpu.wait_dma2 semaphore(%run_scoped3A_57 : memref<!tpu.dma_semaphore, #tpu.memory_space<semaphore_mem>>) src(%dma_wait3A_65 : memref<128x128xf32, #tpu.memory_space<vmem_shared>>) dst(%arg9 : memref<128x128xf32, #tpu.memory_space<vmem>>)
      tpu.yield
    }) : () -> ()
    %add3A_55 = arith.constant 512 : i32
    %add3A_56 = arith.addi %mul3A_2, %add3A_55 : i32
    "tpu.region"() ({
      %run_scoped3A_57 = tpu.sem_alloc : memref<!tpu.dma_semaphore, #tpu.memory_space<semaphore_mem>>
      %dma_start3A_58 = arith.constant 0 : i32
      %dma_start3A_59 = tpu.memref_slice %arg6[%arg0, %add3A_56, %dma_start3A_58] : memref<2x10240x128xf32, #tpu.memory_space<hbm>> -> memref<1x128x128xf32, #tpu.memory_space<hbm>>
      %dma_start3A_60 = tpu.memref_squeeze %dma_start3A_59 : memref<1x128x128xf32, #tpu.memory_space<hbm>> -> memref<128x128xf32, #tpu.memory_space<hbm>>
      %dma_start3A_61 = arith.constant 0 : i32
      %dma_start3A_62 = tpu.memref_slice %arg6[%arg0, %add3A_56, %dma_start3A_61] : memref<2x10240x128xf32, #tpu.memory_space<hbm>> -> memref<1x128x128xf32, #tpu.memory_space<hbm>>
      %dma_start3A_63 = tpu.memref_squeeze %dma_start3A_62 : memref<1x128x128xf32, #tpu.memory_space<hbm>> -> memref<128x128xf32, #tpu.memory_space<hbm>>
      tpu.enqueue_dma source(%arg9 : memref<128x128xf32, #tpu.memory_space<vmem>>) target(%dma_start3A_63 : memref<128x128xf32, #tpu.memory_space<hbm>>) target_semaphore(%run_scoped3A_57 : memref<!tpu.dma_semaphore, #tpu.memory_space<semaphore_mem>>)
      %dma_wait3A_64 = arith.constant 0 : i32
      %dma_wait3A_65 = tpu.memref_slice %arg6[%arg0, %add3A_56, %dma_wait3A_64] : memref<2x10240x128xf32, #tpu.memory_space<hbm>> -> memref<1x128x128xf32, #tpu.memory_space<hbm>>
      %dma_wait3A_66 = tpu.memref_squeeze %dma_wait3A_65 : memref<1x128x128xf32, #tpu.memory_space<hbm>> -> memref<128x128xf32, #tpu.memory_space<hbm>>
      %dma_wait3A_67 = arith.constant 0 : i32
      %dma_wait3A_68 = tpu.memref_slice %arg6[%arg0, %add3A_56, %dma_wait3A_67] : memref<2x10240x128xf32, #tpu.memory_space<hbm>> -> memref<1x128x128xf32, #tpu.memory_space<hbm>>
      %dma_wait3A_69 = tpu.memref_squeeze %dma_wait3A_68 : memref<1x128x128xf32, #tpu.memory_space<hbm>> -> memref<128x128xf32, #tpu.memory_space<hbm>>
      tpu.wait_dma2 semaphore(%run_scoped3A_57 : memref<!tpu.dma_semaphore, #tpu.memory_space<semaphore_mem>>) src(%arg9 : memref<128x128xf32, #tpu.memory_space<vmem>>) dst(%dma_wait3A_69 : memref<128x128xf32, #tpu.memory_space<hbm>>)
      tpu.yield
    }) : () -> ()
    return
  }
}

module attributes {stable_mosaic.version = 14 : i64} {
  func.func @body(%arg0: i32, %arg1: memref<2x400x128xf32, #tpu.memory_space<vmem>>, %arg2: memref<2x400x128xf32, #tpu.memory_space<vmem>>, %arg3: memref<400x128xf32, #tpu.memory_space<vmem>>, %arg4: memref<128x128xf32, #tpu.memory_space<vmem>>, %arg5: memref<1x128xf32, #tpu.memory_space<vmem>>, %arg6: memref<128x128xf32, #tpu.memory_space<vmem>>, %arg7: memref<128x1xf32, #tpu.memory_space<vmem>>, %arg8: memref<1x1xf32, #tpu.memory_space<vmem>>, %arg9: memref<128x1xf32, #tpu.memory_space<vmem>>, %arg10: memref<1x1xf32, #tpu.memory_space<vmem>>, %arg11: memref<400x1xf32, #tpu.memory_space<vmem>>, %arg12: memref<400x1xf32, #tpu.memory_space<vmem>>) attributes {dimension_semantics = [#tpu.dimension_semantics<arbitrary>], iteration_bounds = array<i64: 25>, scalar_prefetch = 0 : i64, scratch_operands = 0 : i64, tpu.core_type = #tpu.core_type<tc>, window_params = [{transform_indices = @transform_0, window_bounds = array<i64: 2, 400, 128>}, {transform_indices = @transform_1, window_bounds = array<i64: 2, 400, 128>}, {transform_indices = @transform_2, window_bounds = array<i64: 400, 128>}, {pipeline_mode = #tpu.pipeline_mode<synchronous>, transform_indices = @transform_3, window_bounds = array<i64: 128, 128>}, {pipeline_mode = #tpu.pipeline_mode<synchronous>, transform_indices = @transform_4, window_bounds = array<i64: 1, 128>}, {pipeline_mode = #tpu.pipeline_mode<synchronous>, transform_indices = @transform_5, window_bounds = array<i64: 128, 128>}, {pipeline_mode = #tpu.pipeline_mode<synchronous>, transform_indices = @transform_6, window_bounds = array<i64: 128, 1>}, {pipeline_mode = #tpu.pipeline_mode<synchronous>, transform_indices = @transform_7, window_bounds = array<i64: 1, 1>}, {pipeline_mode = #tpu.pipeline_mode<synchronous>, transform_indices = @transform_8, window_bounds = array<i64: 128, 1>}, {pipeline_mode = #tpu.pipeline_mode<synchronous>, transform_indices = @transform_9, window_bounds = array<i64: 1, 1>}, {transform_indices = @transform_10, window_bounds = array<i64: 400, 1>}, {transform_indices = @transform_11, window_bounds = array<i64: 400, 1>}]} {
    %get3A = arith.constant 0 : index
    %get3A_0 = arith.constant 0 : index
    %get3A_1 = arith.constant 0 : index
    %get3A_2 = vector.load %arg1[%get3A, %get3A_0, %get3A_1] : memref<2x400x128xf32, #tpu.memory_space<vmem>>, vector<1x400x128xf32>
    %get3A_3 = vector.shape_cast %get3A_2 : vector<1x400x128xf32> to vector<400x128xf32>
    %get3A_4 = arith.constant 1 : index
    %get3A_5 = arith.constant 0 : index
    %get3A_6 = arith.constant 0 : index
    %get3A_7 = vector.load %arg1[%get3A_4, %get3A_5, %get3A_6] : memref<2x400x128xf32, #tpu.memory_space<vmem>>, vector<1x400x128xf32>
    %get3A_8 = vector.shape_cast %get3A_7 : vector<1x400x128xf32> to vector<400x128xf32>
    %add3A = arith.addf %get3A_3, %get3A_8 : vector<400x128xf32>
    %get3A_9 = arith.constant 0 : index
    %get3A_10 = arith.constant 0 : index
    %get3A_11 = arith.constant 0 : index
    %get3A_12 = vector.load %arg2[%get3A_9, %get3A_10, %get3A_11] : memref<2x400x128xf32, #tpu.memory_space<vmem>>, vector<1x400x1xf32>
    %get3A_13 = vector.shape_cast %get3A_12 : vector<1x400x1xf32> to vector<400x1xf32>
    %get3A_14 = arith.constant 1 : index
    %get3A_15 = arith.constant 0 : index
    %get3A_16 = arith.constant 0 : index
    %get3A_17 = vector.load %arg2[%get3A_14, %get3A_15, %get3A_16] : memref<2x400x128xf32, #tpu.memory_space<vmem>>, vector<1x400x1xf32>
    %get3A_18 = vector.shape_cast %get3A_17 : vector<1x400x1xf32> to vector<400x1xf32>
    %add3A_19 = arith.addf %get3A_13, %get3A_18 : vector<400x1xf32>
    %max3A = arith.constant 1.000000e+00 : f32
    %max3A_20 = vector.broadcast %max3A : f32 to vector<400x1xf32>
    %max3A_21 = arith.maximumf %add3A_19, %max3A_20 : vector<400x1xf32>
    %div3A = vector.broadcast %max3A_21 : vector<400x1xf32> to vector<400x128xf32>
    %div3A_22 = arith.divf %add3A, %div3A : vector<400x128xf32>
    %get3A_23 = arith.constant 0 : index
    %get3A_24 = arith.constant 0 : index
    %get3A_25 = vector.load %arg4[%get3A_23, %get3A_24] : memref<128x128xf32, #tpu.memory_space<vmem>>, vector<128x128xf32>
    %dot_general3A = arith.constant dense<0.000000e+00> : vector<400x128xf32>
    %dot_general3A_26 = tpu.matmul %div3A_22, %get3A_25, %dot_general3A {dimension_numbers = #tpu.dot_dimension_numbers<[1], [0], [0], [1], [0, 0, 1, 1], [], []>, transpose_lhs_hint = false} : vector<400x128xf32>, vector<128x128xf32>, vector<400x128xf32> -> vector<400x128xf32>
    %get3A_27 = arith.constant 0 : index
    %get3A_28 = arith.constant 0 : index
    %get3A_29 = vector.load %arg5[%get3A_27, %get3A_28] : memref<1x128xf32, #tpu.memory_space<vmem>>, vector<1x128xf32>
    %add3A_30 = vector.broadcast %get3A_29 : vector<1x128xf32> to vector<400x128xf32>
    %add3A_31 = arith.addf %dot_general3A_26, %add3A_30 : vector<400x128xf32>
    %get3A_32 = arith.constant 0 : index
    %get3A_33 = arith.constant 0 : index
    %get3A_34 = vector.load %arg3[%get3A_32, %get3A_33] : memref<400x128xf32, #tpu.memory_space<vmem>>, vector<400x128xf32>
    %get3A_35 = arith.constant 0 : index
    %get3A_36 = arith.constant 0 : index
    %get3A_37 = vector.load %arg6[%get3A_35, %get3A_36] : memref<128x128xf32, #tpu.memory_space<vmem>>, vector<128x128xf32>
    %dot_general3A_38 = arith.constant dense<0.000000e+00> : vector<400x128xf32>
    %dot_general3A_39 = tpu.matmul %get3A_34, %get3A_37, %dot_general3A_38 {dimension_numbers = #tpu.dot_dimension_numbers<[1], [0], [0], [1], [0, 0, 1, 1], [], []>, transpose_lhs_hint = false} : vector<400x128xf32>, vector<128x128xf32>, vector<400x128xf32> -> vector<400x128xf32>
    %add3A_40 = arith.addf %add3A_31, %dot_general3A_39 : vector<400x128xf32>
    %max3A_41 = arith.constant 0.000000e+00 : f32
    %max3A_42 = vector.broadcast %max3A_41 : f32 to vector<400x128xf32>
    %max3A_43 = arith.maximumf %add3A_40, %max3A_42 : vector<400x128xf32>
    %get3A_44 = arith.constant 0 : index
    %get3A_45 = arith.constant 0 : index
    %get3A_46 = vector.load %arg7[%get3A_44, %get3A_45] : memref<128x1xf32, #tpu.memory_space<vmem>>, vector<128x1xf32>
    %dot_general3A_47 = arith.constant dense<0.000000e+00> : vector<400x1xf32>
    %dot_general3A_48 = tpu.matmul %max3A_43, %get3A_46, %dot_general3A_47 {dimension_numbers = #tpu.dot_dimension_numbers<[1], [0], [0], [1], [0, 0, 1, 1], [], []>, transpose_lhs_hint = false} : vector<400x128xf32>, vector<128x1xf32>, vector<400x1xf32> -> vector<400x1xf32>
    %get3A_49 = arith.constant 0 : index
    %get3A_50 = arith.constant 0 : index
    %get3A_51 = vector.load %arg8[%get3A_49, %get3A_50] : memref<1x1xf32, #tpu.memory_space<vmem>>, vector<1x1xf32>
    %add3A_52 = vector.broadcast %get3A_51 : vector<1x1xf32> to vector<400x1xf32>
    %add3A_53 = arith.addf %dot_general3A_48, %add3A_52 : vector<400x1xf32>
    %get3A_54 = arith.constant 0 : index
    %get3A_55 = arith.constant 0 : index
    %get3A_56 = vector.load %arg9[%get3A_54, %get3A_55] : memref<128x1xf32, #tpu.memory_space<vmem>>, vector<128x1xf32>
    %dot_general3A_57 = arith.constant dense<0.000000e+00> : vector<400x1xf32>
    %dot_general3A_58 = tpu.matmul %max3A_43, %get3A_56, %dot_general3A_57 {dimension_numbers = #tpu.dot_dimension_numbers<[1], [0], [0], [1], [0, 0, 1, 1], [], []>, transpose_lhs_hint = false} : vector<400x128xf32>, vector<128x1xf32>, vector<400x1xf32> -> vector<400x1xf32>
    %get3A_59 = arith.constant 0 : index
    %get3A_60 = arith.constant 0 : index
    %get3A_61 = vector.load %arg10[%get3A_59, %get3A_60] : memref<1x1xf32, #tpu.memory_space<vmem>>, vector<1x1xf32>
    %add3A_62 = vector.broadcast %get3A_61 : vector<1x1xf32> to vector<400x1xf32>
    %add3A_63 = arith.addf %dot_general3A_58, %add3A_62 : vector<400x1xf32>
    %neg3A = arith.constant 0.000000e+00 : f32
    %neg3A_64 = vector.broadcast %neg3A : f32 to vector<400x1xf32>
    %neg3A_65 = arith.subf %neg3A_64, %add3A_63 : vector<400x1xf32>
    %exp3A = math.exp %neg3A_65 : vector<400x1xf32>
    %add3A_66 = arith.constant 1.000000e+00 : f32
    %add3A_67 = vector.broadcast %add3A_66 : f32 to vector<400x1xf32>
    %add3A_68 = arith.addf %add3A_67, %exp3A : vector<400x1xf32>
    %div3A_69 = arith.constant 1.000000e+00 : f32
    %div3A_70 = vector.broadcast %div3A_69 : f32 to vector<400x1xf32>
    %div3A_71 = arith.divf %div3A_70, %add3A_68 : vector<400x1xf32>
    %sub3A = arith.subf %add3A_53, %div3A_71 : vector<400x1xf32>
    %swap3A = arith.constant 0 : index
    %swap3A_72 = arith.constant 0 : index
    %swap3A_73 = vector.load %arg11[%swap3A, %swap3A_72] : memref<400x1xf32, #tpu.memory_space<vmem>>, vector<400x1xf32>
    tpu.vector_store %arg11[%swap3A, %swap3A_72], %sub3A {strides = array<i32>} : memref<400x1xf32, #tpu.memory_space<vmem>>, vector<400x1xf32>,
    %add3A_74 = arith.addf %add3A_53, %div3A_71 : vector<400x1xf32>
    %swap3A_75 = arith.constant 0 : index
    %swap3A_76 = arith.constant 0 : index
    %swap3A_77 = vector.load %arg12[%swap3A_75, %swap3A_76] : memref<400x1xf32, #tpu.memory_space<vmem>>, vector<400x1xf32>
    tpu.vector_store %arg12[%swap3A_75, %swap3A_76], %add3A_74 {strides = array<i32>} : memref<400x1xf32, #tpu.memory_space<vmem>>, vector<400x1xf32>,
    return
  }
  func.func @transform_0(%arg0: i32) -> (i32, i32, i32) {
    %c0_i32 = arith.constant 0 : i32
    %c0_i32_0 = arith.constant 0 : i32
    %c0_i32_1 = arith.constant 0 : i32
    return %c0_i32, %arg0, %c0_i32_0 : i32, i32, i32
  }
  func.func @transform_1(%arg0: i32) -> (i32, i32, i32) {
    %c0_i32 = arith.constant 0 : i32
    %c0_i32_0 = arith.constant 0 : i32
    %c0_i32_1 = arith.constant 0 : i32
    return %c0_i32, %arg0, %c0_i32_0 : i32, i32, i32
  }
  func.func @transform_2(%arg0: i32) -> (i32, i32) {
    %c0_i32 = arith.constant 0 : i32
    %c0_i32_0 = arith.constant 0 : i32
    return %arg0, %c0_i32 : i32, i32
  }
  func.func @transform_3(%arg0: i32) -> (i32, i32) {
    %c0_i32 = arith.constant 0 : i32
    %c0_i32_0 = arith.constant 0 : i32
    %c0_i32_1 = arith.constant 0 : i32
    return %c0_i32, %c0_i32_0 : i32, i32
  }
  func.func @transform_4(%arg0: i32) -> (i32, i32) {
    %c0_i32 = arith.constant 0 : i32
    %c0_i32_0 = arith.constant 0 : i32
    %c0_i32_1 = arith.constant 0 : i32
    return %c0_i32, %c0_i32_0 : i32, i32
  }
  func.func @transform_5(%arg0: i32) -> (i32, i32) {
    %c0_i32 = arith.constant 0 : i32
    %c0_i32_0 = arith.constant 0 : i32
    %c0_i32_1 = arith.constant 0 : i32
    return %c0_i32, %c0_i32_0 : i32, i32
  }
  func.func @transform_6(%arg0: i32) -> (i32, i32) {
    %c0_i32 = arith.constant 0 : i32
    %c0_i32_0 = arith.constant 0 : i32
    %c0_i32_1 = arith.constant 0 : i32
    return %c0_i32, %c0_i32_0 : i32, i32
  }
  func.func @transform_7(%arg0: i32) -> (i32, i32) {
    %c0_i32 = arith.constant 0 : i32
    %c0_i32_0 = arith.constant 0 : i32
    %c0_i32_1 = arith.constant 0 : i32
    return %c0_i32, %c0_i32_0 : i32, i32
  }
  func.func @transform_8(%arg0: i32) -> (i32, i32) {
    %c0_i32 = arith.constant 0 : i32
    %c0_i32_0 = arith.constant 0 : i32
    %c0_i32_1 = arith.constant 0 : i32
    return %c0_i32, %c0_i32_0 : i32, i32
  }
  func.func @transform_9(%arg0: i32) -> (i32, i32) {
    %c0_i32 = arith.constant 0 : i32
    %c0_i32_0 = arith.constant 0 : i32
    %c0_i32_1 = arith.constant 0 : i32
    return %c0_i32, %c0_i32_0 : i32, i32
  }
  func.func @transform_10(%arg0: i32) -> (i32, i32) {
    %c0_i32 = arith.constant 0 : i32
    %c0_i32_0 = arith.constant 0 : i32
    return %arg0, %c0_i32 : i32, i32
  }
  func.func @transform_11(%arg0: i32) -> (i32, i32) {
    %c0_i32 = arith.constant 0 : i32
    %c0_i32_0 = arith.constant 0 : i32
    return %arg0, %c0_i32 : i32, i32
  }
}

module attributes {stable_mosaic.version = 14 : i64} {
  func.func @body(%arg0: i32, %arg1: memref<2x400x128xf32, #tpu.memory_space<vmem>>, %arg2: memref<2x400x128xf32, #tpu.memory_space<vmem>>, %arg3: memref<400x128xf32, #tpu.memory_space<vmem>>, %arg4: memref<128x128xf32, #tpu.memory_space<vmem>>, %arg5: memref<1x128xf32, #tpu.memory_space<vmem>>, %arg6: memref<128x128xf32, #tpu.memory_space<vmem>>, %arg7: memref<400x128xf32, #tpu.memory_space<vmem>>) attributes {dimension_semantics = [#tpu.dimension_semantics<arbitrary>], iteration_bounds = array<i64: 25>, scalar_prefetch = 0 : i64, scratch_operands = 0 : i64, tpu.core_type = #tpu.core_type<tc>, window_params = [{transform_indices = @transform_0, window_bounds = array<i64: 2, 400, 128>}, {transform_indices = @transform_1, window_bounds = array<i64: 2, 400, 128>}, {transform_indices = @transform_2, window_bounds = array<i64: 400, 128>}, {pipeline_mode = #tpu.pipeline_mode<synchronous>, transform_indices = @transform_3, window_bounds = array<i64: 128, 128>}, {pipeline_mode = #tpu.pipeline_mode<synchronous>, transform_indices = @transform_4, window_bounds = array<i64: 1, 128>}, {pipeline_mode = #tpu.pipeline_mode<synchronous>, transform_indices = @transform_5, window_bounds = array<i64: 128, 128>}, {transform_indices = @transform_6, window_bounds = array<i64: 400, 128>}]} {
    %get3A = arith.constant 0 : index
    %get3A_0 = arith.constant 0 : index
    %get3A_1 = arith.constant 0 : index
    %get3A_2 = vector.load %arg1[%get3A, %get3A_0, %get3A_1] : memref<2x400x128xf32, #tpu.memory_space<vmem>>, vector<1x400x128xf32>
    %get3A_3 = vector.shape_cast %get3A_2 : vector<1x400x128xf32> to vector<400x128xf32>
    %get3A_4 = arith.constant 1 : index
    %get3A_5 = arith.constant 0 : index
    %get3A_6 = arith.constant 0 : index
    %get3A_7 = vector.load %arg1[%get3A_4, %get3A_5, %get3A_6] : memref<2x400x128xf32, #tpu.memory_space<vmem>>, vector<1x400x128xf32>
    %get3A_8 = vector.shape_cast %get3A_7 : vector<1x400x128xf32> to vector<400x128xf32>
    %add3A = arith.addf %get3A_3, %get3A_8 : vector<400x128xf32>
    %get3A_9 = arith.constant 0 : index
    %get3A_10 = arith.constant 0 : index
    %get3A_11 = arith.constant 0 : index
    %get3A_12 = vector.load %arg2[%get3A_9, %get3A_10, %get3A_11] : memref<2x400x128xf32, #tpu.memory_space<vmem>>, vector<1x400x1xf32>
    %get3A_13 = vector.shape_cast %get3A_12 : vector<1x400x1xf32> to vector<400x1xf32>
    %get3A_14 = arith.constant 1 : index
    %get3A_15 = arith.constant 0 : index
    %get3A_16 = arith.constant 0 : index
    %get3A_17 = vector.load %arg2[%get3A_14, %get3A_15, %get3A_16] : memref<2x400x128xf32, #tpu.memory_space<vmem>>, vector<1x400x1xf32>
    %get3A_18 = vector.shape_cast %get3A_17 : vector<1x400x1xf32> to vector<400x1xf32>
    %add3A_19 = arith.addf %get3A_13, %get3A_18 : vector<400x1xf32>
    %max3A = arith.constant 1.000000e+00 : f32
    %max3A_20 = vector.broadcast %max3A : f32 to vector<400x1xf32>
    %max3A_21 = arith.maximumf %add3A_19, %max3A_20 : vector<400x1xf32>
    %div3A = vector.broadcast %max3A_21 : vector<400x1xf32> to vector<400x128xf32>
    %div3A_22 = arith.divf %add3A, %div3A : vector<400x128xf32>
    %get3A_23 = arith.constant 0 : index
    %get3A_24 = arith.constant 0 : index
    %get3A_25 = vector.load %arg4[%get3A_23, %get3A_24] : memref<128x128xf32, #tpu.memory_space<vmem>>, vector<128x128xf32>
    %dot_general3A = arith.constant dense<0.000000e+00> : vector<400x128xf32>
    %dot_general3A_26 = tpu.matmul %div3A_22, %get3A_25, %dot_general3A {dimension_numbers = #tpu.dot_dimension_numbers<[1], [0], [0], [1], [0, 0, 1, 1], [], []>, transpose_lhs_hint = false} : vector<400x128xf32>, vector<128x128xf32>, vector<400x128xf32> -> vector<400x128xf32>
    %get3A_27 = arith.constant 0 : index
    %get3A_28 = arith.constant 0 : index
    %get3A_29 = vector.load %arg5[%get3A_27, %get3A_28] : memref<1x128xf32, #tpu.memory_space<vmem>>, vector<1x128xf32>
    %add3A_30 = vector.broadcast %get3A_29 : vector<1x128xf32> to vector<400x128xf32>
    %add3A_31 = arith.addf %dot_general3A_26, %add3A_30 : vector<400x128xf32>
    %get3A_32 = arith.constant 0 : index
    %get3A_33 = arith.constant 0 : index
    %get3A_34 = vector.load %arg3[%get3A_32, %get3A_33] : memref<400x128xf32, #tpu.memory_space<vmem>>, vector<400x128xf32>
    %get3A_35 = arith.constant 0 : index
    %get3A_36 = arith.constant 0 : index
    %get3A_37 = vector.load %arg6[%get3A_35, %get3A_36] : memref<128x128xf32, #tpu.memory_space<vmem>>, vector<128x128xf32>
    %dot_general3A_38 = arith.constant dense<0.000000e+00> : vector<400x128xf32>
    %dot_general3A_39 = tpu.matmul %get3A_34, %get3A_37, %dot_general3A_38 {dimension_numbers = #tpu.dot_dimension_numbers<[1], [0], [0], [1], [0, 0, 1, 1], [], []>, transpose_lhs_hint = false} : vector<400x128xf32>, vector<128x128xf32>, vector<400x128xf32> -> vector<400x128xf32>
    %add3A_40 = arith.addf %add3A_31, %dot_general3A_39 : vector<400x128xf32>
    %max3A_41 = arith.constant 0.000000e+00 : f32
    %max3A_42 = vector.broadcast %max3A_41 : f32 to vector<400x128xf32>
    %max3A_43 = arith.maximumf %add3A_40, %max3A_42 : vector<400x128xf32>
    %swap3A = arith.constant 0 : index
    %swap3A_44 = arith.constant 0 : index
    %swap3A_45 = vector.load %arg7[%swap3A, %swap3A_44] : memref<400x128xf32, #tpu.memory_space<vmem>>, vector<400x128xf32>
    tpu.vector_store %arg7[%swap3A, %swap3A_44], %max3A_43 {strides = array<i32>} : memref<400x128xf32, #tpu.memory_space<vmem>>, vector<400x128xf32>,
    return
  }
  func.func @transform_0(%arg0: i32) -> (i32, i32, i32) {
    %c0_i32 = arith.constant 0 : i32
    %c0_i32_0 = arith.constant 0 : i32
    %c0_i32_1 = arith.constant 0 : i32
    return %c0_i32, %arg0, %c0_i32_0 : i32, i32, i32
  }
  func.func @transform_1(%arg0: i32) -> (i32, i32, i32) {
    %c0_i32 = arith.constant 0 : i32
    %c0_i32_0 = arith.constant 0 : i32
    %c0_i32_1 = arith.constant 0 : i32
    return %c0_i32, %arg0, %c0_i32_0 : i32, i32, i32
  }
  func.func @transform_2(%arg0: i32) -> (i32, i32) {
    %c0_i32 = arith.constant 0 : i32
    %c0_i32_0 = arith.constant 0 : i32
    return %arg0, %c0_i32 : i32, i32
  }
  func.func @transform_3(%arg0: i32) -> (i32, i32) {
    %c0_i32 = arith.constant 0 : i32
    %c0_i32_0 = arith.constant 0 : i32
    %c0_i32_1 = arith.constant 0 : i32
    return %c0_i32, %c0_i32_0 : i32, i32
  }
  func.func @transform_4(%arg0: i32) -> (i32, i32) {
    %c0_i32 = arith.constant 0 : i32
    %c0_i32_0 = arith.constant 0 : i32
    %c0_i32_1 = arith.constant 0 : i32
    return %c0_i32, %c0_i32_0 : i32, i32
  }
  func.func @transform_5(%arg0: i32) -> (i32, i32) {
    %c0_i32 = arith.constant 0 : i32
    %c0_i32_0 = arith.constant 0 : i32
    %c0_i32_1 = arith.constant 0 : i32
    return %c0_i32, %c0_i32_0 : i32, i32
  }
  func.func @transform_6(%arg0: i32) -> (i32, i32) {
    %c0_i32 = arith.constant 0 : i32
    %c0_i32_0 = arith.constant 0 : i32
    return %arg0, %c0_i32 : i32, i32
  }
}

</mosaic_0001>

<sc_bundles>
// kernel: kernel.10.cloned.1.call-start
scs
__scs_entry_jumppad:
0x0: {  	(pc) =	sbr.rel $0x88, $3  }
0x1: {  	(tag) =	ssettag $0x0;
	lr =	simm.s32 $0x1  }
0x2: {  	[smem:$0x3F95] =	sst lr;
	_ =	strace $0xD0000000  }
0x3: {  	_ = 	snop  }
0x4: {  	_ = 	snop  }
0x5: {  	_ = 	snop  }
0x6: {  	_ = 	snop  }
0x7: {  	_ = 	snop  }
__scs_overlays_trampoline_lowered:
0x8: {  	[smem:$0x3FA4] =	sst s0  }
0x9: {  	[smem:$0x3FA5] =	sst s1  }
0xa: {  	[smem:$0x3FA6] =	sst s2  }
0xb: {  	[smem:$0x3FA7] =	sst s3  }
0xc: {  	[smem:$0x3FA8] =	sst s4  }
0xd: {  	[smem:$0x3FA9] =	sst s5  }
0xe: {  	[smem:$0x3FAA] =	sst s6  }
0xf: {  	[smem:$0x3FAB] =	sst s7  }
0x10: {  	[smem:$0x3FAC] =	sst s8  }
0x11: {  	[smem:$0x3FAD] =	sst s9;
	s0 =	simm.s32 @!p0 $0x0  }
0x12: {  	s1 =	sld [smem:$0x3F93];
	s0 =	simm.s32 @p0 $0x1  }
0x13: {  	[smem:$0x3FAE] =	sst s0;
	s0 =	simm.s32 @!p1 $0x0  }
0x14: {  	s2 =	sld [smem:$0x3F92];
	s0 =	simm.s32 @p1 $0x1  }
0x15: {  	[smem:$0x3FAF] =	sst s0;
	s0 =	simm.s32 @!p2 $0x0  }
0x16: {  	s3 =	sld [smem:$0x3FDB];
	s0 =	simm.s32 @p2 $0x1  }
0x17: {  	s4 =	simm.s32 $0x1BF5;
	[smem:$0x3FB1] =	sst s0  }
0x18: {  	s0 =	sld [smem:$0x3F94];
	_ =	swait.ge [sflag:s4], $0x0  }
0x19: {  	s7 =	sld [smem:$0x3F95]  }
0x1a: {  	s8 =	sadd.s32 $0xFFFFE003, lr  }
0x1b: {  	s9 =	sadd.s32 $0xFFFFFEF7, lr;
	s5 =	simm.s32 $0xFFFFFFFF;
	p2 =	slt.u32 s8, $0xFFFFF086  }
0x1c: {  	p1 =	slt.u32 s9, $0xF7A;
	s5 =	simm.s32 @!p2 $0x0  }
0x1d: {  	s5 =	simm.s32 @p1 $0x1;
	p0 =	seq.s32 s7, s2  }
0x1e: {  	s7 =	smul.u32 @!p0 $0xF7A, s2;
	p2 =	seq.s32 @!p0 s5, $0x0  }
0x1f: {  	s9 =	smul.u32 $0xF7A, s1;
	s8 =	simm.s32 @!p0 $0x1BF5;
	p2 =	por !p2, p0  }
0x20: {  	[sflag:s8] =	ssyncset.s32 @!p0 $0xFFFFF086;
	s6 =	sadd.s32 @!p0 s3, s7;
	s7 =	simm.s32 @!p0 $0x108  }
0x21: {  	s3 =	sadd.s32 s3, s9;
	s6 =	sadd.s32 @!p0 $0x88, s6;
	s7 =	simm.s32 @p2 $0x1082  }
0x22: {  	[simem:s7], [sflag:s8] =	dma.local @!p0 [hbm:s6], $0xF7A  }
0x23: {  	s9 =	sor.u32 $0xD0000000, s2;
	s6 =	simm.s32 $0x108;
	_ =	swait.ge @!p0 [sflag:s8], $0x0  }
0x24: {  	s3 =	sadd.s32 $0x88, s3;
	s6 =	simm.s32 @!p1 $0x1082;
	[sflag:s4] =	ssyncset.s32 $0xFFFFF086  }
0x25: {  	[simem:s6], [sflag:s4] =	dma.local [hbm:s3], $0xF7A  }
0x26: {  	[smem:$0x3F95] =	sst s1;
	(tag) =	ssettag s2;
	_ =	strace s9  }
0x27: {  	s1 =	sld [smem:$0x3FA5]  }
0x28: {  	s2 =	sld [smem:$0x3FA6]  }
0x29: {  	s4 =	sld [smem:$0x3FA8]  }
0x2a: {  	p0 =	seq.s32 s5, $0x0;
	s5 =	sld [smem:$0x3FA9]  }
0x2b: {  	s6 =	sld [smem:$0x3FAA]  }
0x2c: {  	s7 =	sld [smem:$0x3FAB]  }
0x2d: {  	s3 =	simm.s32 $0x108;
	s8 =	sld [smem:$0x3FAC]  }
0x2e: {  	s3 =	simm.s32 @!p0 $0x1082;
	s9 =	sld [smem:$0x3FAD]  }
0x2f: {  	lr =	sadd.s32 s0, s3;
	s0 =	sld [smem:$0x3FA4]  }
0x30: {  	s3 =	sld [smem:$0x3FA7]  }
0x31: {  	[smem:$0x3FB0] =	sst s10  }
0x32: {  	s10 =	sld [smem:$0x3FAE];
	_ =	sdelay $0x3  }
0x33: {  	p0 =	seq.s32 s10, $0x1;
	s10 =	sld [smem:$0x3FB0];
	_ =	sdelay $0x3  }
0x34: {  	[smem:$0x3FB0] =	sst s10  }
0x35: {  	s10 =	sld [smem:$0x3FAF];
	_ =	sdelay $0x3  }
0x36: {  	p1 =	seq.s32 s10, $0x1;
	s10 =	sld [smem:$0x3FB0];
	_ =	sdelay $0x3  }
0x37: {  	[smem:$0x3FB0] =	sst s10  }
0x38: {  	s10 =	sld [smem:$0x3FB1]  }
0x39: {  	_ = 	snop;
	(pc) =	sbr.ind lr, $3  }
0x3a: {  	_ = 	snop  }
0x3b: {  	_ = 	snop  }
0x3c: {  	p2 =	seq.s32 s10, $0x1;
	s10 =	sld [smem:$0x3FB0]  }
0x3d: {  	_ =	shalt  }
0x3e: {  	_ =	shalt  }
0x3f: {  	_ =	shalt  }
0x40: {  	_ =	shalt  }
0x41: {  	_ =	shalt  }
0x42: {  	_ =	shalt  }
0x43: {  	_ =	shalt  }
0x44: {  	_ =	shalt  }
0x45: {  	_ =	shalt  }
0x46: {  	_ =	shalt  }
0x47: {  	_ =	shalt  }
0x48: {  	_ =	shalt  }
0x49: {  	_ =	shalt  }
0x4a: {  	_ =	shalt  }
0x4b: {  	_ =	shalt  }
0x4c: {  	_ =	shalt  }
0x4d: {  	_ =	shalt  }
0x4e: {  	_ =	shalt  }
0x4f: {  	_ =	shalt  }
0x50: {  	_ =	shalt  }
0x51: {  	_ =	shalt  }
0x52: {  	_ =	shalt  }
0x53: {  	_ =	shalt  }
0x54: {  	_ =	shalt  }
0x55: {  	_ =	shalt  }
0x56: {  	_ =	shalt  }
0x57: {  	_ =	shalt  }
0x58: {  	_ =	shalt  }
0x59: {  	_ =	shalt  }
0x5a: {  	_ =	shalt  }
0x5b: {  	_ =	shalt  }
0x5c: {  	_ =	shalt  }
0x5d: {  	_ =	shalt  }
0x5e: {  	_ =	shalt  }
0x5f: {  	_ =	shalt  }
0x60: {  	_ =	shalt  }
0x61: {  	_ =	shalt  }
0x62: {  	_ =	shalt  }
0x63: {  	_ =	shalt  }
0x64: {  	_ =	shalt  }
0x65: {  	_ =	shalt  }
0x66: {  	_ =	shalt  }
0x67: {  	_ =	shalt  }
0x68: {  	_ =	shalt  }
0x69: {  	_ =	shalt  }
0x6a: {  	_ =	shalt  }
0x6b: {  	_ =	shalt  }
0x6c: {  	_ =	shalt  }
0x6d: {  	_ =	shalt  }
0x6e: {  	_ =	shalt  }
0x6f: {  	_ =	shalt  }
0x70: {  	_ =	shalt  }
0x71: {  	_ =	shalt  }
0x72: {  	_ =	shalt  }
0x73: {  	_ =	shalt  }
0x74: {  	_ =	shalt  }
0x75: {  	_ =	shalt  }
0x76: {  	_ =	shalt  }
0x77: {  	_ =	shalt  }
0x78: {  	_ =	shalt  }
0x79: {  	_ =	shalt  }
0x7a: {  	_ =	shalt  }
0x7b: {  	_ =	shalt  }
0x7c: {  	_ =	shalt  }
0x7d: {  	_ =	shalt  }
0x7e: {  	_ =	shalt  }
0x7f: {  	_ =	shalt  }
0x80: {  	_ =	shalt  }
0x81: {  	_ =	shalt  }
0x82: {  	_ =	shalt  }
0x83: {  	_ =	shalt  }
0x84: {  	_ =	shalt  }
0x85: {  	_ =	shalt  }
0x86: {  	_ =	shalt  }
0x87: {  	_ =	shalt  }
.Lfunc_end0:
.L_simem_size_0:
called_computation.1_lowered:
.L_overlay_start_0:
0x88: {  	s2 =	sld [smem:$0x3FD9]  }
0x89: {  	s3 =	sld [smem:$0x3FFE];
	_ =	sdelay $0x1  }
0x8a: {  	s1 =	srdreg.scid  }
0x8b: {  	s0 =	sand.u32 $0x1, s1  }
0x8c: {  	s17 =	sshll.u32 s0, $0xA;
	s2 =	sadd.s32 s3, s2  }
0x8d: {  	s2 =	sadd.s32 s2, s17  }
0x8e: {  	[smem:$0x3FBC] =	sst s2  }
0x8f: {  	_ = 	snop  }
0x90: {  	s18 =	sld [smem:$0x3FC9];
	(tm) =	ssettm $0x1  }
0x91: {  	s19 =	sld [smem:$0x3FFB];
	_ =	sdelay $0x3  }
0x92: {  	_ =	strace s19  }
0x93: {  	s2 =	sld [smem:$0x3FFC];
	_ =	sdelay $0x3  }
0x94: {  	_ =	strace s2  }
0x95: {  	s2 =	sld [smem:$0x3FFD];
	_ =	sdelay $0x3  }
0x96: {  	_ =	strace s2  }
0x97: {  	_ =	strace $0x8FFFFFFF  }
0x98: {  	s20 =	sld [smem:$0x3FDB];
	_ =	sdelay $0x1  }
0x99: {  	s4 =	simm.s32 $_scs_section_size  }
0x9a: {  	s5 =	simm.s32 $_size__tile_overlayer_lowered;
	s6 =	simm.s32 $_tile_overlayer_lowered  }
0x9b: {  	s7 =	simm.s32 $0x1BFF;
	s21 =	sshll.u32 s6, $0x1;
	s4 =	sadd.s32 s4, s20  }
0x9c: {  	s22 =	simm.s32 $0x0;
	s5 =	sshll.u32 s5, $0x1;
	s6 =	sadd.s32 s21, s4  }
0x9d: {  	[timem:s22], [sflag:s7] =	dma.local [hbm:s6], s5  }
0x9e: {  	_ =	swait.ge [sflag:s7], s5  }
0x9f: {  	s5 =	ssub.s32 $0x0, s5;
	[sflag:s7] =	ssyncset.done $0x0  }
0xa0: {  	[sflag:s7] =	ssyncadd.s32 s5;
	_ =	sdelay $0x1  }
0xa1: {  	s23 =	simm.s32 $0x1B8B  }
0xa2: {  	_ =	swait.ge [sflag:s23], $0x1  }
0xa3: {  	[sflag:s23] =	ssyncset.done $0x0  }
0xa4: {  	[sflag:s23] =	ssyncadd.s32 $0xFFFFFFFF  }
0xa5: {  	s5 =	sld [smem:$0x0]  }
0xa6: {  	s6 =	sand.u32 $0xFFFFFFFE, s1  }
0xa7: {  	p0 =	sne.s32 s1, s6  }
0xa8: {  	s6 =	sshll.u32 @p0 s6, $0xE  }
0xa9: {  	s6 =	sadd.s32 @p0 $0x11B8D, s6;
	s7 =	sshll.u32 @p0 s5, $0x11  }
0xaa: {  	s6 =	sor.u32 @p0 s7, s6  }
0xab: {  	[sflag:s6] =	ssyncadd.remote.s32 @p0 $0x1;
	_ =	sdelay $0x1  }
0xac: {  	s6 =	simm.s32 @p0 $0x1B8D  }
0xad: {  	_ =	swait.eq @p0 [sflag:s6], $0x1  }
0xae: {  	[sflag:s6] =	ssyncadd.s32 @p0 $0xFFFFFFFF  }
0xaf: {  	s7 =	sshll.u32 @!p0 s1, $0xE  }
0xb0: {  	s7 =	sor.u32 @!p0 $0x4000, s7;
	s6 =	simm.s32 @!p0 $0x1B8D  }
0xb1: {  	s5 =	sshll.u32 @!p0 s5, $0x11;
	s7 =	sadd.s32 @!p0 $0x11B8D, s7;
	_ =	swait.eq @!p0 [sflag:s6], $0x1  }
0xb2: {  	s5 =	sor.u32 @!p0 s5, s7;
	[sflag:s6] =	ssyncadd.s32 @!p0 $0xFFFFFFFF  }
0xb3: {  	s25 =	simm.s32 $0x1B8E;
	s24 =	sld [smem:$0x3FFE];
	[sflag:s5] =	ssyncadd.remote.s32 @!p0 $0x1  }
0xb4: {  	s26 =	simm.s32 $execute0_lowered;
	[smem:$0x3FD2] =	sst s25  }
0xb5: {  	s6 =	sshll.u32 s26, $0x1;
	_ =	strace $0x80000049;
	[dreg:$0x1] =	wrdreg $0xFFFFFFFF  }
0xb6: {  	s28 =	simm.s32 $_size_execute0_lowered;
	s4 =	sadd.s32 s4, s6;
	[dreg:$0x0] =	wrdreg $0x0  }
0xb7: {  	s6 =	sshll.u32 s28, $0x1;
	[dreg:$0x2] =	wrdreg s4  }
0xb8: {  	[dreg:$0x3] =	wrdreg s6  }
0xb9: {  	[dreg:$0x4] =	wrdreg $0xC0  }
0xba: {  	_ =	task [dreg:s22], $0x5FFFF  }
0xbb: {  	[dreg:$0x1] =	wrdreg $0xFFFFFFFF  }
0xbc: {  	[dreg:$0x0] =	wrdreg $0x60  }
0xbd: {  	[dreg:$0x2] =	wrdreg s18  }
0xbe: {  	[dreg:$0x3] =	wrdreg s24  }
0xbf: {  	[dreg:$0x4] =	wrdreg $0x0  }
0xc0: {  	[dreg:$0x5] =	wrdreg $0xA  }
0xc1: {  	_ =	task.clear_ibuf [dreg:s22], $0x6FFFF;
	_ =	strace $0x90000049  }
0xc2: {  	s29 =	simm.s32 $0xA;
	_ =	strace $0x8000004B  }
0xc3: {  	_ =	swait.ge [sflag:s29], $0x1  }
0xc4: {  	[sflag:s29] =	ssyncadd.s32 $0xFFFFFFFF  }
0xc5: {  	_ =	strace $0x9000004B  }
0xc6: {  	_ =	sfence  }
0xc7: {  	s30 =	sld [smem:$0x0];
	_ =	sdelay $0x2  }
0xc8: {  	s31 =	sshll.u32 s1, $0xD;
	s1 =	sshrl.u32 s1, $0x2  }
0xc9: {  	s4 =	sand.u32 $0x4000, s31;
	s1 =	sadd.s32 s1, s30  }
0xca: {  	s0 =	sor.u32 s4, s0;
	s1 =	sshll.u32 s1, $0x11  }
0xcb: {  	s0 =	sor.u32 s1, s0  }
0xcc: {  	s0 =	sadd.s32 $0x8F2B, s0  }
0xcd: {  	[sflag:s0] =	ssyncadd.remote.s32 $0x1  }
0xce: {  	_ =	sfence.sel $0xFFFF  }
0xcf: {  	[dreg:$0x0] =	wrdreg $0xFFFFFFFF;
	(pc) =	sbr.abs _section_cstart, $3  }
0xd0: {  	[dreg:$0x1] =	wrdreg $0xFFFFFFFF  }
0xd1: {  	_ =	task.clear_ibuf [dreg:s22], $0x2FFFF;
	_ =	strace $0x9FFFFFFF  }
0xd2: {  	(tm) =	ssettm $0x7FFFFFFF  }
0xd3: {  	_ =	shalt  }
tec
execute0_lowered:
.L_overlay_start_1:
0x0: {  	(tag) =	ssettag $0x1  }
0x1: {  	s1 =	rddreg [dreg:$0x0]  }
0x2: {  	s0 =	rddreg [dreg:$0x1]  }
0x3: {  	s2 =	srdreg.scid;
	s13 =	stileid.u32  }
0x4: {  	s3 =	rddreg [dreg:$0x2];
	s4 =	simm.s32 $0x0;
	s28 =	simm.s32 $0x1E880  }
0x5: {  	s29 =	simm.s32 $0x4;
	s30 =	simm.s32 $0x1A800;
	s10 =	smul.u32 $0x50000, s13  }
0x6: {  	s31 =	simm.s32 $0x1;
	s2 =	sand.u32 $0x1, s2;
	s11 =	smul.u32 $0x14000, s13  }
0x7: {  	s5 =	sshll.u32 s13, $0x1;
	[smem:$0x7FF] =	sst s4;
	s22 =	smul.u32 $0x5000, s13  }
0x8: {  	s6 =	sadd.s32 $0x2800, s0;
	s18 =	sadd.s32 $0x69800, s0;
	s17 =	smul.u32 $0x140000, s2  }
0x9: {  	s5 =	sor.u32 s2, s5;
	s7 =	ssub.s32 $0x2, s2;
	s2 =	smul.u32 $0x2800, s2  }
0xa: {  	_ =	strace $0x8000004A;
	s5 =	smul.u32 $0x2800, s5;
	s9 =	sshrl.u32 s7, $0x1  }
0xb: {  	s24 =	sshrl.u32 s10, $0x2;
	s25 =	sadd.s32 $0x4000, s11;
	s15 =	sadd.s32 $0x8000, s11  }
0xc: {  	s20 =	sadd.s32 $0xC000, s11;
	s21 =	sadd.s32 $0x10000, s11;
	s19 =	ssub.s32 s7, s9  }
0xd: {  	s7 =	sadd.s32 s24, s3;
	s9 =	sadd.s32 s15, s3;
	s10 =	sadd.s32 s20, s3  }
0xe: {  	s12 =	sadd.s32 s11, s17;
	s16 =	sadd.s32 s17, s15;
	s20 =	sadd.s32 s17, s20  }
0xf: {  	s2 =	sadd.s32 s2, s22;
	s22 =	simm.s32 $0x0;
	s5 =	sshrl.u32 s5, $0x3  }
0x10: {  	s26 =	sshrl.u32 s12, $0x3;
	s12 =	sadd.s32 s21, s3;
	s21 =	sadd.s32 s17, s21  }
0x11: {  	s24 =	sor.u32 $0x180, s2;
	s2 =	sor.u32 $0x100, s2;
	s19 =	smax.u32 s19, $0x1  }
0x12: {  	s8 =	sadd.s32 s5, s0;
	s0 =	sadd.s32 $0x18000, s0;
	s11 =	sadd.s32 s6, s5  }
0x13: {  	s5 =	sadd.s32 s18, s26;
	s26 =	sshrl.u32 s2, $0x3;
	s2 =	simm.s32 $0x3  }
0x14: {  	s23 =	sadd.s32 $0xC800, s8;
	[dreg:$0x5] =	wrdreg s0;
	s8 =	sadd.s32 s25, s3  }
0x15: {  	s14 =	sadd.s32 $0x10, s11;
	[dreg:$0x7] =	wrdreg s5;
	s0 =	sadd.s32 s17, s25  }
0x16: {  	s5 =	sshrl.u32 s16, $0x3;
	s25 =	sshrl.u32 s24, $0x3;
	[dreg:$0x4] =	wrdreg s23  }
0x17: {  	s24 =	simm.s32 $0x16800;
	[dreg:$0x6] =	wrdreg s14;
	s0 =	sshrl.u32 s0, $0x3  }
0x18: {  	s16 =	sadd.s32 s18, s5;
	s23 =	sshrl.u32 s21, $0x3;
	s21 =	sadd.s32 s26, s6  }
0x19: {  	s26 =	simm.s32 $0x80;
	s15 =	sadd.s32 s18, s0;
	s0 =	sshrl.u32 s20, $0x3  }
0x1a: {  	s20 =	sadd.s32 s25, s6;
	s25 =	simm.s32 $0x1E800;
	s17 =	sadd.s32 s18, s0  }
0x1b: {  	s18 =	sadd.s32 s18, s23;
	s23 =	simm.s32 $0x5;
	s0 =	simm.s32 $0x2  }
.LBB2_1:
0x1c: {  	s5 =	rddreg [dreg:$0x4];
	s6 =	simm.s32 $0x14000  }
0x1d: {  	[tilespmem:s6], [sflag:$0x5] =	stream.linear.gather [hbm4b:s5+s4], $0x2800, $0x38;
	[tilespmem:$0x1E900] =	vst v63  }
0x1e: {  	_ =	swait.ge [sflag:s23], $0x2800  }
0x1f: {  	[sflag:s23] =	ssyncset.done $0x0  }
0x20: {  	s13 =	rddreg [dreg:$0x5];
	[sflag:s23] =	ssyncadd.s32 $0xFFFFD800  }
0x21: {  	[tilespmem:s24], [sflag:$0x5] =	stream.linear.gather [hbm4b:s13+s4], $0x4000, $0x38;
	[tilespmem:$0x1E900] =	vst v63  }
0x22: {  	_ =	swait.ge [sflag:s23], $0x4000  }
0x23: {  	[sflag:s23] =	ssyncset.done $0x0  }
0x24: {  	[sflag:s23] =	ssyncadd.s32 $0xFFFFC000  }
0x25: {  	[spmem:s7] =	stream.linear.scatter [tilespmem:s24], [sflag:$0x5], $0x4000, $0x38;
	[tilespmem:$0x1E900] =	vst v63  }
0x26: {  	_ =	swait.ge [sflag:s23], $0x4000  }
0x27: {  	[sflag:s23] =	ssyncset.done $0x0  }
0x28: {  	[sflag:s23] =	ssyncadd.s32 $0xFFFFC000  }
0x29: {  	[spmem:s8] =	stream.linear.scatter [tilespmem:s24], [sflag:$0x5], $0x4000, $0x38;
	[tilespmem:$0x1E900] =	vst v63  }
0x2a: {  	_ =	swait.ge [sflag:s23], $0x4000  }
0x2b: {  	[sflag:s23] =	ssyncset.done $0x0  }
0x2c: {  	[sflag:s23] =	ssyncadd.s32 $0xFFFFC000  }
0x2d: {  	[spmem:s9] =	stream.linear.scatter [tilespmem:s24], [sflag:$0x5], $0x4000, $0x38;
	[tilespmem:$0x1E900] =	vst v63  }
0x2e: {  	_ =	swait.ge [sflag:s23], $0x4000  }
0x2f: {  	[sflag:s23] =	ssyncset.done $0x0  }
0x30: {  	[sflag:s23] =	ssyncadd.s32 $0xFFFFC000  }
0x31: {  	[spmem:s10] =	stream.linear.scatter [tilespmem:s24], [sflag:$0x5], $0x4000, $0x38;
	[tilespmem:$0x1E900] =	vst v63  }
0x32: {  	_ =	swait.ge [sflag:s23], $0x4000  }
0x33: {  	[sflag:s23] =	ssyncset.done $0x0  }
0x34: {  	[sflag:s23] =	ssyncadd.s32 $0xFFFFC000  }
0x35: {  	[spmem:s12] =	stream.linear.scatter [tilespmem:s24], [sflag:$0x5], $0x4000, $0x38;
	[tilespmem:$0x1E900] =	vst v63  }
0x36: {  	_ =	swait.ge [sflag:s23], $0x4000  }
0x37: {  	[sflag:s23] =	ssyncset.done $0x0  }
0x38: {  	[sflag:s23] =	ssyncadd.s32 $0xFFFFC000  }
0x39: {  	[bflag:$0x0] =	sbarrier.arrive $0xFFFF  }
0x3a: {  	[tilespmem:s25], [sflag:$0x5] =	stream.linear.gather [hbm4b:s11+s4], $0x80, $0x38;
	[tilespmem:$0x1E900] =	vst v63  }
0x3b: {  	_ =	swait.ge [sflag:s23], $0x80  }
0x3c: {  	[sflag:s23] =	ssyncset.done $0x0  }
0x3d: {  	[sflag:s23] =	ssyncadd.s32 $0xFFFFFF80  }
0x3e: {  	[tilespmem:s24], [sflag:$0x1] =	stream.indirect.gather [hbm4b:s1+s26], $0x80, s25, s26, $0xb8;
	[tilespmem:$0x1E900] =	vst v63  }
0x3f: {  	s14 =	rddreg [dreg:$0x6]  }
0x40: {  	[tilespmem:s28], [sflag:$0x4] =	stream.linear.gather [hbm4b:s14+s4], $0x80, $0x38;
	[tilespmem:$0x1E900] =	vst v63  }
0x41: {  	_ =	swait.ge [sflag:s29], $0x80  }
0x42: {  	[sflag:s29] =	ssyncset.done $0x0  }
0x43: {  	[sflag:s29] =	ssyncadd.s32 $0xFFFFFF80  }
0x44: {  	[tilespmem:s30], [sflag:$0x2] =	stream.indirect.gather [hbm4b:s1+s26], $0x80, s28, s26, $0xb8;
	[tilespmem:$0x1E900] =	vst v63  }
0x45: {  	s6 =	sadd.s32 $0x0, s21  }
0x46: {  	[tilespmem:s25], [sflag:$0x3] =	stream.linear.gather [hbm4b:s6+s4], $0x80, $0x38;
	[tilespmem:$0x1E900] =	vst v63  }
0x47: {  	_ =	swait.ge [sflag:s31], $0x4000  }
0x48: {  	[sflag:s31] =	ssyncset.done $0x0  }
0x49: {  	s13 =	simm.s32 $0x14000;
	[sflag:s31] =	ssyncadd.s32 $0xFFFFC000  }
0x4a: {  	[spmem:s3] =	stream.indirect.scatter.add.f32 [tilespmem:s24], [sflag:$0x5], $0x80, s13, s26, $0xb8;
	[tilespmem:$0x1E900] =	vst v63  }
0x4b: {  	_ =	swait.ge [sflag:s23], $0x4000  }
0x4c: {  	[sflag:s23] =	ssyncset.done $0x0  }
0x4d: {  	[sflag:s23] =	ssyncadd.s32 $0xFFFFC000  }
0x4e: {  	_ =	swait.ge [sflag:s2], $0x80  }
0x4f: {  	[sflag:s2] =	ssyncset.done $0x0  }
0x50: {  	[sflag:s2] =	ssyncadd.s32 $0xFFFFFF80  }
0x51: {  	[tilespmem:s24], [sflag:$0x1] =	stream.indirect.gather [hbm4b:s1+s26], $0x80, s25, s26, $0xb8;
	[tilespmem:$0x1E900] =	vst v63  }
0x52: {  	s14 =	sadd.s32 $0x0, s20  }
0x53: {  	[tilespmem:s28], [sflag:$0x4] =	stream.linear.gather [hbm4b:s14+s4], $0x80, $0x38;
	[tilespmem:$0x1E900] =	vst v63  }
0x54: {  	_ =	swait.ge [sflag:s0], $0x4000  }
0x55: {  	[sflag:s0] =	ssyncset.done $0x0  }
0x56: {  	s5 =	simm.s32 $0x14080;
	[sflag:s0] =	ssyncadd.s32 $0xFFFFC000  }
0x57: {  	[spmem:s3] =	stream.indirect.scatter.add.f32 [tilespmem:s30], [sflag:$0x5], $0x80, s5, s26, $0xb8;
	[tilespmem:$0x1E900] =	vst v63  }
0x58: {  	_ =	swait.ge [sflag:s23], $0x4000  }
0x59: {  	s6 =	simm.s32 $0x20;
	[sflag:s23] =	ssyncset.done $0x0  }
.LBB2_2:
0x5a: {  	p0 =	sne.s32 s6, $0x4C0;
	[sflag:s23] =	ssyncadd.s32 $0xFFFFC000;
	s5 =	sadd.s32 $0x100, s5  }
0x5b: {  	s13 =	smov.u32 s6;
	s6 =	sadd.s32 $0x20, s6;
	_ =	swait.ge [sflag:s29], $0x80  }
0x5c: {  	[sflag:s29] =	ssyncset.done $0x0  }
0x5d: {  	[sflag:s29] =	ssyncadd.s32 $0xFFFFFF80  }
0x5e: {  	[tilespmem:s30], [sflag:$0x2] =	stream.indirect.gather [hbm4b:s1+s26], $0x80, s28, s26, $0xb8;
	[tilespmem:$0x1E900] =	vst v63  }
0x5f: {  	s14 =	sadd.s32 s13, s21  }
0x60: {  	[tilespmem:s25], [sflag:$0x3] =	stream.linear.gather [hbm4b:s14+s4], $0x80, $0x38;
	[tilespmem:$0x1E900] =	vst v63  }
0x61: {  	_ =	swait.ge [sflag:s31], $0x4000  }
0x62: {  	[sflag:s31] =	ssyncset.done $0x0  }
0x63: {  	s14 =	sadd.s32 $0xFFFFFF80, s5;
	[sflag:s31] =	ssyncadd.s32 $0xFFFFC000  }
0x64: {  	[spmem:s3] =	stream.indirect.scatter.add.f32 [tilespmem:s24], [sflag:$0x5], $0x80, s14, s26, $0xb8;
	[tilespmem:$0x1E900] =	vst v63  }
0x65: {  	_ =	swait.ge [sflag:s23], $0x4000  }
0x66: {  	[sflag:s23] =	ssyncset.done $0x0  }
0x67: {  	[sflag:s23] =	ssyncadd.s32 $0xFFFFC000  }
0x68: {  	_ =	swait.ge [sflag:s2], $0x80  }
0x69: {  	[sflag:s2] =	ssyncset.done $0x0  }
0x6a: {  	[sflag:s2] =	ssyncadd.s32 $0xFFFFFF80  }
0x6b: {  	[tilespmem:s24], [sflag:$0x1] =	stream.indirect.gather [hbm4b:s1+s26], $0x80, s25, s26, $0xb8;
	[tilespmem:$0x1E900] =	vst v63  }
0x6c: {  	s13 =	sadd.s32 s13, s20  }
0x6d: {  	[tilespmem:s28], [sflag:$0x4] =	stream.linear.gather [hbm4b:s13+s4], $0x80, $0x38;
	[tilespmem:$0x1E900] =	vst v63  }
0x6e: {  	_ =	swait.ge [sflag:s0], $0x4000  }
.Ltmp0:
0x6f: {  	[sflag:s0] =	ssyncset.done $0x0;
	(pc) =	sbr.rel @p0 .LBB2_2-.Ltmp0, $4  }
0x70: {  	[sflag:s0] =	ssyncadd.s32 $0xFFFFC000  }
0x71: {  	[spmem:s3] =	stream.indirect.scatter.add.f32 [tilespmem:s30], [sflag:$0x5], $0x80, s5, s26, $0xb8;
	[tilespmem:$0x1E900] =	vst v63  }
0x72: {  	_ =	swait.ge [sflag:s23], $0x4000  }
0x73: {  	[sflag:s23] =	ssyncset.done $0x0  }
0x74: {  	[sflag:s23] =	ssyncadd.s32 $0xFFFFC000  }
0x75: {  	_ =	swait.ge [sflag:s29], $0x80  }
0x76: {  	[sflag:s29] =	ssyncset.done $0x0  }
0x77: {  	[sflag:s29] =	ssyncadd.s32 $0xFFFFFF80  }
0x78: {  	[tilespmem:s30], [sflag:$0x2] =	stream.indirect.gather [hbm4b:s1+s26], $0x80, s28, s26, $0xb8;
	[tilespmem:$0x1E900] =	vst v63  }
0x79: {  	_ =	swait.ge [sflag:s31], $0x4000  }
0x7a: {  	[sflag:s31] =	ssyncset.done $0x0  }
0x7b: {  	s5 =	simm.s32 $0x16700;
	[sflag:s31] =	ssyncadd.s32 $0xFFFFC000  }
0x7c: {  	[spmem:s3] =	stream.indirect.scatter.add.f32 [tilespmem:s24], [sflag:$0x5], $0x80, s5, s26, $0xb8;
	[tilespmem:$0x1E900] =	vst v63  }
0x7d: {  	_ =	swait.ge [sflag:s23], $0x4000  }
0x7e: {  	[sflag:s23] =	ssyncset.done $0x0  }
0x7f: {  	[sflag:s23] =	ssyncadd.s32 $0xFFFFC000  }
0x80: {  	_ =	swait.ge [sflag:s0], $0x4000  }
0x81: {  	[sflag:s0] =	ssyncset.done $0x0  }
0x82: {  	s13 =	simm.s32 $0x16780;
	[sflag:s0] =	ssyncadd.s32 $0xFFFFC000  }
0x83: {  	[spmem:s3] =	stream.indirect.scatter.add.f32 [tilespmem:s30], [sflag:$0x5], $0x80, s13, s26, $0xb8;
	[tilespmem:$0x1E900] =	vst v63  }
0x84: {  	_ =	swait.ge [sflag:s23], $0x4000  }
0x85: {  	[sflag:s23] =	ssyncset.done $0x0  }
0x86: {  	[sflag:s23] =	ssyncadd.s32 $0xFFFFC000  }
0x87: {  	[bflag:$0x0] =	sbarrier.arrive $0xFFFF  }
0x88: {  	[tilespmem:s24], [sflag:$0x5] =	stream.linear.gather [spmem:s7], $0x4000, $0x38;
	[tilespmem:$0x1E900] =	vst v63  }
0x89: {  	_ =	swait.ge [sflag:s23], $0x4000  }
0x8a: {  	[sflag:s23] =	ssyncset.done $0x0  }
0x8b: {  	s14 =	rddreg [dreg:$0x7];
	[sflag:s23] =	ssyncadd.s32 $0xFFFFC000  }
0x8c: {  	[hbm4b:s14+s4] =	stream.linear.scatter [tilespmem:s24], [sflag:$0x5], $0x4000, $0x38;
	[tilespmem:$0x1E900] =	vst v63  }
0x8d: {  	_ =	swait.ge [sflag:s23], $0x4000  }
0x8e: {  	[sflag:s23] =	ssyncset.done $0x0  }
0x8f: {  	[sflag:s23] =	ssyncadd.s32 $0xFFFFC000  }
0x90: {  	[tilespmem:s24], [sflag:$0x5] =	stream.linear.gather [spmem:s8], $0x4000, $0x38;
	[tilespmem:$0x1E900] =	vst v63  }
0x91: {  	_ =	swait.ge [sflag:s23], $0x4000  }
0x92: {  	[sflag:s23] =	ssyncset.done $0x0  }
0x93: {  	[sflag:s23] =	ssyncadd.s32 $0xFFFFC000  }
0x94: {  	[hbm4b:s15+s4] =	stream.linear.scatter [tilespmem:s24], [sflag:$0x5], $0x4000, $0x38;
	[tilespmem:$0x1E900] =	vst v63  }
0x95: {  	_ =	swait.ge [sflag:s23], $0x4000  }
0x96: {  	[sflag:s23] =	ssyncset.done $0x0  }
0x97: {  	[sflag:s23] =	ssyncadd.s32 $0xFFFFC000  }
0x98: {  	[tilespmem:s24], [sflag:$0x5] =	stream.linear.gather [spmem:s9], $0x4000, $0x38;
	[tilespmem:$0x1E900] =	vst v63  }
0x99: {  	_ =	swait.ge [sflag:s23], $0x4000  }
0x9a: {  	[sflag:s23] =	ssyncset.done $0x0  }
0x9b: {  	[sflag:s23] =	ssyncadd.s32 $0xFFFFC000  }
0x9c: {  	[hbm4b:s16+s4] =	stream.linear.scatter [tilespmem:s24], [sflag:$0x5], $0x4000, $0x38;
	[tilespmem:$0x1E900] =	vst v63  }
0x9d: {  	_ =	swait.ge [sflag:s23], $0x4000  }
0x9e: {  	[sflag:s23] =	ssyncset.done $0x0  }
0x9f: {  	[sflag:s23] =	ssyncadd.s32 $0xFFFFC000  }
0xa0: {  	[tilespmem:s24], [sflag:$0x5] =	stream.linear.gather [spmem:s10], $0x4000, $0x38;
	[tilespmem:$0x1E900] =	vst v63  }
0xa1: {  	_ =	swait.ge [sflag:s23], $0x4000  }
0xa2: {  	[sflag:s23] =	ssyncset.done $0x0  }
0xa3: {  	[sflag:s23] =	ssyncadd.s32 $0xFFFFC000  }
0xa4: {  	[hbm4b:s17+s4] =	stream.linear.scatter [tilespmem:s24], [sflag:$0x5], $0x4000, $0x38;
	[tilespmem:$0x1E900] =	vst v63  }
0xa5: {  	_ =	swait.ge [sflag:s23], $0x4000  }
0xa6: {  	[sflag:s23] =	ssyncset.done $0x0  }
0xa7: {  	[sflag:s23] =	ssyncadd.s32 $0xFFFFC000  }
0xa8: {  	[tilespmem:s24], [sflag:$0x5] =	stream.linear.gather [spmem:s12], $0x4000, $0x38;
	[tilespmem:$0x1E900] =	vst v63  }
0xa9: {  	s22 =	sadd.s32 $0x1, s22;
	_ =	swait.ge [sflag:s23], $0x4000  }
0xaa: {  	p0 =	sne.s32 s22, s19;
	[sflag:s23] =	ssyncset.done $0x0  }
.Ltmp1:
0xab: {  	[sflag:s23] =	ssyncadd.s32 $0xFFFFC000;
	(pc) =	sbr.rel @p0 .LBB2_1-.Ltmp1, $4  }
0xac: {  	[hbm4b:s18+s4] =	stream.linear.scatter [tilespmem:s24], [sflag:$0x5], $0x4000, $0x38;
	[tilespmem:$0x1E900] =	vst v63  }
0xad: {  	_ =	swait.ge [sflag:s23], $0x4000  }
0xae: {  	[sflag:s23] =	ssyncset.done $0x0  }
0xaf: {  	[sflag:s23] =	ssyncadd.s32 $0xFFFFC000  }
0xb0: {  	_ =	sfence.sel $0x180000  }
0xb1: {  	[bflag:$0x0] =	sbarrier.arrive $0xFFFF  }
0xb2: {  	_ =	strace $0x9000004A  }
0xb3: {  	s0 =	stileid.u32;
	[bflag:$0x2] =	sbarrier.arrive $0xFFFF  }
0xb4: {  	p0 =	sne.s32 s0, $0x0;
	s0 =	rddreg [dreg:$0x3]  }
0xb5: {  	s0 =	sadd.s32 @!p0 $0x100000, s0  }
0xb6: {  	[sflag:s0] =	ssyncadd.tile.s32 @!p0 $0x1;
	_ =	shalt  }
.Lfunc_end2:
_tile_overlayer_lowered:
.L_overlay_start_2:
0xb7: {  	(tag) =	ssettag $0x2  }
0xb8: {  	s0 =	rddreg [dreg:$0x0];
	s2 =	stileid.u32  }
0xb9: {  	s1 =	rddreg [dreg:$0x1];
	p0 =	sne.s32 s2, $0x0  }
0xba: {  	s3 =	rddreg [dreg:$0x2];
	[bflag:$0x3] =	sbarrier.arrive $0xFFFF;
	s2 =	simm.s32 @!p0 $0x1C05  }
0xbb: {  	[timem:s3], [sflag:s2] =	dma.local @!p0 [hbm:s0], s1  }
0xbc: {  	s0 =	simm.s32 @!p0 $0x5  }
0xbd: {  	_ =	swait.ge @!p0 [sflag:s0], s1  }
0xbe: {  	s1 =	ssub.s32 @!p0 $0x0, s1;
	[sflag:s0] =	ssyncset.done @!p0 $0x0  }
0xbf: {  	[sflag:s0] =	ssyncadd.s32 @!p0 s1  }
0xc0: {  	[bflag:$0x3] =	sbarrier.arrive $0xFFFF  }
0xc1: {  	_ =	shalt  }

// kernel: kernel.13.cloned.1.call-start
scs
__scs_entry_jumppad:
0x0: {  	(pc) =	sbr.rel $0x88, $3  }
0x1: {  	(tag) =	ssettag $0x0;
	lr =	simm.s32 $0x1  }
0x2: {  	[smem:$0x3F95] =	sst lr;
	_ =	strace $0xD0000000  }
0x3: {  	_ = 	snop  }
0x4: {  	_ = 	snop  }
0x5: {  	_ = 	snop  }
0x6: {  	_ = 	snop  }
0x7: {  	_ = 	snop  }
__scs_overlays_trampoline_lowered:
0x8: {  	[smem:$0x3FA4] =	sst s0  }
0x9: {  	[smem:$0x3FA5] =	sst s1  }
0xa: {  	[smem:$0x3FA6] =	sst s2  }
0xb: {  	[smem:$0x3FA7] =	sst s3  }
0xc: {  	[smem:$0x3FA8] =	sst s4  }
0xd: {  	[smem:$0x3FA9] =	sst s5  }
0xe: {  	[smem:$0x3FAA] =	sst s6  }
0xf: {  	[smem:$0x3FAB] =	sst s7  }
0x10: {  	[smem:$0x3FAC] =	sst s8  }
0x11: {  	[smem:$0x3FAD] =	sst s9;
	s0 =	simm.s32 @!p0 $0x0  }
0x12: {  	s1 =	sld [smem:$0x3F93];
	s0 =	simm.s32 @p0 $0x1  }
0x13: {  	[smem:$0x3FAE] =	sst s0;
	s0 =	simm.s32 @!p1 $0x0  }
0x14: {  	s2 =	sld [smem:$0x3F92];
	s0 =	simm.s32 @p1 $0x1  }
0x15: {  	[smem:$0x3FAF] =	sst s0;
	s0 =	simm.s32 @!p2 $0x0  }
0x16: {  	s3 =	sld [smem:$0x3FDB];
	s0 =	simm.s32 @p2 $0x1  }
0x17: {  	s4 =	simm.s32 $0x1BF5;
	[smem:$0x3FB1] =	sst s0  }
0x18: {  	s0 =	sld [smem:$0x3F94];
	_ =	swait.ge [sflag:s4], $0x0  }
0x19: {  	s7 =	sld [smem:$0x3F95]  }
0x1a: {  	s8 =	sadd.s32 $0xFFFFE003, lr  }
0x1b: {  	s9 =	sadd.s32 $0xFFFFFEF7, lr;
	s5 =	simm.s32 $0xFFFFFFFF;
	p2 =	slt.u32 s8, $0xFFFFF086  }
0x1c: {  	p1 =	slt.u32 s9, $0xF7A;
	s5 =	simm.s32 @!p2 $0x0  }
0x1d: {  	s5 =	simm.s32 @p1 $0x1;
	p0 =	seq.s32 s7, s2  }
0x1e: {  	s7 =	smul.u32 @!p0 $0xF7A, s2;
	p2 =	seq.s32 @!p0 s5, $0x0  }
0x1f: {  	s9 =	smul.u32 $0xF7A, s1;
	s8 =	simm.s32 @!p0 $0x1BF5;
	p2 =	por !p2, p0  }
0x20: {  	[sflag:s8] =	ssyncset.s32 @!p0 $0xFFFFF086;
	s6 =	sadd.s32 @!p0 s3, s7;
	s7 =	simm.s32 @!p0 $0x108  }
0x21: {  	s3 =	sadd.s32 s3, s9;
	s6 =	sadd.s32 @!p0 $0x88, s6;
	s7 =	simm.s32 @p2 $0x1082  }
0x22: {  	[simem:s7], [sflag:s8] =	dma.local @!p0 [hbm:s6], $0xF7A  }
0x23: {  	s9 =	sor.u32 $0xD0000000, s2;
	s6 =	simm.s32 $0x108;
	_ =	swait.ge @!p0 [sflag:s8], $0x0  }
0x24: {  	s3 =	sadd.s32 $0x88, s3;
	s6 =	simm.s32 @!p1 $0x1082;
	[sflag:s4] =	ssyncset.s32 $0xFFFFF086  }
0x25: {  	[simem:s6], [sflag:s4] =	dma.local [hbm:s3], $0xF7A  }
0x26: {  	[smem:$0x3F95] =	sst s1;
	(tag) =	ssettag s2;
	_ =	strace s9  }
0x27: {  	s1 =	sld [smem:$0x3FA5]  }
0x28: {  	s2 =	sld [smem:$0x3FA6]  }
0x29: {  	s4 =	sld [smem:$0x3FA8]  }
0x2a: {  	p0 =	seq.s32 s5, $0x0;
	s5 =	sld [smem:$0x3FA9]  }
0x2b: {  	s6 =	sld [smem:$0x3FAA]  }
0x2c: {  	s7 =	sld [smem:$0x3FAB]  }
0x2d: {  	s3 =	simm.s32 $0x108;
	s8 =	sld [smem:$0x3FAC]  }
0x2e: {  	s3 =	simm.s32 @!p0 $0x1082;
	s9 =	sld [smem:$0x3FAD]  }
0x2f: {  	lr =	sadd.s32 s0, s3;
	s0 =	sld [smem:$0x3FA4]  }
0x30: {  	s3 =	sld [smem:$0x3FA7]  }
0x31: {  	[smem:$0x3FB0] =	sst s10  }
0x32: {  	s10 =	sld [smem:$0x3FAE];
	_ =	sdelay $0x3  }
0x33: {  	p0 =	seq.s32 s10, $0x1;
	s10 =	sld [smem:$0x3FB0];
	_ =	sdelay $0x3  }
0x34: {  	[smem:$0x3FB0] =	sst s10  }
0x35: {  	s10 =	sld [smem:$0x3FAF];
	_ =	sdelay $0x3  }
0x36: {  	p1 =	seq.s32 s10, $0x1;
	s10 =	sld [smem:$0x3FB0];
	_ =	sdelay $0x3  }
0x37: {  	[smem:$0x3FB0] =	sst s10  }
0x38: {  	s10 =	sld [smem:$0x3FB1]  }
0x39: {  	_ = 	snop;
	(pc) =	sbr.ind lr, $3  }
0x3a: {  	_ = 	snop  }
0x3b: {  	_ = 	snop  }
0x3c: {  	p2 =	seq.s32 s10, $0x1;
	s10 =	sld [smem:$0x3FB0]  }
0x3d: {  	_ =	shalt  }
0x3e: {  	_ =	shalt  }
0x3f: {  	_ =	shalt  }
0x40: {  	_ =	shalt  }
0x41: {  	_ =	shalt  }
0x42: {  	_ =	shalt  }
0x43: {  	_ =	shalt  }
0x44: {  	_ =	shalt  }
0x45: {  	_ =	shalt  }
0x46: {  	_ =	shalt  }
0x47: {  	_ =	shalt  }
0x48: {  	_ =	shalt  }
0x49: {  	_ =	shalt  }
0x4a: {  	_ =	shalt  }
0x4b: {  	_ =	shalt  }
0x4c: {  	_ =	shalt  }
0x4d: {  	_ =	shalt  }
0x4e: {  	_ =	shalt  }
0x4f: {  	_ =	shalt  }
0x50: {  	_ =	shalt  }
0x51: {  	_ =	shalt  }
0x52: {  	_ =	shalt  }
0x53: {  	_ =	shalt  }
0x54: {  	_ =	shalt  }
0x55: {  	_ =	shalt  }
0x56: {  	_ =	shalt  }
0x57: {  	_ =	shalt  }
0x58: {  	_ =	shalt  }
0x59: {  	_ =	shalt  }
0x5a: {  	_ =	shalt  }
0x5b: {  	_ =	shalt  }
0x5c: {  	_ =	shalt  }
0x5d: {  	_ =	shalt  }
0x5e: {  	_ =	shalt  }
0x5f: {  	_ =	shalt  }
0x60: {  	_ =	shalt  }
0x61: {  	_ =	shalt  }
0x62: {  	_ =	shalt  }
0x63: {  	_ =	shalt  }
0x64: {  	_ =	shalt  }
0x65: {  	_ =	shalt  }
0x66: {  	_ =	shalt  }
0x67: {  	_ =	shalt  }
0x68: {  	_ =	shalt  }
0x69: {  	_ =	shalt  }
0x6a: {  	_ =	shalt  }
0x6b: {  	_ =	shalt  }
0x6c: {  	_ =	shalt  }
0x6d: {  	_ =	shalt  }
0x6e: {  	_ =	shalt  }
0x6f: {  	_ =	shalt  }
0x70: {  	_ =	shalt  }
0x71: {  	_ =	shalt  }
0x72: {  	_ =	shalt  }
0x73: {  	_ =	shalt  }
0x74: {  	_ =	shalt  }
0x75: {  	_ =	shalt  }
0x76: {  	_ =	shalt  }
0x77: {  	_ =	shalt  }
0x78: {  	_ =	shalt  }
0x79: {  	_ =	shalt  }
0x7a: {  	_ =	shalt  }
0x7b: {  	_ =	shalt  }
0x7c: {  	_ =	shalt  }
0x7d: {  	_ =	shalt  }
0x7e: {  	_ =	shalt  }
0x7f: {  	_ =	shalt  }
0x80: {  	_ =	shalt  }
0x81: {  	_ =	shalt  }
0x82: {  	_ =	shalt  }
0x83: {  	_ =	shalt  }
0x84: {  	_ =	shalt  }
0x85: {  	_ =	shalt  }
0x86: {  	_ =	shalt  }
0x87: {  	_ =	shalt  }
.Lfunc_end0:
.L_simem_size_0:
called_computation.2_lowered:
.L_overlay_start_0:
0x88: {  	s2 =	sld [smem:$0x3FD9]  }
0x89: {  	s3 =	sld [smem:$0x3FFE];
	_ =	sdelay $0x1  }
0x8a: {  	s1 =	srdreg.scid  }
0x8b: {  	s0 =	sand.u32 $0x1, s1  }
0x8c: {  	s16 =	sshll.u32 s0, $0xA;
	s2 =	sadd.s32 s3, s2  }
0x8d: {  	s2 =	sadd.s32 s2, s16  }
0x8e: {  	[smem:$0x3FBC] =	sst s2  }
0x8f: {  	_ = 	snop  }
0x90: {  	(tm) =	ssettm $0x1  }
0x91: {  	s17 =	sld [smem:$0x3FFB];
	_ =	sdelay $0x3  }
0x92: {  	_ =	strace s17  }
0x93: {  	s2 =	sld [smem:$0x3FFC];
	_ =	sdelay $0x3  }
0x94: {  	_ =	strace s2  }
0x95: {  	s2 =	sld [smem:$0x3FFD];
	_ =	sdelay $0x3  }
0x96: {  	_ =	strace s2  }
0x97: {  	_ =	strace $0x8FFFFFFF  }
0x98: {  	s18 =	sld [smem:$0x3FDB];
	_ =	sdelay $0x1  }
0x99: {  	s19 =	simm.s32 $_scs_section_size  }
0x9a: {  	s4 =	simm.s32 $_size__tile_overlayer_lowered;
	s5 =	simm.s32 $_tile_overlayer_lowered  }
0x9b: {  	s22 =	simm.s32 $0x1BFF;
	s21 =	sshll.u32 s5, $0x1;
	s2 =	sadd.s32 s19, s18  }
0x9c: {  	s6 =	simm.s32 $0x0;
	s20 =	sshll.u32 s4, $0x1;
	s4 =	sadd.s32 s21, s2  }
0x9d: {  	[timem:s6], [sflag:s22] =	dma.local [hbm:s4], s20  }
0x9e: {  	_ =	swait.ge [sflag:s22], s20  }
0x9f: {  	s3 =	ssub.s32 $0x0, s20;
	[sflag:s22] =	ssyncset.done $0x0  }
0xa0: {  	[sflag:s22] =	ssyncadd.s32 s3;
	_ =	sdelay $0x1  }
0xa1: {  	s23 =	simm.s32 $0x1B8B  }
0xa2: {  	_ =	swait.ge [sflag:s23], $0x1  }
0xa3: {  	[sflag:s23] =	ssyncset.done $0x0  }
0xa4: {  	s25 =	simm.s32 $0x1B8E;
	s24 =	sld [smem:$0x3FFE];
	[sflag:s23] =	ssyncadd.s32 $0xFFFFFFFF  }
0xa5: {  	s26 =	simm.s32 $execute0_lowered;
	[smem:$0x3FD2] =	sst s25  }
0xa6: {  	s4 =	sshll.u32 s26, $0x1;
	_ =	strace $0x8000004C;
	[dreg:$0x1] =	wrdreg $0xFFFFFFFF  }
0xa7: {  	s28 =	simm.s32 $_size_execute0_lowered;
	s2 =	sadd.s32 s2, s4;
	[dreg:$0x0] =	wrdreg $0x0  }
0xa8: {  	s4 =	sshll.u32 s28, $0x1;
	[dreg:$0x2] =	wrdreg s2  }
0xa9: {  	[dreg:$0x3] =	wrdreg s4  }
0xaa: {  	[dreg:$0x4] =	wrdreg $0xC0  }
0xab: {  	_ =	task [dreg:s6], $0x5FFFF  }
0xac: {  	[dreg:$0x1] =	wrdreg $0xFFFFFFFF  }
0xad: {  	[dreg:$0x0] =	wrdreg $0x60  }
0xae: {  	[dreg:$0x2] =	wrdreg s24  }
0xaf: {  	[dreg:$0x3] =	wrdreg $0x0  }
0xb0: {  	[dreg:$0x4] =	wrdreg $0x9  }
0xb1: {  	_ =	task.clear_ibuf [dreg:s6], $0x5FFFF;
	_ =	strace $0x9000004C  }
0xb2: {  	s29 =	simm.s32 $0x9;
	_ =	strace $0x8000004E  }
0xb3: {  	_ =	swait.ge [sflag:s29], $0x1  }
0xb4: {  	[sflag:s29] =	ssyncadd.s32 $0xFFFFFFFF  }
0xb5: {  	_ =	strace $0x9000004E  }
0xb6: {  	_ =	sfence  }
0xb7: {  	s30 =	sld [smem:$0x0];
	_ =	sdelay $0x2  }
0xb8: {  	s31 =	sshll.u32 s1, $0xD;
	s1 =	sshrl.u32 s1, $0x2  }
0xb9: {  	s3 =	sand.u32 $0x4000, s31;
	s1 =	sadd.s32 s1, s30  }
0xba: {  	s0 =	sor.u32 s3, s0;
	s1 =	sshll.u32 s1, $0x11  }
0xbb: {  	s0 =	sor.u32 s1, s0  }
0xbc: {  	s0 =	sadd.s32 $0x8F2B, s0  }
0xbd: {  	[sflag:s0] =	ssyncadd.remote.s32 $0x1  }
0xbe: {  	_ =	sfence.sel $0xFFFF  }
0xbf: {  	[dreg:$0x0] =	wrdreg $0xFFFFFFFF;
	(pc) =	sbr.abs _section_cstart, $3  }
0xc0: {  	[dreg:$0x1] =	wrdreg $0xFFFFFFFF  }
0xc1: {  	_ =	task.clear_ibuf [dreg:s6], $0x2FFFF;
	_ =	strace $0x9FFFFFFF  }
0xc2: {  	(tm) =	ssettm $0x7FFFFFFF  }
0xc3: {  	_ =	shalt  }
tec
execute0_lowered:
.L_overlay_start_1:
0x0: {  	(tag) =	ssettag $0x1  }
0x1: {  	s0 =	rddreg [dreg:$0x0];
	s1 =	srdreg.scid  }
0x2: {  	s13 =	stileid.u32;
	s2 =	rddreg [dreg:$0x1]  }
0x3: {  	s3 =	simm.s32 $0x0;
	s28 =	simm.s32 $0x1E880;
	s29 =	simm.s32 $0x4  }
0x4: {  	s30 =	simm.s32 $0x1A800;
	s31 =	simm.s32 $0x1;
	s10 =	smul.u32 $0x50000, s13  }
0x5: {  	s1 =	sand.u32 $0x1, s1;
	s4 =	sshll.u32 s13, $0x1;
	s11 =	smul.u32 $0x14000, s13  }
0x6: {  	[smem:$0x7FF] =	sst s3;
	s6 =	sadd.s32 $0x2800, s0;
	s22 =	smul.u32 $0x5000, s13  }
0x7: {  	s18 =	sadd.s32 $0x90A00, s0;
	s4 =	sor.u32 s1, s4;
	s17 =	smul.u32 $0x140000, s1  }
0x8: {  	_ =	strace $0x8000004D;
	s7 =	ssub.s32 $0x2, s1;
	s1 =	smul.u32 $0x2800, s1  }
0x9: {  	s5 =	smul.u32 $0x2800, s4;
	s4 =	sadd.s32 $0x69800, s0;
	s9 =	sshrl.u32 s7, $0x1  }
0xa: {  	s24 =	sshrl.u32 s10, $0x2;
	s25 =	sadd.s32 $0x4000, s11;
	s15 =	sadd.s32 $0x8000, s11  }
0xb: {  	s20 =	sadd.s32 $0xC000, s11;
	s21 =	sadd.s32 $0x10000, s11;
	s19 =	ssub.s32 s7, s9  }
0xc: {  	s7 =	sadd.s32 s24, s2;
	s9 =	sadd.s32 s15, s2;
	s10 =	sadd.s32 s20, s2  }
0xd: {  	s12 =	sadd.s32 s11, s17;
	s16 =	sadd.s32 s17, s15;
	s20 =	sadd.s32 s17, s20  }
0xe: {  	s1 =	sadd.s32 s1, s22;
	s22 =	simm.s32 $0x0;
	s5 =	sshrl.u32 s5, $0x3  }
0xf: {  	s26 =	sshrl.u32 s12, $0x3;
	s12 =	sadd.s32 s21, s2;
	s21 =	sadd.s32 s17, s21  }
0x10: {  	s24 =	sor.u32 $0x180, s1;
	s1 =	sor.u32 $0x100, s1;
	s19 =	smax.u32 s19, $0x1  }
0x11: {  	s8 =	sadd.s32 s5, s0;
	s0 =	sadd.s32 $0x19000, s0;
	s11 =	sadd.s32 s6, s5  }
0x12: {  	s5 =	sadd.s32 s18, s26;
	s26 =	sshrl.u32 s1, $0x3;
	s1 =	simm.s32 $0x3  }
0x13: {  	s23 =	sadd.s32 $0xC800, s8;
	[dreg:$0x4] =	wrdreg s0;
	s8 =	sadd.s32 s25, s2  }
0x14: {  	s14 =	sadd.s32 $0x10, s11;
	[dreg:$0x6] =	wrdreg s5;
	s0 =	sadd.s32 s17, s25  }
0x15: {  	s5 =	sshrl.u32 s16, $0x3;
	s25 =	sshrl.u32 s24, $0x3;
	[dreg:$0x3] =	wrdreg s23  }
0x16: {  	s24 =	simm.s32 $0x16800;
	[dreg:$0x5] =	wrdreg s14;
	s0 =	sshrl.u32 s0, $0x3  }
0x17: {  	s16 =	sadd.s32 s18, s5;
	s23 =	sshrl.u32 s21, $0x3;
	s21 =	sadd.s32 s26, s6  }
0x18: {  	s26 =	simm.s32 $0x80;
	s15 =	sadd.s32 s18, s0;
	s0 =	sshrl.u32 s20, $0x3  }
0x19: {  	s20 =	sadd.s32 s25, s6;
	s25 =	simm.s32 $0x1E800;
	s17 =	sadd.s32 s18, s0  }
0x1a: {  	s18 =	sadd.s32 s18, s23;
	s23 =	simm.s32 $0x5;
	s0 =	simm.s32 $0x2  }
.LBB2_1:
0x1b: {  	s5 =	rddreg [dreg:$0x3];
	s6 =	simm.s32 $0x14000  }
0x1c: {  	[tilespmem:s6], [sflag:$0x5] =	stream.linear.gather [hbm4b:s5+s3], $0x2800, $0x38;
	[tilespmem:$0x1E900] =	vst v63  }
0x1d: {  	_ =	swait.ge [sflag:s23], $0x2800  }
0x1e: {  	[sflag:s23] =	ssyncset.done $0x0  }
0x1f: {  	s13 =	rddreg [dreg:$0x4];
	[sflag:s23] =	ssyncadd.s32 $0xFFFFD800  }
0x20: {  	[tilespmem:s24], [sflag:$0x5] =	stream.linear.gather [hbm4b:s13+s3], $0x4000, $0x38;
	[tilespmem:$0x1E900] =	vst v63  }
0x21: {  	_ =	swait.ge [sflag:s23], $0x4000  }
0x22: {  	[sflag:s23] =	ssyncset.done $0x0  }
0x23: {  	[sflag:s23] =	ssyncadd.s32 $0xFFFFC000  }
0x24: {  	[spmem:s7] =	stream.linear.scatter [tilespmem:s24], [sflag:$0x5], $0x4000, $0x38;
	[tilespmem:$0x1E900] =	vst v63  }
0x25: {  	_ =	swait.ge [sflag:s23], $0x4000  }
0x26: {  	[sflag:s23] =	ssyncset.done $0x0  }
0x27: {  	[sflag:s23] =	ssyncadd.s32 $0xFFFFC000  }
0x28: {  	[spmem:s8] =	stream.linear.scatter [tilespmem:s24], [sflag:$0x5], $0x4000, $0x38;
	[tilespmem:$0x1E900] =	vst v63  }
0x29: {  	_ =	swait.ge [sflag:s23], $0x4000  }
0x2a: {  	[sflag:s23] =	ssyncset.done $0x0  }
0x2b: {  	[sflag:s23] =	ssyncadd.s32 $0xFFFFC000  }
0x2c: {  	[spmem:s9] =	stream.linear.scatter [tilespmem:s24], [sflag:$0x5], $0x4000, $0x38;
	[tilespmem:$0x1E900] =	vst v63  }
0x2d: {  	_ =	swait.ge [sflag:s23], $0x4000  }
0x2e: {  	[sflag:s23] =	ssyncset.done $0x0  }
0x2f: {  	[sflag:s23] =	ssyncadd.s32 $0xFFFFC000  }
0x30: {  	[spmem:s10] =	stream.linear.scatter [tilespmem:s24], [sflag:$0x5], $0x4000, $0x38;
	[tilespmem:$0x1E900] =	vst v63  }
0x31: {  	_ =	swait.ge [sflag:s23], $0x4000  }
0x32: {  	[sflag:s23] =	ssyncset.done $0x0  }
0x33: {  	[sflag:s23] =	ssyncadd.s32 $0xFFFFC000  }
0x34: {  	[spmem:s12] =	stream.linear.scatter [tilespmem:s24], [sflag:$0x5], $0x4000, $0x38;
	[tilespmem:$0x1E900] =	vst v63  }
0x35: {  	_ =	swait.ge [sflag:s23], $0x4000  }
0x36: {  	[sflag:s23] =	ssyncset.done $0x0  }
0x37: {  	[sflag:s23] =	ssyncadd.s32 $0xFFFFC000  }
0x38: {  	[bflag:$0x0] =	sbarrier.arrive $0xFFFF  }
0x39: {  	[tilespmem:s25], [sflag:$0x5] =	stream.linear.gather [hbm4b:s11+s3], $0x80, $0x38;
	[tilespmem:$0x1E900] =	vst v63  }
0x3a: {  	_ =	swait.ge [sflag:s23], $0x80  }
0x3b: {  	[sflag:s23] =	ssyncset.done $0x0  }
0x3c: {  	[sflag:s23] =	ssyncadd.s32 $0xFFFFFF80  }
0x3d: {  	[tilespmem:s24], [sflag:$0x1] =	stream.indirect.gather [hbm4b:s4+s26], $0x80, s25, s26, $0xb8;
	[tilespmem:$0x1E900] =	vst v63  }
0x3e: {  	s14 =	rddreg [dreg:$0x5]  }
0x3f: {  	[tilespmem:s28], [sflag:$0x4] =	stream.linear.gather [hbm4b:s14+s3], $0x80, $0x38;
	[tilespmem:$0x1E900] =	vst v63  }
0x40: {  	_ =	swait.ge [sflag:s29], $0x80  }
0x41: {  	[sflag:s29] =	ssyncset.done $0x0  }
0x42: {  	[sflag:s29] =	ssyncadd.s32 $0xFFFFFF80  }
0x43: {  	[tilespmem:s30], [sflag:$0x2] =	stream.indirect.gather [hbm4b:s4+s26], $0x80, s28, s26, $0xb8;
	[tilespmem:$0x1E900] =	vst v63  }
0x44: {  	s6 =	sadd.s32 $0x0, s21  }
0x45: {  	[tilespmem:s25], [sflag:$0x3] =	stream.linear.gather [hbm4b:s6+s3], $0x80, $0x38;
	[tilespmem:$0x1E900] =	vst v63  }
0x46: {  	_ =	swait.ge [sflag:s31], $0x4000  }
0x47: {  	[sflag:s31] =	ssyncset.done $0x0  }
0x48: {  	s13 =	simm.s32 $0x14000;
	[sflag:s31] =	ssyncadd.s32 $0xFFFFC000  }
0x49: {  	[spmem:s2] =	stream.indirect.scatter.add.f32 [tilespmem:s24], [sflag:$0x5], $0x80, s13, s26, $0xb8;
	[tilespmem:$0x1E900] =	vst v63  }
0x4a: {  	_ =	swait.ge [sflag:s23], $0x4000  }
0x4b: {  	[sflag:s23] =	ssyncset.done $0x0  }
0x4c: {  	[sflag:s23] =	ssyncadd.s32 $0xFFFFC000  }
0x4d: {  	_ =	swait.ge [sflag:s1], $0x80  }
0x4e: {  	[sflag:s1] =	ssyncset.done $0x0  }
0x4f: {  	[sflag:s1] =	ssyncadd.s32 $0xFFFFFF80  }
0x50: {  	[tilespmem:s24], [sflag:$0x1] =	stream.indirect.gather [hbm4b:s4+s26], $0x80, s25, s26, $0xb8;
	[tilespmem:$0x1E900] =	vst v63  }
0x51: {  	s14 =	sadd.s32 $0x0, s20  }
0x52: {  	[tilespmem:s28], [sflag:$0x4] =	stream.linear.gather [hbm4b:s14+s3], $0x80, $0x38;
	[tilespmem:$0x1E900] =	vst v63  }
0x53: {  	_ =	swait.ge [sflag:s0], $0x4000  }
0x54: {  	[sflag:s0] =	ssyncset.done $0x0  }
0x55: {  	s5 =	simm.s32 $0x14080;
	[sflag:s0] =	ssyncadd.s32 $0xFFFFC000  }
0x56: {  	[spmem:s2] =	stream.indirect.scatter.add.f32 [tilespmem:s30], [sflag:$0x5], $0x80, s5, s26, $0xb8;
	[tilespmem:$0x1E900] =	vst v63  }
0x57: {  	_ =	swait.ge [sflag:s23], $0x4000  }
0x58: {  	s6 =	simm.s32 $0x20;
	[sflag:s23] =	ssyncset.done $0x0  }
.LBB2_2:
0x59: {  	p0 =	sne.s32 s6, $0x4C0;
	[sflag:s23] =	ssyncadd.s32 $0xFFFFC000;
	s5 =	sadd.s32 $0x100, s5  }
0x5a: {  	s13 =	smov.u32 s6;
	s6 =	sadd.s32 $0x20, s6;
	_ =	swait.ge [sflag:s29], $0x80  }
0x5b: {  	[sflag:s29] =	ssyncset.done $0x0  }
0x5c: {  	[sflag:s29] =	ssyncadd.s32 $0xFFFFFF80  }
0x5d: {  	[tilespmem:s30], [sflag:$0x2] =	stream.indirect.gather [hbm4b:s4+s26], $0x80, s28, s26, $0xb8;
	[tilespmem:$0x1E900] =	vst v63  }
0x5e: {  	s14 =	sadd.s32 s13, s21  }
0x5f: {  	[tilespmem:s25], [sflag:$0x3] =	stream.linear.gather [hbm4b:s14+s3], $0x80, $0x38;
	[tilespmem:$0x1E900] =	vst v63  }
0x60: {  	_ =	swait.ge [sflag:s31], $0x4000  }
0x61: {  	[sflag:s31] =	ssyncset.done $0x0  }
0x62: {  	s14 =	sadd.s32 $0xFFFFFF80, s5;
	[sflag:s31] =	ssyncadd.s32 $0xFFFFC000  }
0x63: {  	[spmem:s2] =	stream.indirect.scatter.add.f32 [tilespmem:s24], [sflag:$0x5], $0x80, s14, s26, $0xb8;
	[tilespmem:$0x1E900] =	vst v63  }
0x64: {  	_ =	swait.ge [sflag:s23], $0x4000  }
0x65: {  	[sflag:s23] =	ssyncset.done $0x0  }
0x66: {  	[sflag:s23] =	ssyncadd.s32 $0xFFFFC000  }
0x67: {  	_ =	swait.ge [sflag:s1], $0x80  }
0x68: {  	[sflag:s1] =	ssyncset.done $0x0  }
0x69: {  	[sflag:s1] =	ssyncadd.s32 $0xFFFFFF80  }
0x6a: {  	[tilespmem:s24], [sflag:$0x1] =	stream.indirect.gather [hbm4b:s4+s26], $0x80, s25, s26, $0xb8;
	[tilespmem:$0x1E900] =	vst v63  }
0x6b: {  	s13 =	sadd.s32 s13, s20  }
0x6c: {  	[tilespmem:s28], [sflag:$0x4] =	stream.linear.gather [hbm4b:s13+s3], $0x80, $0x38;
	[tilespmem:$0x1E900] =	vst v63  }
0x6d: {  	_ =	swait.ge [sflag:s0], $0x4000  }
.Ltmp0:
0x6e: {  	[sflag:s0] =	ssyncset.done $0x0;
	(pc) =	sbr.rel @p0 .LBB2_2-.Ltmp0, $4  }
0x6f: {  	[sflag:s0] =	ssyncadd.s32 $0xFFFFC000  }
0x70: {  	[spmem:s2] =	stream.indirect.scatter.add.f32 [tilespmem:s30], [sflag:$0x5], $0x80, s5, s26, $0xb8;
	[tilespmem:$0x1E900] =	vst v63  }
0x71: {  	_ =	swait.ge [sflag:s23], $0x4000  }
0x72: {  	[sflag:s23] =	ssyncset.done $0x0  }
0x73: {  	[sflag:s23] =	ssyncadd.s32 $0xFFFFC000  }
0x74: {  	_ =	swait.ge [sflag:s29], $0x80  }
0x75: {  	[sflag:s29] =	ssyncset.done $0x0  }
0x76: {  	[sflag:s29] =	ssyncadd.s32 $0xFFFFFF80  }
0x77: {  	[tilespmem:s30], [sflag:$0x2] =	stream.indirect.gather [hbm4b:s4+s26], $0x80, s28, s26, $0xb8;
	[tilespmem:$0x1E900] =	vst v63  }
0x78: {  	_ =	swait.ge [sflag:s31], $0x4000  }
0x79: {  	[sflag:s31] =	ssyncset.done $0x0  }
0x7a: {  	s5 =	simm.s32 $0x16700;
	[sflag:s31] =	ssyncadd.s32 $0xFFFFC000  }
0x7b: {  	[spmem:s2] =	stream.indirect.scatter.add.f32 [tilespmem:s24], [sflag:$0x5], $0x80, s5, s26, $0xb8;
	[tilespmem:$0x1E900] =	vst v63  }
0x7c: {  	_ =	swait.ge [sflag:s23], $0x4000  }
0x7d: {  	[sflag:s23] =	ssyncset.done $0x0  }
0x7e: {  	[sflag:s23] =	ssyncadd.s32 $0xFFFFC000  }
0x7f: {  	_ =	swait.ge [sflag:s0], $0x4000  }
0x80: {  	[sflag:s0] =	ssyncset.done $0x0  }
0x81: {  	s13 =	simm.s32 $0x16780;
	[sflag:s0] =	ssyncadd.s32 $0xFFFFC000  }
0x82: {  	[spmem:s2] =	stream.indirect.scatter.add.f32 [tilespmem:s30], [sflag:$0x5], $0x80, s13, s26, $0xb8;
	[tilespmem:$0x1E900] =	vst v63  }
0x83: {  	_ =	swait.ge [sflag:s23], $0x4000  }
0x84: {  	[sflag:s23] =	ssyncset.done $0x0  }
0x85: {  	[sflag:s23] =	ssyncadd.s32 $0xFFFFC000  }
0x86: {  	[bflag:$0x0] =	sbarrier.arrive $0xFFFF  }
0x87: {  	[tilespmem:s24], [sflag:$0x5] =	stream.linear.gather [spmem:s7], $0x4000, $0x38;
	[tilespmem:$0x1E900] =	vst v63  }
0x88: {  	_ =	swait.ge [sflag:s23], $0x4000  }
0x89: {  	[sflag:s23] =	ssyncset.done $0x0  }
0x8a: {  	s14 =	rddreg [dreg:$0x6];
	[sflag:s23] =	ssyncadd.s32 $0xFFFFC000  }
0x8b: {  	[hbm4b:s14+s3] =	stream.linear.scatter [tilespmem:s24], [sflag:$0x5], $0x4000, $0x38;
	[tilespmem:$0x1E900] =	vst v63  }
0x8c: {  	_ =	swait.ge [sflag:s23], $0x4000  }
0x8d: {  	[sflag:s23] =	ssyncset.done $0x0  }
0x8e: {  	[sflag:s23] =	ssyncadd.s32 $0xFFFFC000  }
0x8f: {  	[tilespmem:s24], [sflag:$0x5] =	stream.linear.gather [spmem:s8], $0x4000, $0x38;
	[tilespmem:$0x1E900] =	vst v63  }
0x90: {  	_ =	swait.ge [sflag:s23], $0x4000  }
0x91: {  	[sflag:s23] =	ssyncset.done $0x0  }
0x92: {  	[sflag:s23] =	ssyncadd.s32 $0xFFFFC000  }
0x93: {  	[hbm4b:s15+s3] =	stream.linear.scatter [tilespmem:s24], [sflag:$0x5], $0x4000, $0x38;
	[tilespmem:$0x1E900] =	vst v63  }
0x94: {  	_ =	swait.ge [sflag:s23], $0x4000  }
0x95: {  	[sflag:s23] =	ssyncset.done $0x0  }
0x96: {  	[sflag:s23] =	ssyncadd.s32 $0xFFFFC000  }
0x97: {  	[tilespmem:s24], [sflag:$0x5] =	stream.linear.gather [spmem:s9], $0x4000, $0x38;
	[tilespmem:$0x1E900] =	vst v63  }
0x98: {  	_ =	swait.ge [sflag:s23], $0x4000  }
0x99: {  	[sflag:s23] =	ssyncset.done $0x0  }
0x9a: {  	[sflag:s23] =	ssyncadd.s32 $0xFFFFC000  }
0x9b: {  	[hbm4b:s16+s3] =	stream.linear.scatter [tilespmem:s24], [sflag:$0x5], $0x4000, $0x38;
	[tilespmem:$0x1E900] =	vst v63  }
0x9c: {  	_ =	swait.ge [sflag:s23], $0x4000  }
0x9d: {  	[sflag:s23] =	ssyncset.done $0x0  }
0x9e: {  	[sflag:s23] =	ssyncadd.s32 $0xFFFFC000  }
0x9f: {  	[tilespmem:s24], [sflag:$0x5] =	stream.linear.gather [spmem:s10], $0x4000, $0x38;
	[tilespmem:$0x1E900] =	vst v63  }
0xa0: {  	_ =	swait.ge [sflag:s23], $0x4000  }
0xa1: {  	[sflag:s23] =	ssyncset.done $0x0  }
0xa2: {  	[sflag:s23] =	ssyncadd.s32 $0xFFFFC000  }
0xa3: {  	[hbm4b:s17+s3] =	stream.linear.scatter [tilespmem:s24], [sflag:$0x5], $0x4000, $0x38;
	[tilespmem:$0x1E900] =	vst v63  }
0xa4: {  	_ =	swait.ge [sflag:s23], $0x4000  }
0xa5: {  	[sflag:s23] =	ssyncset.done $0x0  }
0xa6: {  	[sflag:s23] =	ssyncadd.s32 $0xFFFFC000  }
0xa7: {  	[tilespmem:s24], [sflag:$0x5] =	stream.linear.gather [spmem:s12], $0x4000, $0x38;
	[tilespmem:$0x1E900] =	vst v63  }
0xa8: {  	s22 =	sadd.s32 $0x1, s22;
	_ =	swait.ge [sflag:s23], $0x4000  }
0xa9: {  	p0 =	sne.s32 s22, s19;
	[sflag:s23] =	ssyncset.done $0x0  }
.Ltmp1:
0xaa: {  	[sflag:s23] =	ssyncadd.s32 $0xFFFFC000;
	(pc) =	sbr.rel @p0 .LBB2_1-.Ltmp1, $4  }
0xab: {  	[hbm4b:s18+s3] =	stream.linear.scatter [tilespmem:s24], [sflag:$0x5], $0x4000, $0x38;
	[tilespmem:$0x1E900] =	vst v63  }
0xac: {  	_ =	swait.ge [sflag:s23], $0x4000  }
0xad: {  	[sflag:s23] =	ssyncset.done $0x0  }
0xae: {  	[sflag:s23] =	ssyncadd.s32 $0xFFFFC000  }
0xaf: {  	_ =	sfence.sel $0x180000  }
0xb0: {  	[bflag:$0x0] =	sbarrier.arrive $0xFFFF  }
0xb1: {  	_ =	strace $0x9000004D  }
0xb2: {  	s0 =	stileid.u32;
	[bflag:$0x2] =	sbarrier.arrive $0xFFFF  }
0xb3: {  	p0 =	sne.s32 s0, $0x0;
	s0 =	rddreg [dreg:$0x2]  }
0xb4: {  	s0 =	sadd.s32 @!p0 $0x100000, s0  }
0xb5: {  	[sflag:s0] =	ssyncadd.tile.s32 @!p0 $0x1;
	_ =	shalt  }
.Lfunc_end2:
_tile_overlayer_lowered:
.L_overlay_start_2:
0xb6: {  	(tag) =	ssettag $0x2  }
0xb7: {  	s0 =	rddreg [dreg:$0x0];
	s2 =	stileid.u32  }
0xb8: {  	s1 =	rddreg [dreg:$0x1];
	p0 =	sne.s32 s2, $0x0  }
0xb9: {  	s3 =	rddreg [dreg:$0x2];
	[bflag:$0x3] =	sbarrier.arrive $0xFFFF;
	s2 =	simm.s32 @!p0 $0x1C05  }
0xba: {  	[timem:s3], [sflag:s2] =	dma.local @!p0 [hbm:s0], s1  }
0xbb: {  	s0 =	simm.s32 @!p0 $0x5  }
0xbc: {  	_ =	swait.ge @!p0 [sflag:s0], s1  }
0xbd: {  	s1 =	ssub.s32 @!p0 $0x0, s1;
	[sflag:s0] =	ssyncset.done @!p0 $0x0  }
0xbe: {  	[sflag:s0] =	ssyncadd.s32 @!p0 s1  }
0xbf: {  	[bflag:$0x3] =	sbarrier.arrive $0xFFFF  }
0xc0: {  	_ =	shalt  }

// kernel: kernel.7.cloned.1.call-start
scs
__scs_entry_jumppad:
0x0: {  	(pc) =	sbr.rel $0x88, $3  }
0x1: {  	(tag) =	ssettag $0x0;
	lr =	simm.s32 $0x1  }
0x2: {  	[smem:$0x3F95] =	sst lr;
	_ =	strace $0xD0000000  }
0x3: {  	_ = 	snop  }
0x4: {  	_ = 	snop  }
0x5: {  	_ = 	snop  }
0x6: {  	_ = 	snop  }
0x7: {  	_ = 	snop  }
__scs_overlays_trampoline_lowered:
0x8: {  	[smem:$0x3FA4] =	sst s0  }
0x9: {  	[smem:$0x3FA5] =	sst s1  }
0xa: {  	[smem:$0x3FA6] =	sst s2  }
0xb: {  	[smem:$0x3FA7] =	sst s3  }
0xc: {  	[smem:$0x3FA8] =	sst s4  }
0xd: {  	[smem:$0x3FA9] =	sst s5  }
0xe: {  	[smem:$0x3FAA] =	sst s6  }
0xf: {  	[smem:$0x3FAB] =	sst s7  }
0x10: {  	[smem:$0x3FAC] =	sst s8  }
0x11: {  	[smem:$0x3FAD] =	sst s9;
	s0 =	simm.s32 @!p0 $0x0  }
0x12: {  	s1 =	sld [smem:$0x3F93];
	s0 =	simm.s32 @p0 $0x1  }
0x13: {  	[smem:$0x3FAE] =	sst s0;
	s0 =	simm.s32 @!p1 $0x0  }
0x14: {  	s2 =	sld [smem:$0x3F92];
	s0 =	simm.s32 @p1 $0x1  }
0x15: {  	[smem:$0x3FAF] =	sst s0;
	s0 =	simm.s32 @!p2 $0x0  }
0x16: {  	s3 =	sld [smem:$0x3FDB];
	s0 =	simm.s32 @p2 $0x1  }
0x17: {  	s4 =	simm.s32 $0x1BF5;
	[smem:$0x3FB1] =	sst s0  }
0x18: {  	s0 =	sld [smem:$0x3F94];
	_ =	swait.ge [sflag:s4], $0x0  }
0x19: {  	s7 =	sld [smem:$0x3F95]  }
0x1a: {  	s8 =	sadd.s32 $0xFFFFE003, lr  }
0x1b: {  	s9 =	sadd.s32 $0xFFFFFEF7, lr;
	s5 =	simm.s32 $0xFFFFFFFF;
	p2 =	slt.u32 s8, $0xFFFFF086  }
0x1c: {  	p1 =	slt.u32 s9, $0xF7A;
	s5 =	simm.s32 @!p2 $0x0  }
0x1d: {  	s5 =	simm.s32 @p1 $0x1;
	p0 =	seq.s32 s7, s2  }
0x1e: {  	s7 =	smul.u32 @!p0 $0xF7A, s2;
	p2 =	seq.s32 @!p0 s5, $0x0  }
0x1f: {  	s9 =	smul.u32 $0xF7A, s1;
	s8 =	simm.s32 @!p0 $0x1BF5;
	p2 =	por !p2, p0  }
0x20: {  	[sflag:s8] =	ssyncset.s32 @!p0 $0xFFFFF086;
	s6 =	sadd.s32 @!p0 s3, s7;
	s7 =	simm.s32 @!p0 $0x108  }
0x21: {  	s3 =	sadd.s32 s3, s9;
	s6 =	sadd.s32 @!p0 $0x88, s6;
	s7 =	simm.s32 @p2 $0x1082  }
0x22: {  	[simem:s7], [sflag:s8] =	dma.local @!p0 [hbm:s6], $0xF7A  }
0x23: {  	s9 =	sor.u32 $0xD0000000, s2;
	s6 =	simm.s32 $0x108;
	_ =	swait.ge @!p0 [sflag:s8], $0x0  }
0x24: {  	s3 =	sadd.s32 $0x88, s3;
	s6 =	simm.s32 @!p1 $0x1082;
	[sflag:s4] =	ssyncset.s32 $0xFFFFF086  }
0x25: {  	[simem:s6], [sflag:s4] =	dma.local [hbm:s3], $0xF7A  }
0x26: {  	[smem:$0x3F95] =	sst s1;
	(tag) =	ssettag s2;
	_ =	strace s9  }
0x27: {  	s1 =	sld [smem:$0x3FA5]  }
0x28: {  	s2 =	sld [smem:$0x3FA6]  }
0x29: {  	s4 =	sld [smem:$0x3FA8]  }
0x2a: {  	p0 =	seq.s32 s5, $0x0;
	s5 =	sld [smem:$0x3FA9]  }
0x2b: {  	s6 =	sld [smem:$0x3FAA]  }
0x2c: {  	s7 =	sld [smem:$0x3FAB]  }
0x2d: {  	s3 =	simm.s32 $0x108;
	s8 =	sld [smem:$0x3FAC]  }
0x2e: {  	s3 =	simm.s32 @!p0 $0x1082;
	s9 =	sld [smem:$0x3FAD]  }
0x2f: {  	lr =	sadd.s32 s0, s3;
	s0 =	sld [smem:$0x3FA4]  }
0x30: {  	s3 =	sld [smem:$0x3FA7]  }
0x31: {  	[smem:$0x3FB0] =	sst s10  }
0x32: {  	s10 =	sld [smem:$0x3FAE];
	_ =	sdelay $0x3  }
0x33: {  	p0 =	seq.s32 s10, $0x1;
	s10 =	sld [smem:$0x3FB0];
	_ =	sdelay $0x3  }
0x34: {  	[smem:$0x3FB0] =	sst s10  }
0x35: {  	s10 =	sld [smem:$0x3FAF];
	_ =	sdelay $0x3  }
0x36: {  	p1 =	seq.s32 s10, $0x1;
	s10 =	sld [smem:$0x3FB0];
	_ =	sdelay $0x3  }
0x37: {  	[smem:$0x3FB0] =	sst s10  }
0x38: {  	s10 =	sld [smem:$0x3FB1]  }
0x39: {  	_ = 	snop;
	(pc) =	sbr.ind lr, $3  }
0x3a: {  	_ = 	snop  }
0x3b: {  	_ = 	snop  }
0x3c: {  	p2 =	seq.s32 s10, $0x1;
	s10 =	sld [smem:$0x3FB0]  }
0x3d: {  	_ =	shalt  }
0x3e: {  	_ =	shalt  }
0x3f: {  	_ =	shalt  }
0x40: {  	_ =	shalt  }
0x41: {  	_ =	shalt  }
0x42: {  	_ =	shalt  }
0x43: {  	_ =	shalt  }
0x44: {  	_ =	shalt  }
0x45: {  	_ =	shalt  }
0x46: {  	_ =	shalt  }
0x47: {  	_ =	shalt  }
0x48: {  	_ =	shalt  }
0x49: {  	_ =	shalt  }
0x4a: {  	_ =	shalt  }
0x4b: {  	_ =	shalt  }
0x4c: {  	_ =	shalt  }
0x4d: {  	_ =	shalt  }
0x4e: {  	_ =	shalt  }
0x4f: {  	_ =	shalt  }
0x50: {  	_ =	shalt  }
0x51: {  	_ =	shalt  }
0x52: {  	_ =	shalt  }
0x53: {  	_ =	shalt  }
0x54: {  	_ =	shalt  }
0x55: {  	_ =	shalt  }
0x56: {  	_ =	shalt  }
0x57: {  	_ =	shalt  }
0x58: {  	_ =	shalt  }
0x59: {  	_ =	shalt  }
0x5a: {  	_ =	shalt  }
0x5b: {  	_ =	shalt  }
0x5c: {  	_ =	shalt  }
0x5d: {  	_ =	shalt  }
0x5e: {  	_ =	shalt  }
0x5f: {  	_ =	shalt  }
0x60: {  	_ =	shalt  }
0x61: {  	_ =	shalt  }
0x62: {  	_ =	shalt  }
0x63: {  	_ =	shalt  }
0x64: {  	_ =	shalt  }
0x65: {  	_ =	shalt  }
0x66: {  	_ =	shalt  }
0x67: {  	_ =	shalt  }
0x68: {  	_ =	shalt  }
0x69: {  	_ =	shalt  }
0x6a: {  	_ =	shalt  }
0x6b: {  	_ =	shalt  }
0x6c: {  	_ =	shalt  }
0x6d: {  	_ =	shalt  }
0x6e: {  	_ =	shalt  }
0x6f: {  	_ =	shalt  }
0x70: {  	_ =	shalt  }
0x71: {  	_ =	shalt  }
0x72: {  	_ =	shalt  }
0x73: {  	_ =	shalt  }
0x74: {  	_ =	shalt  }
0x75: {  	_ =	shalt  }
0x76: {  	_ =	shalt  }
0x77: {  	_ =	shalt  }
0x78: {  	_ =	shalt  }
0x79: {  	_ =	shalt  }
0x7a: {  	_ =	shalt  }
0x7b: {  	_ =	shalt  }
0x7c: {  	_ =	shalt  }
0x7d: {  	_ =	shalt  }
0x7e: {  	_ =	shalt  }
0x7f: {  	_ =	shalt  }
0x80: {  	_ =	shalt  }
0x81: {  	_ =	shalt  }
0x82: {  	_ =	shalt  }
0x83: {  	_ =	shalt  }
0x84: {  	_ =	shalt  }
0x85: {  	_ =	shalt  }
0x86: {  	_ =	shalt  }
0x87: {  	_ =	shalt  }
.Lfunc_end0:
.L_simem_size_0:
called_computation_lowered:
.L_overlay_start_0:
0x88: {  	s2 =	sld [smem:$0x3FD9]  }
0x89: {  	s3 =	sld [smem:$0x3FFE];
	_ =	sdelay $0x1  }
0x8a: {  	s1 =	srdreg.scid  }
0x8b: {  	s0 =	sand.u32 $0x1, s1  }
0x8c: {  	s16 =	sshll.u32 s0, $0xA;
	s2 =	sadd.s32 s3, s2  }
0x8d: {  	s2 =	sadd.s32 s2, s16  }
0x8e: {  	[smem:$0x3FBC] =	sst s2  }
0x8f: {  	_ = 	snop  }
0x90: {  	(tm) =	ssettm $0x1  }
0x91: {  	s17 =	sld [smem:$0x3FFB];
	_ =	sdelay $0x3  }
0x92: {  	_ =	strace s17  }
0x93: {  	s2 =	sld [smem:$0x3FFC];
	_ =	sdelay $0x3  }
0x94: {  	_ =	strace s2  }
0x95: {  	s2 =	sld [smem:$0x3FFD];
	_ =	sdelay $0x3  }
0x96: {  	_ =	strace s2  }
0x97: {  	_ =	strace $0x8FFFFFFF  }
0x98: {  	s18 =	sld [smem:$0x3FDB];
	_ =	sdelay $0x1  }
0x99: {  	s19 =	simm.s32 $_scs_section_size  }
0x9a: {  	s4 =	simm.s32 $_size__tile_overlayer_lowered;
	s5 =	simm.s32 $_tile_overlayer_lowered  }
0x9b: {  	s22 =	simm.s32 $0x1BFF;
	s21 =	sshll.u32 s5, $0x1;
	s2 =	sadd.s32 s19, s18  }
0x9c: {  	s6 =	simm.s32 $0x0;
	s20 =	sshll.u32 s4, $0x1;
	s4 =	sadd.s32 s21, s2  }
0x9d: {  	[timem:s6], [sflag:s22] =	dma.local [hbm:s4], s20  }
0x9e: {  	_ =	swait.ge [sflag:s22], s20  }
0x9f: {  	s3 =	ssub.s32 $0x0, s20;
	[sflag:s22] =	ssyncset.done $0x0  }
0xa0: {  	[sflag:s22] =	ssyncadd.s32 s3;
	_ =	sdelay $0x1  }
0xa1: {  	s23 =	simm.s32 $0x1B8B  }
0xa2: {  	_ =	swait.ge [sflag:s23], $0x1  }
0xa3: {  	[sflag:s23] =	ssyncset.done $0x0  }
0xa4: {  	s25 =	simm.s32 $0x1B8E;
	s24 =	sld [smem:$0x3FFE];
	[sflag:s23] =	ssyncadd.s32 $0xFFFFFFFF  }
0xa5: {  	s26 =	simm.s32 $execute0_lowered;
	[smem:$0x3FD2] =	sst s25  }
0xa6: {  	s4 =	sshll.u32 s26, $0x1;
	_ =	strace $0x80000046;
	[dreg:$0x1] =	wrdreg $0xFFFFFFFF  }
0xa7: {  	s28 =	simm.s32 $_size_execute0_lowered;
	s2 =	sadd.s32 s2, s4;
	[dreg:$0x0] =	wrdreg $0x0  }
0xa8: {  	s4 =	sshll.u32 s28, $0x1;
	[dreg:$0x2] =	wrdreg s2  }
0xa9: {  	[dreg:$0x3] =	wrdreg s4  }
0xaa: {  	[dreg:$0x4] =	wrdreg $0xC0  }
0xab: {  	_ =	task [dreg:s6], $0x5FFFF  }
0xac: {  	[dreg:$0x1] =	wrdreg $0xFFFFFFFF  }
0xad: {  	[dreg:$0x0] =	wrdreg $0x60  }
0xae: {  	[dreg:$0x2] =	wrdreg s24  }
0xaf: {  	[dreg:$0x3] =	wrdreg $0x0  }
0xb0: {  	[dreg:$0x4] =	wrdreg $0x9  }
0xb1: {  	_ =	task.clear_ibuf [dreg:s6], $0x5FFFF;
	_ =	strace $0x90000046  }
0xb2: {  	s29 =	simm.s32 $0x9;
	_ =	strace $0x80000048  }
0xb3: {  	_ =	swait.ge [sflag:s29], $0x1  }
0xb4: {  	[sflag:s29] =	ssyncadd.s32 $0xFFFFFFFF  }
0xb5: {  	_ =	strace $0x90000048  }
0xb6: {  	_ =	sfence  }
0xb7: {  	s30 =	sld [smem:$0x0];
	_ =	sdelay $0x2  }
0xb8: {  	s31 =	sshll.u32 s1, $0xD;
	s1 =	sshrl.u32 s1, $0x2  }
0xb9: {  	s3 =	sand.u32 $0x4000, s31;
	s1 =	sadd.s32 s1, s30  }
0xba: {  	s0 =	sor.u32 s3, s0;
	s1 =	sshll.u32 s1, $0x11  }
0xbb: {  	s0 =	sor.u32 s1, s0  }
0xbc: {  	s0 =	sadd.s32 $0x8F2B, s0  }
0xbd: {  	[sflag:s0] =	ssyncadd.remote.s32 $0x1  }
0xbe: {  	_ =	sfence.sel $0xFFFF  }
0xbf: {  	[dreg:$0x0] =	wrdreg $0xFFFFFFFF;
	(pc) =	sbr.abs _section_cstart, $3  }
0xc0: {  	[dreg:$0x1] =	wrdreg $0xFFFFFFFF  }
0xc1: {  	_ =	task.clear_ibuf [dreg:s6], $0x2FFFF;
	_ =	strace $0x9FFFFFFF  }
0xc2: {  	(tm) =	ssettm $0x7FFFFFFF  }
0xc3: {  	_ =	shalt  }
tec
execute0_lowered:
.L_overlay_start_1:
0x0: {  	(tag) =	ssettag $0x1  }
0x1: {  	s6 =	rddreg [dreg:$0x0];
	s1 =	srdreg.scid  }
0x2: {  	s0 =	stileid.u32;
	s2 =	rddreg [dreg:$0x1];
	s3 =	simm.s32 $0x0  }
0x3: {  	s21 =	simm.s32 $0x16800;
	s22 =	simm.s32 $0x80;
	s23 =	simm.s32 $0x14080  }
0x4: {  	s24 =	simm.s32 $0x14100;
	s25 =	simm.s32 $0x14180;
	s26 =	simm.s32 $0x1  }
0x5: {  	s28 =	simm.s32 $0x2;
	s29 =	simm.s32 $0x0;
	s8 =	sand.u32 $0x1, s1  }
0x6: {  	s4 =	sshll.u32 s0, $0x1;
	[smem:$0x7FF] =	sst s3;
	s9 =	smul.u32 $0x50000, s0  }
0x7: {  	s16 =	sadd.s32 $0x19800, s6;
	s11 =	smul.u32 $0x14000, s0;
	s4 =	sor.u32 s8, s4  }
0x8: {  	_ =	strace $0x80000047;
	s7 =	ssub.s32 $0x2, s8;
	s15 =	smul.u32 $0x140000, s8  }
0x9: {  	s4 =	smul.u32 $0x500, s4;
	s10 =	sshrl.u32 s7, $0x1;
	s31 =	sshrl.u32 s9, $0x2  }
0xa: {  	s12 =	sadd.s32 $0x4000, s11;
	s14 =	sadd.s32 $0x8000, s11;
	s18 =	sadd.s32 $0xC000, s11  }
0xb: {  	s19 =	sadd.s32 $0x10000, s11;
	s17 =	ssub.s32 s7, s10;
	s7 =	sadd.s32 s31, s2  }
0xc: {  	s8 =	sadd.s32 s12, s2;
	s9 =	sadd.s32 s14, s2;
	s10 =	sadd.s32 s18, s2  }
0xd: {  	s13 =	sadd.s32 s11, s15;
	s12 =	sadd.s32 s15, s12;
	s11 =	sadd.s32 s19, s2  }
0xe: {  	s14 =	sadd.s32 s15, s14;
	s18 =	sadd.s32 s15, s18;
	s15 =	sadd.s32 s15, s19  }
0xf: {  	s5 =	sadd.s32 s4, s6;
	s4 =	sadd.s32 $0x16800, s6;
	s6 =	sadd.s32 $0x17000, s6  }
0x10: {  	s13 =	sshrl.u32 s13, $0x3;
	s20 =	sshrl.u32 s12, $0x3;
	s14 =	sshrl.u32 s14, $0x3  }
0x11: {  	s18 =	sshrl.u32 s18, $0x3;
	s19 =	sshrl.u32 s15, $0x3;
	s17 =	smax.u32 s17, $0x1  }
0x12: {  	s5 =	sadd.s32 $0xC800, s5;
	s12 =	sadd.s32 s16, s13;
	s13 =	sadd.s32 s16, s20  }
0x13: {  	s14 =	sadd.s32 s16, s14;
	s15 =	sadd.s32 s16, s18;
	s16 =	sadd.s32 s16, s19  }
0x14: {  	s18 =	simm.s32 $0x14000;
	s19 =	simm.s32 $0x3;
	s20 =	simm.s32 $0x1A800  }
.LBB2_1:
0x15: {  	[tilespmem:s18], [sflag:$0x3] =	stream.linear.gather [hbm4b:s5+s3], $0x2800, $0x38;
	[tilespmem:$0x1E800] =	vst v63  }
0x16: {  	_ =	swait.ge [sflag:s19], $0x2800  }
0x17: {  	[sflag:s19] =	ssyncset.done $0x0  }
0x18: {  	[sflag:s19] =	ssyncadd.s32 $0xFFFFD800  }
0x19: {  	[tilespmem:s20], [sflag:$0x3] =	stream.linear.gather [hbm4b:s6+s3], $0x4000, $0x38;
	[tilespmem:$0x1E800] =	vst v63  }
0x1a: {  	_ =	swait.ge [sflag:s19], $0x4000  }
0x1b: {  	[sflag:s19] =	ssyncset.done $0x0  }
0x1c: {  	[sflag:s19] =	ssyncadd.s32 $0xFFFFC000  }
0x1d: {  	[spmem:s7] =	stream.linear.scatter [tilespmem:s20], [sflag:$0x3], $0x4000, $0x38;
	[tilespmem:$0x1E800] =	vst v63  }
0x1e: {  	_ =	swait.ge [sflag:s19], $0x4000  }
0x1f: {  	[sflag:s19] =	ssyncset.done $0x0  }
0x20: {  	[sflag:s19] =	ssyncadd.s32 $0xFFFFC000  }
0x21: {  	[spmem:s8] =	stream.linear.scatter [tilespmem:s20], [sflag:$0x3], $0x4000, $0x38;
	[tilespmem:$0x1E800] =	vst v63  }
0x22: {  	_ =	swait.ge [sflag:s19], $0x4000  }
0x23: {  	[sflag:s19] =	ssyncset.done $0x0  }
0x24: {  	[sflag:s19] =	ssyncadd.s32 $0xFFFFC000  }
0x25: {  	[spmem:s9] =	stream.linear.scatter [tilespmem:s20], [sflag:$0x3], $0x4000, $0x38;
	[tilespmem:$0x1E800] =	vst v63  }
0x26: {  	_ =	swait.ge [sflag:s19], $0x4000  }
0x27: {  	[sflag:s19] =	ssyncset.done $0x0  }
0x28: {  	[sflag:s19] =	ssyncadd.s32 $0xFFFFC000  }
0x29: {  	[spmem:s10] =	stream.linear.scatter [tilespmem:s20], [sflag:$0x3], $0x4000, $0x38;
	[tilespmem:$0x1E800] =	vst v63  }
0x2a: {  	_ =	swait.ge [sflag:s19], $0x4000  }
0x2b: {  	[sflag:s19] =	ssyncset.done $0x0  }
0x2c: {  	[sflag:s19] =	ssyncadd.s32 $0xFFFFC000  }
0x2d: {  	[spmem:s11] =	stream.linear.scatter [tilespmem:s20], [sflag:$0x3], $0x4000, $0x38;
	[tilespmem:$0x1E800] =	vst v63  }
0x2e: {  	_ =	swait.ge [sflag:s19], $0x4000  }
0x2f: {  	[sflag:s19] =	ssyncset.done $0x0  }
0x30: {  	[sflag:s19] =	ssyncadd.s32 $0xFFFFC000  }
0x31: {  	[tilespmem:s21], [sflag:$0x3] =	stream.linear.gather [hbm4b:s4+s3], $0x4000, $0x38;
	[tilespmem:$0x1E800] =	vst v63  }
0x32: {  	_ =	swait.ge [sflag:s19], $0x4000  }
0x33: {  	[sflag:s19] =	ssyncset.done $0x0  }
0x34: {  	[sflag:s19] =	ssyncadd.s32 $0xFFFFC000  }
0x35: {  	[bflag:$0x0] =	sbarrier.arrive $0xFFFF  }
0x36: {  	[spmem:s2] =	stream.indirect.scatter.add.f32 [tilespmem:s21], [sflag:$0x1], $0x80, s18, s22, $0xb8;
	[tilespmem:$0x1E800] =	vst v63  }
0x37: {  	_ = 	snop  }
0x38: {  	[spmem:s2] =	stream.indirect.scatter.add.f32 [tilespmem:s21], [sflag:$0x2], $0x80, s23, s22, $0xb8;
	[tilespmem:$0x1E800] =	vst v63  }
0x39: {  	_ = 	snop  }
0x3a: {  	[spmem:s2] =	stream.indirect.scatter.add.f32 [tilespmem:s21], [sflag:$0x1], $0x80, s24, s22, $0xb8;
	[tilespmem:$0x1E800] =	vst v63  }
0x3b: {  	_ = 	snop  }
0x3c: {  	[spmem:s2] =	stream.indirect.scatter.add.f32 [tilespmem:s21], [sflag:$0x2], $0x80, s25, s22, $0xb8;
	[tilespmem:$0x1E800] =	vst v63  }
0x3d: {  	_ =	swait.ge [sflag:s26], $0x4000  }
0x3e: {  	[sflag:s26] =	ssyncset.done $0x0  }
0x3f: {  	s30 =	simm.s32 $0x14200;
	[sflag:s26] =	ssyncadd.s32 $0xFFFFC000  }
0x40: {  	[spmem:s2] =	stream.indirect.scatter.add.f32 [tilespmem:s21], [sflag:$0x1], $0x80, s30, s22, $0xb8;
	[tilespmem:$0x1E800] =	vst v63  }
0x41: {  	_ =	swait.ge [sflag:s28], $0x4000  }
0x42: {  	[sflag:s28] =	ssyncset.done $0x0  }
0x43: {  	s31 =	simm.s32 $0x14280;
	s30 =	simm.s32 $0xFFFF6C00;
	[sflag:s28] =	ssyncadd.s32 $0xFFFFC000  }
.LBB2_2:
0x44: {  	[spmem:s2] =	stream.indirect.scatter.add.f32 [tilespmem:s21], [sflag:$0x2], $0x80, s31, s22, $0xb8;
	[tilespmem:$0x1E800] =	vst v63  }
0x45: {  	s31 =	smov.u32 s30  }
0x46: {  	p0 =	sne.s32 s30, $0xFFFFFC00;
	s30 =	sadd.s32 $0x400, s30;
	_ =	swait.ge [sflag:s26], $0x4000  }
0x47: {  	s31 =	sshra.s32 s31, $0x2;
	[sflag:s26] =	ssyncset.done $0x0  }
.Ltmp0:
0x48: {  	s1 =	sadd.s32 $0x16800, s31;
	[sflag:s26] =	ssyncadd.s32 $0xFFFFC000;
	(pc) =	sbr.rel @p0 .LBB2_2-.Ltmp0, $4  }
0x49: {  	[spmem:s2] =	stream.indirect.scatter.add.f32 [tilespmem:s21], [sflag:$0x1], $0x80, s1, s22, $0xb8;
	[tilespmem:$0x1E800] =	vst v63  }
0x4a: {  	_ =	swait.ge [sflag:s28], $0x4000  }
0x4b: {  	[sflag:s28] =	ssyncset.done $0x0  }
0x4c: {  	s31 =	sadd.s32 $0x16880, s31;
	[sflag:s28] =	ssyncadd.s32 $0xFFFFC000  }
0x4d: {  	[spmem:s2] =	stream.indirect.scatter.add.f32 [tilespmem:s21], [sflag:$0x2], $0x80, s31, s22, $0xb8;
	[tilespmem:$0x1E800] =	vst v63  }
0x4e: {  	_ =	swait.ge [sflag:s26], $0x4000  }
0x4f: {  	[sflag:s26] =	ssyncset.done $0x0  }
0x50: {  	[sflag:s26] =	ssyncadd.s32 $0xFFFFC000  }
0x51: {  	_ =	swait.ge [sflag:s28], $0x4000  }
0x52: {  	[sflag:s28] =	ssyncset.done $0x0  }
0x53: {  	[sflag:s28] =	ssyncadd.s32 $0xFFFFC000  }
0x54: {  	_ =	swait.ge [sflag:s26], $0x4000  }
0x55: {  	[sflag:s26] =	ssyncset.done $0x0  }
0x56: {  	[sflag:s26] =	ssyncadd.s32 $0xFFFFC000  }
0x57: {  	_ =	swait.ge [sflag:s28], $0x4000  }
0x58: {  	[sflag:s28] =	ssyncset.done $0x0  }
0x59: {  	[sflag:s28] =	ssyncadd.s32 $0xFFFFC000  }
0x5a: {  	[bflag:$0x0] =	sbarrier.arrive $0xFFFF  }
0x5b: {  	[tilespmem:s20], [sflag:$0x3] =	stream.linear.gather [spmem:s7], $0x4000, $0x38;
	[tilespmem:$0x1E800] =	vst v63  }
0x5c: {  	_ =	swait.ge [sflag:s19], $0x4000  }
0x5d: {  	[sflag:s19] =	ssyncset.done $0x0  }
0x5e: {  	[sflag:s19] =	ssyncadd.s32 $0xFFFFC000  }
0x5f: {  	[hbm4b:s12+s3] =	stream.linear.scatter [tilespmem:s20], [sflag:$0x3], $0x4000, $0x38;
	[tilespmem:$0x1E800] =	vst v63  }
0x60: {  	_ =	swait.ge [sflag:s19], $0x4000  }
0x61: {  	[sflag:s19] =	ssyncset.done $0x0  }
0x62: {  	[sflag:s19] =	ssyncadd.s32 $0xFFFFC000  }
0x63: {  	[tilespmem:s20], [sflag:$0x3] =	stream.linear.gather [spmem:s8], $0x4000, $0x38;
	[tilespmem:$0x1E800] =	vst v63  }
0x64: {  	_ =	swait.ge [sflag:s19], $0x4000  }
0x65: {  	[sflag:s19] =	ssyncset.done $0x0  }
0x66: {  	[sflag:s19] =	ssyncadd.s32 $0xFFFFC000  }
0x67: {  	[hbm4b:s13+s3] =	stream.linear.scatter [tilespmem:s20], [sflag:$0x3], $0x4000, $0x38;
	[tilespmem:$0x1E800] =	vst v63  }
0x68: {  	_ =	swait.ge [sflag:s19], $0x4000  }
0x69: {  	[sflag:s19] =	ssyncset.done $0x0  }
0x6a: {  	[sflag:s19] =	ssyncadd.s32 $0xFFFFC000  }
0x6b: {  	[tilespmem:s20], [sflag:$0x3] =	stream.linear.gather [spmem:s9], $0x4000, $0x38;
	[tilespmem:$0x1E800] =	vst v63  }
0x6c: {  	_ =	swait.ge [sflag:s19], $0x4000  }
0x6d: {  	[sflag:s19] =	ssyncset.done $0x0  }
0x6e: {  	[sflag:s19] =	ssyncadd.s32 $0xFFFFC000  }
0x6f: {  	[hbm4b:s14+s3] =	stream.linear.scatter [tilespmem:s20], [sflag:$0x3], $0x4000, $0x38;
	[tilespmem:$0x1E800] =	vst v63  }
0x70: {  	_ =	swait.ge [sflag:s19], $0x4000  }
0x71: {  	[sflag:s19] =	ssyncset.done $0x0  }
0x72: {  	[sflag:s19] =	ssyncadd.s32 $0xFFFFC000  }
0x73: {  	[tilespmem:s20], [sflag:$0x3] =	stream.linear.gather [spmem:s10], $0x4000, $0x38;
	[tilespmem:$0x1E800] =	vst v63  }
0x74: {  	_ =	swait.ge [sflag:s19], $0x4000  }
0x75: {  	[sflag:s19] =	ssyncset.done $0x0  }
0x76: {  	[sflag:s19] =	ssyncadd.s32 $0xFFFFC000  }
0x77: {  	[hbm4b:s15+s3] =	stream.linear.scatter [tilespmem:s20], [sflag:$0x3], $0x4000, $0x38;
	[tilespmem:$0x1E800] =	vst v63  }
0x78: {  	_ =	swait.ge [sflag:s19], $0x4000  }
0x79: {  	[sflag:s19] =	ssyncset.done $0x0  }
0x7a: {  	[sflag:s19] =	ssyncadd.s32 $0xFFFFC000  }
0x7b: {  	[tilespmem:s20], [sflag:$0x3] =	stream.linear.gather [spmem:s11], $0x4000, $0x38;
	[tilespmem:$0x1E800] =	vst v63  }
0x7c: {  	s29 =	sadd.s32 $0x1, s29;
	_ =	swait.ge [sflag:s19], $0x4000  }
0x7d: {  	p0 =	sne.s32 s29, s17;
	[sflag:s19] =	ssyncset.done $0x0  }
.Ltmp1:
0x7e: {  	[sflag:s19] =	ssyncadd.s32 $0xFFFFC000;
	(pc) =	sbr.rel @p0 .LBB2_1-.Ltmp1, $4  }
0x7f: {  	[hbm4b:s16+s3] =	stream.linear.scatter [tilespmem:s20], [sflag:$0x3], $0x4000, $0x38;
	[tilespmem:$0x1E800] =	vst v63  }
0x80: {  	_ =	swait.ge [sflag:s19], $0x4000  }
0x81: {  	[sflag:s19] =	ssyncset.done $0x0  }
0x82: {  	[sflag:s19] =	ssyncadd.s32 $0xFFFFC000  }
0x83: {  	_ =	sfence.sel $0x180000  }
0x84: {  	[bflag:$0x0] =	sbarrier.arrive $0xFFFF  }
0x85: {  	_ =	strace $0x90000047  }
0x86: {  	[bflag:$0x2] =	sbarrier.arrive $0xFFFF  }
0x87: {  	p0 =	sne.s32 s0, $0x0;
	s0 =	rddreg [dreg:$0x2]  }
0x88: {  	s0 =	sadd.s32 @!p0 $0x100000, s0  }
0x89: {  	[sflag:s0] =	ssyncadd.tile.s32 @!p0 $0x1;
	_ =	shalt  }
.Lfunc_end2:
_tile_overlayer_lowered:
.L_overlay_start_2:
0x8a: {  	(tag) =	ssettag $0x2  }
0x8b: {  	s0 =	rddreg [dreg:$0x0];
	s2 =	stileid.u32  }
0x8c: {  	s1 =	rddreg [dreg:$0x1];
	p0 =	sne.s32 s2, $0x0  }
0x8d: {  	s3 =	rddreg [dreg:$0x2];
	[bflag:$0x3] =	sbarrier.arrive $0xFFFF;
	s2 =	simm.s32 @!p0 $0x1C03  }
0x8e: {  	[timem:s3], [sflag:s2] =	dma.local @!p0 [hbm:s0], s1  }
0x8f: {  	s0 =	simm.s32 @!p0 $0x3  }
0x90: {  	_ =	swait.ge @!p0 [sflag:s0], s1  }
0x91: {  	s1 =	ssub.s32 @!p0 $0x0, s1;
	[sflag:s0] =	ssyncset.done @!p0 $0x0  }
0x92: {  	[sflag:s0] =	ssyncadd.s32 @!p0 s1  }
0x93: {  	[bflag:$0x3] =	sbarrier.arrive $0xFFFF  }
0x94: {  	_ =	shalt  }

</sc_bundles>
